<compile_context>
chip_gen: v7x
topology: tpu7x:2x2x1
jax: 0.10.2.dev20260603
libtpu: 0.0.44.dev20260713+nightly
codegen_flags: <defaults>
</compile_context>

<pallas_src>
import functools

import jax
import jax.numpy as jnp
from jax import lax
from jax.experimental import pallas as pl
from jax.experimental.pallas import tpu as pltpu
from jax.experimental.pallas import tpu_sc as plsc

N = 1024
E = 32768
D_IN = 128
H = 64
ALPHA = 0.7
EPS = 1e-16
NEG_SLOPE = 0.2


def _gcn_dense(adj, dinv, h):
    return dinv * jnp.dot(adj, dinv * h, preferred_element_type=jnp.float32)


def _gat_prep(hg, a_s, a_d, we, ae, ew2d):
    als = jnp.dot(hg, a_s, preferred_element_type=jnp.float32)
    ald = jnp.dot(hg, a_d, preferred_element_type=jnp.float32)
    c = jnp.dot(we, ae, preferred_element_type=jnp.float32)
    c0 = c[0, 0]
    mew = jnp.mean(ew2d)
    maxew = jnp.max(ew2d)
    minew = jnp.min(ew2d)
    max_ale = jnp.maximum(jnp.maximum(c0 * maxew, c0 * minew), c0 * mew)
    cbound = jnp.maximum(jnp.max(als) + jnp.max(ald) + max_ale, 0.0)
    misc = jnp.concatenate(
        [
            jnp.full((1, 16), c0, jnp.float32),
            jnp.full((1, 16), c0 * mew, jnp.float32),
            jnp.full((1, 16), cbound, jnp.float32),
            jnp.zeros((5, 16), jnp.float32),
        ],
        axis=0,
    )
    return als, ald, misc


def _t1_body(x_ref, adj_ref, w1a_ref, b1a_ref, wg1_ref, as1_ref, ad1_ref,
             we1_ref, ae1_ref, ew_ref,
             xa1_ref, hg1_ref, als_ref, ald_ref, dinv_ref, misc_ref):
    adj = adj_ref[...]
    deg = jnp.sum(adj, axis=1, keepdims=True)
    dinv = jax.lax.rsqrt(deg)
    dinv_ref[...] = dinv
    x = x_ref[...]
    h1 = jnp.dot(x, w1a_ref[...], preferred_element_type=jnp.float32)
    xa1_ref[...] = jnp.maximum(_gcn_dense(adj, dinv, h1) + b1a_ref[...], 0.0)
    hg = jnp.dot(x, wg1_ref[...], preferred_element_type=jnp.float32)
    hg1_ref[...] = hg
    als, ald, misc = _gat_prep(hg, as1_ref[...], ad1_ref[...], we1_ref[...],
                               ae1_ref[...], ew_ref[...])
    als_ref[...] = als
    ald_ref[...] = ald
    misc_ref[...] = misc


def _t2_body(adj_ref, dinv_ref, xa1_ref, hg1_ref, e1_ref,
             w2a_ref, b2a_ref, wg2_ref, as2_ref, ad2_ref, we2_ref, ae2_ref,
             bg1_ref, ew_ref,
             xa2_ref, hg2_ref, als_ref, ald_ref, misc_ref):
    adj = adj_ref[...]
    dinv = dinv_ref[...]
    e1 = e1_ref[...]
    denom = jnp.sum(e1, axis=1, keepdims=True) + EPS
    agg = jnp.dot(e1, hg1_ref[...], preferred_element_type=jnp.float32)
    xd1 = jnp.maximum(agg / denom + bg1_ref[...], 0.0)
    h2 = jnp.dot(xa1_ref[...], w2a_ref[...], preferred_element_type=jnp.float32)
    xa2_ref[...] = jnp.maximum(_gcn_dense(adj, dinv, h2) + b2a_ref[...], 0.0)
    hg = jnp.dot(xd1, wg2_ref[...], preferred_element_type=jnp.float32)
    hg2_ref[...] = hg
    als, ald, misc = _gat_prep(hg, as2_ref[...], ad2_ref[...], we2_ref[...],
                               ae2_ref[...], ew_ref[...])
    als_ref[...] = als
    ald_ref[...] = ald
    misc_ref[...] = misc


def _t3_body(adj_ref, dinv_ref, xa2_ref, hg2_ref, e2_ref,
             bg2_ref, w3_ref, b3_ref, p1a_ref, p1b_ref, pb1_ref,
             a_ref, bt_ref):
    adj = adj_ref[...]
    dinv = dinv_ref[...]
    e2 = e2_ref[...]
    denom = jnp.sum(e2, axis=1, keepdims=True) + EPS
    agg = jnp.dot(e2, hg2_ref[...], preferred_element_type=jnp.float32)
    xd2 = jnp.maximum(agg / denom + bg2_ref[...], 0.0)
    xc = ALPHA * xa2_ref[...] + (1.0 - ALPHA) * xd2
    h3 = jnp.dot(xc, w3_ref[...], preferred_element_type=jnp.float32)
    hh = jnp.maximum(_gcn_dense(adj, dinv, h3) + b3_ref[...], 0.0)
    a_ref[...] = (
        jnp.dot(hh, p1a_ref[...], preferred_element_type=jnp.float32)
        + pb1_ref[...]
    )
    bt_ref[...] = jax.lax.dot_general(
        p1b_ref[...], hh, (((0,), (1,)), ((), ())),
        preferred_element_type=jnp.float32)


def _pair_fused_body(adj_ref, dinv_ref, xa2_ref, hg2_ref, e2_ref,
                     bg2_ref, w3_ref, b3_ref, p1a_ref, p1b_ref, pb1_ref,
                     p2_ref, pb2_ref, out_ref, a_s, bt_s):
    i = pl.program_id(0)

    @pl.when(i == 0)
    def _():
        adj = adj_ref[...]
        dinv = dinv_ref[...]
        e2 = e2_ref[...]
        denom = jnp.sum(e2, axis=1, keepdims=True) + EPS
        agg = jnp.dot(e2, hg2_ref[...], preferred_element_type=jnp.float32)
        xd2 = jnp.maximum(agg / denom + bg2_ref[...], 0.0)
        xc = ALPHA * xa2_ref[...] + (1.0 - ALPHA) * xd2
        h3 = jnp.dot(xc, w3_ref[...], preferred_element_type=jnp.float32)
        hh = jnp.maximum(_gcn_dense(adj, dinv, h3) + b3_ref[...], 0.0)
        a_s[...] = (
            jnp.dot(hh, p1a_ref[...], preferred_element_type=jnp.float32)
            + pb1_ref[...]
        )
        bt_s[...] = jax.lax.dot_general(
            p1b_ref[...], hh, (((0,), (1,)), ((), ())),
            preferred_element_type=jnp.float32)

    bi = out_ref.shape[0]
    a = a_s[pl.ds(i * bi, bi), :]
    bt = bt_s[...]
    acc = jnp.zeros(out_ref.shape, jnp.float32)
    for k in range(H):
        acc = acc + jnp.maximum(a[:, k:k + 1] + bt[k:k + 1, :], 0.0) \
            * p2_ref[k:k + 1, :]
    z = acc + pb2_ref[...]
    out_ref[...] = 1.0 / (1.0 + jnp.exp(-z))



_NC = 2
_NS = 16
_NW = _NC * _NS
_EF = E + N
_EPT = _EF // _NS
_RPW = N // _NW
_CPB = 16


def _sc_mesh():
    return plsc.VectorSubcoreMesh(core_axis_name="c", subcore_axis_name="s")


def _scatter_phase(pv, valv, buf, wid, ones=None):
    row0 = wid * _RPW

    @plsc.parallel_loop(0, _EF // 16, unroll=8)
    def body(i):
        off = i * 16
        p16 = pv[pl.ds(off, 16)]
        s16 = jnp.bitwise_and(p16, 0xFFFF)
        d16 = jnp.right_shift(p16, 16)
        rows = d16 - row0
        mask = plsc.bitcast(rows, jnp.uint32) < _RPW
        v16 = ones if ones is not None else valv[pl.ds(off, 16)]
        plsc.addupdate_scatter(buf, [rows, s16], v16, mask=mask)


def _gat_vals(pv, ewv, myv, alsv, aldv, miscv, ebase, lanes):
    c16 = miscv[pl.ds(0, 16)]
    selfe16 = miscv[pl.ds(16, 16)]
    cb16 = miscv[pl.ds(32, 16)]

    @plsc.parallel_loop(0, _EPT // 16, unroll=8)
    def val_body(i):
        off = i * 16
        p16 = pv[pl.ds(ebase + off, 16)]
        s16 = jnp.bitwise_and(p16, 0xFFFF)
        d16 = jnp.right_shift(p16, 16)
        ew16 = ewv[pl.ds(off, 16)]
        gi = ebase + off + lanes
        as16 = plsc.load_gather(alsv, [s16])
        ad16 = plsc.load_gather(aldv, [d16])
        ale = jnp.where(gi < E, c16 * ew16, selfe16)
        pre = as16 + ad16 + ale
        alpha = jnp.maximum(pre, NEG_SLOPE * pre)
        myv[pl.ds(off, 16)] = jnp.exp(alpha - cb16)


def _adj_pallas(sd_packed, zeros2d):
    @functools.partial(
        pl.kernel,
        out_type=jax.ShapeDtypeStruct((N, N), jnp.float32),
        mesh=_sc_mesh(),
        compiler_params=pltpu.CompilerParams(needs_layout_passes=False),
        scratch_types=[
            pltpu.VMEM((_EF,), jnp.int32),
            pltpu.VMEM((_RPW, N), jnp.float32),
            pltpu.SemaphoreType.DMA,
        ],
    )
    def k(p_ref, z_ref, out_ref, pv, buf, sem):
        cid = lax.axis_index("c")
        sid = lax.axis_index("s")
        wid = sid * _NC + cid
        loads = [
            pltpu.async_copy(p_ref, pv, sem),
            pltpu.async_copy(z_ref.at[pl.ds(wid * _RPW, _RPW), :], buf, sem),
        ]
        for c in loads:
            c.wait()
        ones = jnp.full((16,), 1.0, jnp.float32)
        _scatter_phase(pv, None, buf, wid, ones=ones)
        pltpu.sync_copy(buf, out_ref.at[pl.ds(wid * _RPW, _RPW), :])

    return k(sd_packed, zeros2d)


def _gat_pallas(sd_packed, ew_pad, als, ald, misc, zeros2d):
    @functools.partial(
        pl.kernel,
        out_type=jax.ShapeDtypeStruct((N, N), jnp.float32),
        mesh=_sc_mesh(),
        compiler_params=pltpu.CompilerParams(needs_layout_passes=False),
        scratch_types=[
            pltpu.VMEM((_EF,), jnp.int32),
            pltpu.VMEM((_EF,), jnp.float32),
            pltpu.VMEM((_EPT,), jnp.float32),
            pltpu.VMEM((_EPT,), jnp.float32),
            pltpu.VMEM((_RPW, N), jnp.float32),
            pltpu.VMEM((N,), jnp.float32),
            pltpu.VMEM((N,), jnp.float32),
            pltpu.VMEM((128,), jnp.float32),
            pltpu.VMEM_SHARED((_EF,), jnp.float32),
            pltpu.SemaphoreType.DMA,
        ],
    )
    def k(p_ref, ew_ref, als_ref, ald_ref, misc_ref, z_ref, out_ref,
          pv, valv, myv, ewv, buf, alsv, aldv, miscv, xch, sem):
        cid = lax.axis_index("c")
        sid = lax.axis_index("s")
        wid = sid * _NC + cid
        ebase = sid * _EPT
        loads = [
            pltpu.async_copy(p_ref, pv, sem),
            pltpu.async_copy(ew_ref.at[pl.ds(ebase, _EPT)], ewv, sem),
            pltpu.async_copy(als_ref, alsv, sem),
            pltpu.async_copy(ald_ref, aldv, sem),
            pltpu.async_copy(misc_ref, miscv, sem),
            pltpu.async_copy(z_ref.at[pl.ds(wid * _RPW, _RPW), :], buf, sem),
        ]
        for c in loads:
            c.wait()
        lanes = lax.iota(jnp.int32, 16)
        _gat_vals(pv, ewv, myv, alsv, aldv, miscv, ebase, lanes)
        pltpu.sync_copy(myv, xch.at[pl.ds(ebase, _EPT)])
        plsc.subcore_barrier()
        pltpu.sync_copy(xch, valv)

        _scatter_phase(pv, valv, buf, wid)
        pltpu.sync_copy(buf, out_ref.at[pl.ds(wid * _RPW, _RPW), :])

    return k(sd_packed, ew_pad, als, ald, misc, zeros2d)


def kernel(x, edge_index_above, edge_index_distance, edge_weights_distance,
           W1a, b1a, Wg1, as1, ad1, We1, ae1, bg1,
           W2a, b2a, Wg2, as2, ad2, We2, ae2, bg2,
           W3, b3, P1, pb1, P2, pb2):
    f32 = jnp.float32
    sa, da = edge_index_above[0], edge_index_above[1]
    sd, dd = edge_index_distance[0], edge_index_distance[1]
    loop = jnp.arange(N, dtype=sa.dtype)
    sa_f = jnp.concatenate([sa, loop])
    da_f = jnp.concatenate([da, loop])
    sd_f = jnp.concatenate([sd, loop])
    dd_f = jnp.concatenate([dd, loop])
    ew = edge_weights_distance
    ew2d = ew.reshape(E // 128, 128)
    ew_pad = jnp.concatenate([ew, jnp.zeros((N,), f32)])
    zeros2d = jnp.zeros((N, N), f32)
    sd_pack_a = jnp.left_shift(da_f, 16) | sa_f
    sd_pack_d = jnp.left_shift(dd_f, 16) | sd_f


    b1a_2 = b1a.reshape(1, H)
    bg1_2 = bg1.reshape(1, H)
    b2a_2 = b2a.reshape(1, H)
    bg2_2 = bg2.reshape(1, H)
    b3_2 = b3.reshape(1, H)
    pb1_2 = pb1.reshape(1, H)
    pb2_2 = pb2.reshape(1, 1)
    as1_2, ad1_2 = as1.reshape(H, 1), ad1.reshape(H, 1)
    as2_2, ad2_2 = as2.reshape(H, 1), ad2.reshape(H, 1)
    ae1_2, ae2_2 = ae1.reshape(H, 1), ae2.reshape(H, 1)

    t0 = pl.pallas_call(
        _t1_body,
        out_shape=(
            jax.ShapeDtypeStruct((N, H), f32),
            jax.ShapeDtypeStruct((N, H), f32),
            jax.ShapeDtypeStruct((N, 1), f32),
            jax.ShapeDtypeStruct((N, 1), f32),
            jax.ShapeDtypeStruct((N, 1), f32),
            jax.ShapeDtypeStruct((8, 16), f32),
        ),
    )
    adj = _adj_pallas(sd_pack_a, zeros2d)
    xa1, hg1, als1, ald1, dinv, misc1 = t0(
        x, adj, W1a, b1a_2, Wg1, as1_2, ad1_2, We1, ae1_2, ew2d)

    e1 = _gat_pallas(sd_pack_d, ew_pad, als1.reshape(N), ald1.reshape(N),
                     misc1.reshape(128), zeros2d)

    t2 = pl.pallas_call(
        _t2_body,
        out_shape=(
            jax.ShapeDtypeStruct((N, H), f32),
            jax.ShapeDtypeStruct((N, H), f32),
            jax.ShapeDtypeStruct((N, 1), f32),
            jax.ShapeDtypeStruct((N, 1), f32),
            jax.ShapeDtypeStruct((8, 16), f32),
        ),
    )
    xa2, hg2, als2, ald2, misc2 = t2(
        adj, dinv, xa1, hg1, e1, W2a, b2a_2, Wg2, as2_2, ad2_2, We2, ae2_2,
        bg1_2, ew2d)

    e2 = _gat_pallas(sd_pack_d, ew_pad, als2.reshape(N), ald2.reshape(N),
                     misc2.reshape(128), zeros2d)

    BI = 256
    full = lambda shape: pl.BlockSpec(shape, lambda i: (0,) * len(shape))
    pair = pl.pallas_call(
        _pair_fused_body,
        grid=(N // BI,),
        in_specs=[
            full((N, N)),
            full((N, 1)),
            full((N, H)),
            full((N, H)),
            full((N, N)),
            full((1, H)),
            full((H, H)),
            full((1, H)),
            full((H, H)),
            full((H, H)),
            full((1, H)),
            full((H, 1)),
            full((1, 1)),
        ],
        out_specs=pl.BlockSpec((BI, N), lambda i: (i, 0)),
        out_shape=jax.ShapeDtypeStruct((N, N), f32),
        scratch_shapes=[
            pltpu.VMEM((N, H), f32),
            pltpu.VMEM((H, N), f32),
        ],
    )
    out2d = pair(adj, dinv, xa2, hg2, e2, bg2_2, W3, b3_2, P1[:H], P1[H:],
                 pb1_2, P2, pb2_2)
    return out2d.reshape(N * N)

# --- scband reference (transcript-rebuilt; emitter-appended) ---
"""Pipeline reference for scband-weighted-dual-edge-predictor-55980603736434 (READ-ONLY COPY).

The authoritative reference and input builder live on the scoring server;
editing this copy changes nothing except your own understanding.
"""

import jax, jax.numpy as jnp
import numpy as np

N = 1024
E = 32768
D_IN = 128
H = 64
ALPHA = 0.7


def _gcn(x, src, dst, W, b):
    n = x.shape[0]
    loop = jnp.arange(n, dtype=src.dtype)
    s = jnp.concatenate([src, loop])
    d = jnp.concatenate([dst, loop])
    deg = jnp.zeros((n,), dtype=x.dtype).at[d].add(1.0)
    dinv = jax.lax.rsqrt(deg)
    norm = dinv[s] * dinv[d]
    h = x @ W
    out = jnp.zeros((n, W.shape[1]), dtype=x.dtype).at[d].add(h[s] * norm[:, None])
    return out + b


def _gat(x, src, dst, ew, W, a_src, a_dst, W_e, a_e, b):
    n = x.shape[0]
    loop = jnp.arange(n, dtype=src.dtype)
    s = jnp.concatenate([src, loop])
    d = jnp.concatenate([dst, loop])
    ew_full = jnp.concatenate([ew, jnp.full((n,), jnp.mean(ew), dtype=ew.dtype)])
    h = x @ W
    al_s = h @ a_src
    al_d = h @ a_dst
    e_proj = ew_full[:, None] @ W_e
    al_e = e_proj @ a_e
    alpha = jax.nn.leaky_relu(al_s[s] + al_d[d] + al_e, negative_slope=0.2)
    amax = jax.ops.segment_max(alpha, d, num_segments=n)
    ex = jnp.exp(alpha - amax[d])
    denom = jax.ops.segment_sum(ex, d, num_segments=n)
    att = ex / (denom[d] + 1e-16)
    out = jnp.zeros((n, W.shape[1]), dtype=x.dtype).at[d].add(h[s] * att[:, None])
    return out + b


def setup_inputs(seed: int = 0):
    key = jax.random.key(seed)
    ks = jax.random.split(key, 30)

    def p(i, shape, scale=0.1):
        return jax.random.normal(ks[i], shape, dtype=jnp.float32) * scale

    inp = {}
    inp["x"] = jax.random.normal(ks[0], (N, D_IN), dtype=jnp.float32)
    inp["edge_index_above"] = jax.random.randint(ks[1], (2, E), 0, N, dtype=jnp.int32)
    inp["edge_index_distance"] = jax.random.randint(ks[2], (2, E), 0, N, dtype=jnp.int32)
    inp["edge_weights_distance"] = jax.random.uniform(ks[3], (E,), dtype=jnp.float32)
    inp["W1a"] = p(4, (D_IN, H)); inp["b1a"] = jnp.zeros((H,), jnp.float32)
    inp["Wg1"] = p(5, (D_IN, H)); inp["as1"] = p(6, (H,)); inp["ad1"] = p(7, (H,))
    inp["We1"] = p(8, (1, H)); inp["ae1"] = p(9, (H,)); inp["bg1"] = jnp.zeros((H,), jnp.float32)
    inp["W2a"] = p(10, (H, H)); inp["b2a"] = jnp.zeros((H,), jnp.float32)
    inp["Wg2"] = p(11, (H, H)); inp["as2"] = p(12, (H,)); inp["ad2"] = p(13, (H,))
    inp["We2"] = p(14, (1, H)); inp["ae2"] = p(15, (H,)); inp["bg2"] = jnp.zeros((H,), jnp.float32)
    inp["W3"] = p(16, (H, H)); inp["b3"] = jnp.zeros((H,), jnp.float32)
    inp["P1"] = p(17, (2 * H, H)); inp["pb1"] = jnp.zeros((H,), jnp.float32)
    inp["P2"] = p(18, (H, 1)); inp["pb2"] = jnp.zeros((1,), jnp.float32)
    return inp


def reference(x, edge_index_above, edge_index_distance, edge_weights_distance, W1a, b1a, Wg1, as1, ad1, We1, ae1, bg1, W2a, b2a, Wg2, as2, ad2, We2, ae2, bg2, W3, b3, P1, pb1, P2, pb2):
    sa, da = edge_index_above[0], edge_index_above[1]
    sd, dd = edge_index_distance[0], edge_index_distance[1]
    x_a1 = jax.nn.relu(_gcn(x, sa, da, W1a, b1a))
    x_d1 = jax.nn.relu(_gat(x, sd, dd, edge_weights_distance, Wg1, as1, ad1, We1, ae1, bg1))
    x_a2 = jax.nn.relu(_gcn(x_a1, sa, da, W2a, b2a))
    x_d2 = jax.nn.relu(_gat(x_d1, sd, dd, edge_weights_distance, Wg2, as2, ad2, We2, ae2, bg2))
    xc = ALPHA * x_a2 + (1.0 - ALPHA) * x_d2
    h = jax.nn.relu(_gcn(xc, sa, da, W3, b3))
    n = h.shape[0]
    row = jnp.repeat(jnp.arange(n), n)
    col = jnp.tile(jnp.arange(n), n)
    feat = jnp.concatenate([h[row], h[col]], axis=1)
    z = jax.nn.relu(feat @ P1 + pb1)
    out = jax.nn.sigmoid(z @ P2 + pb2)
    return out.squeeze(-1)

if __name__ == "__main__":
    import jax
    _d = setup_inputs()
    print(jax.jit(kernel)(*tuple(_d.values())))

</pallas_src>

<mosaic_0001>
#map = affine_map<(d0, d1) -> (0)>
#map1 = affine_map<(d0, d1) -> (0, 0)>
module attributes {stable_mosaic.version = 14 : i64} {
  func.func @k(%arg0: i32, %arg1: i32, %arg2: memref<33792xi32, #tpu.memory_space<hbm>>, %arg3: memref<33792xf32, #tpu.memory_space<hbm>>, %arg4: memref<1024xf32, #tpu.memory_space<hbm>>, %arg5: memref<1024xf32, #tpu.memory_space<hbm>>, %arg6: memref<128xf32, #tpu.memory_space<hbm>>, %arg7: memref<1024x1024xf32, #tpu.memory_space<hbm>>, %arg8: memref<1024x1024xf32, #tpu.memory_space<hbm>>, %arg9: memref<33792xi32, #tpu.memory_space<vmem>>, %arg10: memref<33792xf32, #tpu.memory_space<vmem>>, %arg11: memref<2112xf32, #tpu.memory_space<vmem>>, %arg12: memref<2112xf32, #tpu.memory_space<vmem>>, %arg13: memref<32x1024xf32, #tpu.memory_space<vmem>>, %arg14: memref<1024xf32, #tpu.memory_space<vmem>>, %arg15: memref<1024xf32, #tpu.memory_space<vmem>>, %arg16: memref<128xf32, #tpu.memory_space<vmem>>, %arg17: memref<33792xf32, #tpu.memory_space<vmem_shared>>, %arg18: memref<!tpu.dma_semaphore, #tpu.memory_space<semaphore_mem>>) attributes {dimension_semantics = [#tpu.dimension_semantics<core_parallel>, #tpu.dimension_semantics<subcore_parallel>], iteration_bounds = array<i64: 2, 16>, scalar_prefetch = 0 : i64, scratch_operands = 10 : i64, tpu.core_type = #tpu.core_type<sc_vector_subcore>, window_params = [{transform_indices = #map}, {transform_indices = #map}, {transform_indices = #map}, {transform_indices = #map}, {transform_indices = #map}, {transform_indices = #map1}, {transform_indices = #map1}]} {
    %mul3A = arith.constant 2 : i32
    %mul3A_0 = arith.muli %arg1, %mul3A : i32
    %add3A = arith.addi %mul3A_0, %arg0 : i32
    %mul3A_1 = arith.constant 2112 : i32
    %mul3A_2 = arith.muli %arg1, %mul3A_1 : i32
    tpu.enqueue_dma source(%arg2 : memref<33792xi32, #tpu.memory_space<hbm>>) target(%arg9 : memref<33792xi32, #tpu.memory_space<vmem>>) target_semaphore(%arg18 : memref<!tpu.dma_semaphore, #tpu.memory_space<semaphore_mem>>)
    %dma_start3A = tpu.memref_slice %arg3[%mul3A_2] : memref<33792xf32, #tpu.memory_space<hbm>> -> memref<2112xf32, #tpu.memory_space<hbm>>
    %dma_start3A_3 = tpu.memref_slice %arg3[%mul3A_2] : memref<33792xf32, #tpu.memory_space<hbm>> -> memref<2112xf32, #tpu.memory_space<hbm>>
    tpu.enqueue_dma source(%dma_start3A_3 : memref<2112xf32, #tpu.memory_space<hbm>>) target(%arg12 : memref<2112xf32, #tpu.memory_space<vmem>>) target_semaphore(%arg18 : memref<!tpu.dma_semaphore, #tpu.memory_space<semaphore_mem>>)
    tpu.enqueue_dma source(%arg4 : memref<1024xf32, #tpu.memory_space<hbm>>) target(%arg14 : memref<1024xf32, #tpu.memory_space<vmem>>) target_semaphore(%arg18 : memref<!tpu.dma_semaphore, #tpu.memory_space<semaphore_mem>>)
    tpu.enqueue_dma source(%arg5 : memref<1024xf32, #tpu.memory_space<hbm>>) target(%arg15 : memref<1024xf32, #tpu.memory_space<vmem>>) target_semaphore(%arg18 : memref<!tpu.dma_semaphore, #tpu.memory_space<semaphore_mem>>)
    tpu.enqueue_dma source(%arg6 : memref<128xf32, #tpu.memory_space<hbm>>) target(%arg16 : memref<128xf32, #tpu.memory_space<vmem>>) target_semaphore(%arg18 : memref<!tpu.dma_semaphore, #tpu.memory_space<semaphore_mem>>)
    %mul3A_4 = arith.constant 32 : i32
    %mul3A_5 = arith.muli %add3A, %mul3A_4 : i32
    %dma_start3A_6 = arith.constant 0 : i32
    %dma_start3A_7 = tpu.memref_slice %arg7[%mul3A_5, %dma_start3A_6] : memref<1024x1024xf32, #tpu.memory_space<hbm>> -> memref<32x1024xf32, #tpu.memory_space<hbm>>
    %dma_start3A_8 = arith.constant 0 : i32
    %dma_start3A_9 = tpu.memref_slice %arg7[%mul3A_5, %dma_start3A_8] : memref<1024x1024xf32, #tpu.memory_space<hbm>> -> memref<32x1024xf32, #tpu.memory_space<hbm>>
    tpu.enqueue_dma source(%dma_start3A_9 : memref<32x1024xf32, #tpu.memory_space<hbm>>) target(%arg13 : memref<32x1024xf32, #tpu.memory_space<vmem>>) target_semaphore(%arg18 : memref<!tpu.dma_semaphore, #tpu.memory_space<semaphore_mem>>)
    tpu.wait_dma2 semaphore(%arg18 : memref<!tpu.dma_semaphore, #tpu.memory_space<semaphore_mem>>) src(%arg2 : memref<33792xi32, #tpu.memory_space<hbm>>) dst(%arg9 : memref<33792xi32, #tpu.memory_space<vmem>>)
    %dma_wait3A = tpu.memref_slice %arg3[%mul3A_2] : memref<33792xf32, #tpu.memory_space<hbm>> -> memref<2112xf32, #tpu.memory_space<hbm>>
    %dma_wait3A_10 = tpu.memref_slice %arg3[%mul3A_2] : memref<33792xf32, #tpu.memory_space<hbm>> -> memref<2112xf32, #tpu.memory_space<hbm>>
    tpu.wait_dma2 semaphore(%arg18 : memref<!tpu.dma_semaphore, #tpu.memory_space<semaphore_mem>>) src(%dma_wait3A_10 : memref<2112xf32, #tpu.memory_space<hbm>>) dst(%arg12 : memref<2112xf32, #tpu.memory_space<vmem>>)
    tpu.wait_dma2 semaphore(%arg18 : memref<!tpu.dma_semaphore, #tpu.memory_space<semaphore_mem>>) src(%arg4 : memref<1024xf32, #tpu.memory_space<hbm>>) dst(%arg14 : memref<1024xf32, #tpu.memory_space<vmem>>)
    tpu.wait_dma2 semaphore(%arg18 : memref<!tpu.dma_semaphore, #tpu.memory_space<semaphore_mem>>) src(%arg5 : memref<1024xf32, #tpu.memory_space<hbm>>) dst(%arg15 : memref<1024xf32, #tpu.memory_space<vmem>>)
    tpu.wait_dma2 semaphore(%arg18 : memref<!tpu.dma_semaphore, #tpu.memory_space<semaphore_mem>>) src(%arg6 : memref<128xf32, #tpu.memory_space<hbm>>) dst(%arg16 : memref<128xf32, #tpu.memory_space<vmem>>)
    %dma_wait3A_11 = arith.constant 0 : i32
    %dma_wait3A_12 = tpu.memref_slice %arg7[%mul3A_5, %dma_wait3A_11] : memref<1024x1024xf32, #tpu.memory_space<hbm>> -> memref<32x1024xf32, #tpu.memory_space<hbm>>
    %dma_wait3A_13 = arith.constant 0 : i32
    %dma_wait3A_14 = tpu.memref_slice %arg7[%mul3A_5, %dma_wait3A_13] : memref<1024x1024xf32, #tpu.memory_space<hbm>> -> memref<32x1024xf32, #tpu.memory_space<hbm>>
    tpu.wait_dma2 semaphore(%arg18 : memref<!tpu.dma_semaphore, #tpu.memory_space<semaphore_mem>>) src(%dma_wait3A_14 : memref<32x1024xf32, #tpu.memory_space<hbm>>) dst(%arg13 : memref<32x1024xf32, #tpu.memory_space<vmem>>)
    %iota3A = tpu.iota {dimensions = array<i32: 0>} : vector<16xi32>
    %get3A = arith.constant 0 : index
    %get3A_15 = tpu.vector_load %arg16[%get3A] {strides = array<i32>} : memref<128xf32, #tpu.memory_space<vmem>>, vector<16xf32>,
    %get3A_16 = arith.constant 16 : index
    %get3A_17 = tpu.vector_load %arg16[%get3A_16] {strides = array<i32>} : memref<128xf32, #tpu.memory_space<vmem>>, vector<16xf32>,
    %get3A_18 = arith.constant 32 : index
    %get3A_19 = tpu.vector_load %arg16[%get3A_18] {strides = array<i32>} : memref<128xf32, #tpu.memory_space<vmem>>, vector<16xf32>,
    %parallel_loop3A = arith.constant 0 : i32
    %parallel_loop3A_20 = arith.constant 132 : i32
    %parallel_loop3A_21 = arith.constant 1 : i32
    scf.for %parallel_loop3A_29 = %parallel_loop3A to %parallel_loop3A_20 step %parallel_loop3A_21  : i32 {
      %parallel_loop3A_30 = arith.constant 16 : i32
      %parallel_loop3A_31 = arith.muli %parallel_loop3A_29, %parallel_loop3A_30 : i32
      %parallel_loop3A_32 = arith.addi %mul3A_2, %parallel_loop3A_31 : i32
      %parallel_loop3A_33 = arith.index_cast %parallel_loop3A_32 : i32 to index
      %parallel_loop3A_34 = tpu.vector_load %arg9[%parallel_loop3A_33] {strides = array<i32>} : memref<33792xi32, #tpu.memory_space<vmem>>, vector<16xi32>,
      %parallel_loop3A_35 = arith.constant 65535 : i32
      %parallel_loop3A_36 = vector.broadcast %parallel_loop3A_35 : i32 to vector<16xi32>
      %parallel_loop3A_37 = arith.andi %parallel_loop3A_34, %parallel_loop3A_36 : vector<16xi32>
      %parallel_loop3A_38 = arith.constant 16 : i32
      %parallel_loop3A_39 = vector.broadcast %parallel_loop3A_38 : i32 to vector<16xi32>
      %parallel_loop3A_40 = arith.shrsi %parallel_loop3A_34, %parallel_loop3A_39 : vector<16xi32>
      %parallel_loop3A_41 = arith.index_cast %parallel_loop3A_31 : i32 to index
      %parallel_loop3A_42 = tpu.vector_load %arg12[%parallel_loop3A_41] {strides = array<i32>} : memref<2112xf32, #tpu.memory_space<vmem>>, vector<16xf32>,
      %parallel_loop3A_43 = arith.addi %mul3A_2, %parallel_loop3A_31 : i32
      %parallel_loop3A_44 = vector.broadcast %parallel_loop3A_43 : i32 to vector<16xi32>
      %parallel_loop3A_45 = arith.addi %parallel_loop3A_44, %iota3A : vector<16xi32>
      %parallel_loop3A_46 = tpu.vector_load_idx %arg14[%parallel_loop3A_37] : memref<1024xf32, #tpu.memory_space<vmem>>[vector<16xi32>], vector<16xf32>,
      %parallel_loop3A_47 = tpu.vector_load_idx %arg15[%parallel_loop3A_40] : memref<1024xf32, #tpu.memory_space<vmem>>[vector<16xi32>], vector<16xf32>,
      %parallel_loop3A_48 = arith.constant 32768 : i32
      %parallel_loop3A_49 = vector.broadcast %parallel_loop3A_48 : i32 to vector<16xi32>
      %parallel_loop3A_50 = arith.cmpi slt, %parallel_loop3A_45, %parallel_loop3A_49 : vector<16xi32>
      %parallel_loop3A_51 = arith.mulf %get3A_15, %parallel_loop3A_42 : vector<16xf32>
      %parallel_loop3A_52 = arith.select %parallel_loop3A_50, %parallel_loop3A_51, %get3A_17 : vector<16xi1>, vector<16xf32>
      %parallel_loop3A_53 = arith.addf %parallel_loop3A_46, %parallel_loop3A_47 : vector<16xf32>
      %parallel_loop3A_54 = arith.addf %parallel_loop3A_53, %parallel_loop3A_52 : vector<16xf32>
      %parallel_loop3A_55 = arith.constant 2.000000e-01 : f32
      %parallel_loop3A_56 = vector.broadcast %parallel_loop3A_55 : f32 to vector<16xf32>
      %parallel_loop3A_57 = arith.mulf %parallel_loop3A_56, %parallel_loop3A_54 : vector<16xf32>
      %parallel_loop3A_58 = arith.maximumf %parallel_loop3A_54, %parallel_loop3A_57 : vector<16xf32>
      %parallel_loop3A_59 = arith.subf %parallel_loop3A_58, %get3A_19 : vector<16xf32>
      %parallel_loop3A_60 = math.exp %parallel_loop3A_59 : vector<16xf32>
      %parallel_loop3A_61 = arith.index_cast %parallel_loop3A_31 : i32 to index
      %parallel_loop3A_62 = tpu.vector_load %arg11[%parallel_loop3A_61] {strides = array<i32>} : memref<2112xf32, #tpu.memory_space<vmem>>, vector<16xf32>,
      tpu.vector_store %arg11[%parallel_loop3A_61], %parallel_loop3A_60 {strides = array<i32>} : memref<2112xf32, #tpu.memory_space<vmem>>, vector<16xf32>,
    } {sc.loop_unroll_factor = 8 : i64, sc.parallel_access}
    "tpu.region"() ({
      %run_scoped3A = tpu.sem_alloc : memref<!tpu.dma_semaphore, #tpu.memory_space<semaphore_mem>>
      %dma_start3A_29 = tpu.memref_slice %arg17[%mul3A_2] : memref<33792xf32, #tpu.memory_space<vmem_shared>> -> memref<2112xf32, #tpu.memory_space<vmem_shared>>
      %dma_start3A_30 = tpu.memref_slice %arg17[%mul3A_2] : memref<33792xf32, #tpu.memory_space<vmem_shared>> -> memref<2112xf32, #tpu.memory_space<vmem_shared>>
      tpu.enqueue_dma source(%arg11 : memref<2112xf32, #tpu.memory_space<vmem>>) target(%dma_start3A_30 : memref<2112xf32, #tpu.memory_space<vmem_shared>>) target_semaphore(%run_scoped3A : memref<!tpu.dma_semaphore, #tpu.memory_space<semaphore_mem>>)
      %dma_wait3A_31 = tpu.memref_slice %arg17[%mul3A_2] : memref<33792xf32, #tpu.memory_space<vmem_shared>> -> memref<2112xf32, #tpu.memory_space<vmem_shared>>
      %dma_wait3A_32 = tpu.memref_slice %arg17[%mul3A_2] : memref<33792xf32, #tpu.memory_space<vmem_shared>> -> memref<2112xf32, #tpu.memory_space<vmem_shared>>
      tpu.wait_dma2 semaphore(%run_scoped3A : memref<!tpu.dma_semaphore, #tpu.memory_space<semaphore_mem>>) src(%arg11 : memref<2112xf32, #tpu.memory_space<vmem>>) dst(%dma_wait3A_32 : memref<2112xf32, #tpu.memory_space<vmem_shared>>)
      tpu.yield
    }) : () -> ()
    %barrier3A = arith.constant 0 : index
    tpu.barrier barrier_id(%barrier3A)
    "tpu.region"() ({
      %run_scoped3A = tpu.sem_alloc : memref<!tpu.dma_semaphore, #tpu.memory_space<semaphore_mem>>
      tpu.enqueue_dma source(%arg17 : memref<33792xf32, #tpu.memory_space<vmem_shared>>) target(%arg10 : memref<33792xf32, #tpu.memory_space<vmem>>) target_semaphore(%run_scoped3A : memref<!tpu.dma_semaphore, #tpu.memory_space<semaphore_mem>>)
      tpu.wait_dma2 semaphore(%run_scoped3A : memref<!tpu.dma_semaphore, #tpu.memory_space<semaphore_mem>>) src(%arg17 : memref<33792xf32, #tpu.memory_space<vmem_shared>>) dst(%arg10 : memref<33792xf32, #tpu.memory_space<vmem>>)
      tpu.yield
    }) : () -> ()
    %mul3A_22 = arith.constant 32 : i32
    %mul3A_23 = arith.muli %add3A, %mul3A_22 : i32
    %parallel_loop3A_24 = arith.constant 0 : i32
    %parallel_loop3A_25 = arith.constant 2112 : i32
    %parallel_loop3A_26 = arith.constant 1 : i32
    scf.for %parallel_loop3A_29 = %parallel_loop3A_24 to %parallel_loop3A_25 step %parallel_loop3A_26  : i32 {
      %parallel_loop3A_30 = arith.constant 16 : i32
      %parallel_loop3A_31 = arith.muli %parallel_loop3A_29, %parallel_loop3A_30 : i32
      %parallel_loop3A_32 = arith.index_cast %parallel_loop3A_31 : i32 to index
      %parallel_loop3A_33 = tpu.vector_load %arg9[%parallel_loop3A_32] {strides = array<i32>} : memref<33792xi32, #tpu.memory_space<vmem>>, vector<16xi32>,
      %parallel_loop3A_34 = arith.constant 65535 : i32
      %parallel_loop3A_35 = vector.broadcast %parallel_loop3A_34 : i32 to vector<16xi32>
      %parallel_loop3A_36 = arith.andi %parallel_loop3A_33, %parallel_loop3A_35 : vector<16xi32>
      %parallel_loop3A_37 = arith.constant 16 : i32
      %parallel_loop3A_38 = vector.broadcast %parallel_loop3A_37 : i32 to vector<16xi32>
      %parallel_loop3A_39 = arith.shrsi %parallel_loop3A_33, %parallel_loop3A_38 : vector<16xi32>
      %parallel_loop3A_40 = vector.broadcast %mul3A_23 : i32 to vector<16xi32>
      %parallel_loop3A_41 = arith.subi %parallel_loop3A_39, %parallel_loop3A_40 : vector<16xi32>
      %parallel_loop3A_42 = vector.bitcast %parallel_loop3A_41 : vector<16xi32> to vector<16xi32>
      %parallel_loop3A_43 = arith.constant 32 : i32
      %parallel_loop3A_44 = vector.broadcast %parallel_loop3A_43 : i32 to vector<16xi32>
      %parallel_loop3A_45 = arith.cmpi ult, %parallel_loop3A_42, %parallel_loop3A_44 : vector<16xi32>
      %parallel_loop3A_46 = arith.index_cast %parallel_loop3A_31 : i32 to index
      %parallel_loop3A_47 = tpu.vector_load %arg10[%parallel_loop3A_46] {strides = array<i32>} : memref<33792xf32, #tpu.memory_space<vmem>>, vector<16xf32>,
      tpu.vector_store_idx %arg13[%parallel_loop3A_41, %parallel_loop3A_36], %parallel_loop3A_47 masked %parallel_loop3A_45 {add = true} : memref<32x1024xf32, #tpu.memory_space<vmem>>[vector<16xi32>, vector<16xi32>], vector<16xf32>, vector<16xi1>
    } {sc.loop_unroll_factor = 8 : i64, sc.parallel_access}
    %mul3A_27 = arith.constant 32 : i32
    %mul3A_28 = arith.muli %add3A, %mul3A_27 : i32
    "tpu.region"() ({
      %run_scoped3A = tpu.sem_alloc : memref<!tpu.dma_semaphore, #tpu.memory_space<semaphore_mem>>
      %dma_start3A_29 = arith.constant 0 : i32
      %dma_start3A_30 = tpu.memref_slice %arg8[%mul3A_28, %dma_start3A_29] : memref<1024x1024xf32, #tpu.memory_space<hbm>> -> memref<32x1024xf32, #tpu.memory_space<hbm>>
      %dma_start3A_31 = arith.constant 0 : i32
      %dma_start3A_32 = tpu.memref_slice %arg8[%mul3A_28, %dma_start3A_31] : memref<1024x1024xf32, #tpu.memory_space<hbm>> -> memref<32x1024xf32, #tpu.memory_space<hbm>>
      tpu.enqueue_dma source(%arg13 : memref<32x1024xf32, #tpu.memory_space<vmem>>) target(%dma_start3A_32 : memref<32x1024xf32, #tpu.memory_space<hbm>>) target_semaphore(%run_scoped3A : memref<!tpu.dma_semaphore, #tpu.memory_space<semaphore_mem>>)
      %dma_wait3A_33 = arith.constant 0 : i32
      %dma_wait3A_34 = tpu.memref_slice %arg8[%mul3A_28, %dma_wait3A_33] : memref<1024x1024xf32, #tpu.memory_space<hbm>> -> memref<32x1024xf32, #tpu.memory_space<hbm>>
      %dma_wait3A_35 = arith.constant 0 : i32
      %dma_wait3A_36 = tpu.memref_slice %arg8[%mul3A_28, %dma_wait3A_35] : memref<1024x1024xf32, #tpu.memory_space<hbm>> -> memref<32x1024xf32, #tpu.memory_space<hbm>>
      tpu.wait_dma2 semaphore(%run_scoped3A : memref<!tpu.dma_semaphore, #tpu.memory_space<semaphore_mem>>) src(%arg13 : memref<32x1024xf32, #tpu.memory_space<vmem>>) dst(%dma_wait3A_36 : memref<32x1024xf32, #tpu.memory_space<hbm>>)
      tpu.yield
    }) : () -> ()
    return
  }
}

#map = affine_map<(d0, d1) -> (0)>
#map1 = affine_map<(d0, d1) -> (0, 0)>
module attributes {stable_mosaic.version = 14 : i64} {
  func.func @k(%arg0: i32, %arg1: i32, %arg2: memref<33792xi32, #tpu.memory_space<hbm>>, %arg3: memref<33792xf32, #tpu.memory_space<hbm>>, %arg4: memref<1024xf32, #tpu.memory_space<hbm>>, %arg5: memref<1024xf32, #tpu.memory_space<hbm>>, %arg6: memref<128xf32, #tpu.memory_space<hbm>>, %arg7: memref<1024x1024xf32, #tpu.memory_space<hbm>>, %arg8: memref<1024x1024xf32, #tpu.memory_space<hbm>>, %arg9: memref<33792xi32, #tpu.memory_space<vmem>>, %arg10: memref<33792xf32, #tpu.memory_space<vmem>>, %arg11: memref<2112xf32, #tpu.memory_space<vmem>>, %arg12: memref<2112xf32, #tpu.memory_space<vmem>>, %arg13: memref<32x1024xf32, #tpu.memory_space<vmem>>, %arg14: memref<1024xf32, #tpu.memory_space<vmem>>, %arg15: memref<1024xf32, #tpu.memory_space<vmem>>, %arg16: memref<128xf32, #tpu.memory_space<vmem>>, %arg17: memref<33792xf32, #tpu.memory_space<vmem_shared>>, %arg18: memref<!tpu.dma_semaphore, #tpu.memory_space<semaphore_mem>>) attributes {dimension_semantics = [#tpu.dimension_semantics<core_parallel>, #tpu.dimension_semantics<subcore_parallel>], iteration_bounds = array<i64: 2, 16>, scalar_prefetch = 0 : i64, scratch_operands = 10 : i64, tpu.core_type = #tpu.core_type<sc_vector_subcore>, window_params = [{transform_indices = #map}, {transform_indices = #map}, {transform_indices = #map}, {transform_indices = #map}, {transform_indices = #map}, {transform_indices = #map1}, {transform_indices = #map1}]} {
    %mul3A = arith.constant 2 : i32
    %mul3A_0 = arith.muli %arg1, %mul3A : i32
    %add3A = arith.addi %mul3A_0, %arg0 : i32
    %mul3A_1 = arith.constant 2112 : i32
    %mul3A_2 = arith.muli %arg1, %mul3A_1 : i32
    tpu.enqueue_dma source(%arg2 : memref<33792xi32, #tpu.memory_space<hbm>>) target(%arg9 : memref<33792xi32, #tpu.memory_space<vmem>>) target_semaphore(%arg18 : memref<!tpu.dma_semaphore, #tpu.memory_space<semaphore_mem>>)
    %dma_start3A = tpu.memref_slice %arg3[%mul3A_2] : memref<33792xf32, #tpu.memory_space<hbm>> -> memref<2112xf32, #tpu.memory_space<hbm>>
    %dma_start3A_3 = tpu.memref_slice %arg3[%mul3A_2] : memref<33792xf32, #tpu.memory_space<hbm>> -> memref<2112xf32, #tpu.memory_space<hbm>>
    tpu.enqueue_dma source(%dma_start3A_3 : memref<2112xf32, #tpu.memory_space<hbm>>) target(%arg12 : memref<2112xf32, #tpu.memory_space<vmem>>) target_semaphore(%arg18 : memref<!tpu.dma_semaphore, #tpu.memory_space<semaphore_mem>>)
    tpu.enqueue_dma source(%arg4 : memref<1024xf32, #tpu.memory_space<hbm>>) target(%arg14 : memref<1024xf32, #tpu.memory_space<vmem>>) target_semaphore(%arg18 : memref<!tpu.dma_semaphore, #tpu.memory_space<semaphore_mem>>)
    tpu.enqueue_dma source(%arg5 : memref<1024xf32, #tpu.memory_space<hbm>>) target(%arg15 : memref<1024xf32, #tpu.memory_space<vmem>>) target_semaphore(%arg18 : memref<!tpu.dma_semaphore, #tpu.memory_space<semaphore_mem>>)
    tpu.enqueue_dma source(%arg6 : memref<128xf32, #tpu.memory_space<hbm>>) target(%arg16 : memref<128xf32, #tpu.memory_space<vmem>>) target_semaphore(%arg18 : memref<!tpu.dma_semaphore, #tpu.memory_space<semaphore_mem>>)
    %mul3A_4 = arith.constant 32 : i32
    %mul3A_5 = arith.muli %add3A, %mul3A_4 : i32
    %dma_start3A_6 = arith.constant 0 : i32
    %dma_start3A_7 = tpu.memref_slice %arg7[%mul3A_5, %dma_start3A_6] : memref<1024x1024xf32, #tpu.memory_space<hbm>> -> memref<32x1024xf32, #tpu.memory_space<hbm>>
    %dma_start3A_8 = arith.constant 0 : i32
    %dma_start3A_9 = tpu.memref_slice %arg7[%mul3A_5, %dma_start3A_8] : memref<1024x1024xf32, #tpu.memory_space<hbm>> -> memref<32x1024xf32, #tpu.memory_space<hbm>>
    tpu.enqueue_dma source(%dma_start3A_9 : memref<32x1024xf32, #tpu.memory_space<hbm>>) target(%arg13 : memref<32x1024xf32, #tpu.memory_space<vmem>>) target_semaphore(%arg18 : memref<!tpu.dma_semaphore, #tpu.memory_space<semaphore_mem>>)
    tpu.wait_dma2 semaphore(%arg18 : memref<!tpu.dma_semaphore, #tpu.memory_space<semaphore_mem>>) src(%arg2 : memref<33792xi32, #tpu.memory_space<hbm>>) dst(%arg9 : memref<33792xi32, #tpu.memory_space<vmem>>)
    %dma_wait3A = tpu.memref_slice %arg3[%mul3A_2] : memref<33792xf32, #tpu.memory_space<hbm>> -> memref<2112xf32, #tpu.memory_space<hbm>>
    %dma_wait3A_10 = tpu.memref_slice %arg3[%mul3A_2] : memref<33792xf32, #tpu.memory_space<hbm>> -> memref<2112xf32, #tpu.memory_space<hbm>>
    tpu.wait_dma2 semaphore(%arg18 : memref<!tpu.dma_semaphore, #tpu.memory_space<semaphore_mem>>) src(%dma_wait3A_10 : memref<2112xf32, #tpu.memory_space<hbm>>) dst(%arg12 : memref<2112xf32, #tpu.memory_space<vmem>>)
    tpu.wait_dma2 semaphore(%arg18 : memref<!tpu.dma_semaphore, #tpu.memory_space<semaphore_mem>>) src(%arg4 : memref<1024xf32, #tpu.memory_space<hbm>>) dst(%arg14 : memref<1024xf32, #tpu.memory_space<vmem>>)
    tpu.wait_dma2 semaphore(%arg18 : memref<!tpu.dma_semaphore, #tpu.memory_space<semaphore_mem>>) src(%arg5 : memref<1024xf32, #tpu.memory_space<hbm>>) dst(%arg15 : memref<1024xf32, #tpu.memory_space<vmem>>)
    tpu.wait_dma2 semaphore(%arg18 : memref<!tpu.dma_semaphore, #tpu.memory_space<semaphore_mem>>) src(%arg6 : memref<128xf32, #tpu.memory_space<hbm>>) dst(%arg16 : memref<128xf32, #tpu.memory_space<vmem>>)
    %dma_wait3A_11 = arith.constant 0 : i32
    %dma_wait3A_12 = tpu.memref_slice %arg7[%mul3A_5, %dma_wait3A_11] : memref<1024x1024xf32, #tpu.memory_space<hbm>> -> memref<32x1024xf32, #tpu.memory_space<hbm>>
    %dma_wait3A_13 = arith.constant 0 : i32
    %dma_wait3A_14 = tpu.memref_slice %arg7[%mul3A_5, %dma_wait3A_13] : memref<1024x1024xf32, #tpu.memory_space<hbm>> -> memref<32x1024xf32, #tpu.memory_space<hbm>>
    tpu.wait_dma2 semaphore(%arg18 : memref<!tpu.dma_semaphore, #tpu.memory_space<semaphore_mem>>) src(%dma_wait3A_14 : memref<32x1024xf32, #tpu.memory_space<hbm>>) dst(%arg13 : memref<32x1024xf32, #tpu.memory_space<vmem>>)
    %iota3A = tpu.iota {dimensions = array<i32: 0>} : vector<16xi32>
    %get3A = arith.constant 0 : index
    %get3A_15 = tpu.vector_load %arg16[%get3A] {strides = array<i32>} : memref<128xf32, #tpu.memory_space<vmem>>, vector<16xf32>,
    %get3A_16 = arith.constant 16 : index
    %get3A_17 = tpu.vector_load %arg16[%get3A_16] {strides = array<i32>} : memref<128xf32, #tpu.memory_space<vmem>>, vector<16xf32>,
    %get3A_18 = arith.constant 32 : index
    %get3A_19 = tpu.vector_load %arg16[%get3A_18] {strides = array<i32>} : memref<128xf32, #tpu.memory_space<vmem>>, vector<16xf32>,
    %parallel_loop3A = arith.constant 0 : i32
    %parallel_loop3A_20 = arith.constant 132 : i32
    %parallel_loop3A_21 = arith.constant 1 : i32
    scf.for %parallel_loop3A_29 = %parallel_loop3A to %parallel_loop3A_20 step %parallel_loop3A_21  : i32 {
      %parallel_loop3A_30 = arith.constant 16 : i32
      %parallel_loop3A_31 = arith.muli %parallel_loop3A_29, %parallel_loop3A_30 : i32
      %parallel_loop3A_32 = arith.addi %mul3A_2, %parallel_loop3A_31 : i32
      %parallel_loop3A_33 = arith.index_cast %parallel_loop3A_32 : i32 to index
      %parallel_loop3A_34 = tpu.vector_load %arg9[%parallel_loop3A_33] {strides = array<i32>} : memref<33792xi32, #tpu.memory_space<vmem>>, vector<16xi32>,
      %parallel_loop3A_35 = arith.constant 65535 : i32
      %parallel_loop3A_36 = vector.broadcast %parallel_loop3A_35 : i32 to vector<16xi32>
      %parallel_loop3A_37 = arith.andi %parallel_loop3A_34, %parallel_loop3A_36 : vector<16xi32>
      %parallel_loop3A_38 = arith.constant 16 : i32
      %parallel_loop3A_39 = vector.broadcast %parallel_loop3A_38 : i32 to vector<16xi32>
      %parallel_loop3A_40 = arith.shrsi %parallel_loop3A_34, %parallel_loop3A_39 : vector<16xi32>
      %parallel_loop3A_41 = arith.index_cast %parallel_loop3A_31 : i32 to index
      %parallel_loop3A_42 = tpu.vector_load %arg12[%parallel_loop3A_41] {strides = array<i32>} : memref<2112xf32, #tpu.memory_space<vmem>>, vector<16xf32>,
      %parallel_loop3A_43 = arith.addi %mul3A_2, %parallel_loop3A_31 : i32
      %parallel_loop3A_44 = vector.broadcast %parallel_loop3A_43 : i32 to vector<16xi32>
      %parallel_loop3A_45 = arith.addi %parallel_loop3A_44, %iota3A : vector<16xi32>
      %parallel_loop3A_46 = tpu.vector_load_idx %arg14[%parallel_loop3A_37] : memref<1024xf32, #tpu.memory_space<vmem>>[vector<16xi32>], vector<16xf32>,
      %parallel_loop3A_47 = tpu.vector_load_idx %arg15[%parallel_loop3A_40] : memref<1024xf32, #tpu.memory_space<vmem>>[vector<16xi32>], vector<16xf32>,
      %parallel_loop3A_48 = arith.constant 32768 : i32
      %parallel_loop3A_49 = vector.broadcast %parallel_loop3A_48 : i32 to vector<16xi32>
      %parallel_loop3A_50 = arith.cmpi slt, %parallel_loop3A_45, %parallel_loop3A_49 : vector<16xi32>
      %parallel_loop3A_51 = arith.mulf %get3A_15, %parallel_loop3A_42 : vector<16xf32>
      %parallel_loop3A_52 = arith.select %parallel_loop3A_50, %parallel_loop3A_51, %get3A_17 : vector<16xi1>, vector<16xf32>
      %parallel_loop3A_53 = arith.addf %parallel_loop3A_46, %parallel_loop3A_47 : vector<16xf32>
      %parallel_loop3A_54 = arith.addf %parallel_loop3A_53, %parallel_loop3A_52 : vector<16xf32>
      %parallel_loop3A_55 = arith.constant 2.000000e-01 : f32
      %parallel_loop3A_56 = vector.broadcast %parallel_loop3A_55 : f32 to vector<16xf32>
      %parallel_loop3A_57 = arith.mulf %parallel_loop3A_56, %parallel_loop3A_54 : vector<16xf32>
      %parallel_loop3A_58 = arith.maximumf %parallel_loop3A_54, %parallel_loop3A_57 : vector<16xf32>
      %parallel_loop3A_59 = arith.subf %parallel_loop3A_58, %get3A_19 : vector<16xf32>
      %parallel_loop3A_60 = math.exp %parallel_loop3A_59 : vector<16xf32>
      %parallel_loop3A_61 = arith.index_cast %parallel_loop3A_31 : i32 to index
      %parallel_loop3A_62 = tpu.vector_load %arg11[%parallel_loop3A_61] {strides = array<i32>} : memref<2112xf32, #tpu.memory_space<vmem>>, vector<16xf32>,
      tpu.vector_store %arg11[%parallel_loop3A_61], %parallel_loop3A_60 {strides = array<i32>} : memref<2112xf32, #tpu.memory_space<vmem>>, vector<16xf32>,
    } {sc.loop_unroll_factor = 8 : i64, sc.parallel_access}
    "tpu.region"() ({
      %run_scoped3A = tpu.sem_alloc : memref<!tpu.dma_semaphore, #tpu.memory_space<semaphore_mem>>
      %dma_start3A_29 = tpu.memref_slice %arg17[%mul3A_2] : memref<33792xf32, #tpu.memory_space<vmem_shared>> -> memref<2112xf32, #tpu.memory_space<vmem_shared>>
      %dma_start3A_30 = tpu.memref_slice %arg17[%mul3A_2] : memref<33792xf32, #tpu.memory_space<vmem_shared>> -> memref<2112xf32, #tpu.memory_space<vmem_shared>>
      tpu.enqueue_dma source(%arg11 : memref<2112xf32, #tpu.memory_space<vmem>>) target(%dma_start3A_30 : memref<2112xf32, #tpu.memory_space<vmem_shared>>) target_semaphore(%run_scoped3A : memref<!tpu.dma_semaphore, #tpu.memory_space<semaphore_mem>>)
      %dma_wait3A_31 = tpu.memref_slice %arg17[%mul3A_2] : memref<33792xf32, #tpu.memory_space<vmem_shared>> -> memref<2112xf32, #tpu.memory_space<vmem_shared>>
      %dma_wait3A_32 = tpu.memref_slice %arg17[%mul3A_2] : memref<33792xf32, #tpu.memory_space<vmem_shared>> -> memref<2112xf32, #tpu.memory_space<vmem_shared>>
      tpu.wait_dma2 semaphore(%run_scoped3A : memref<!tpu.dma_semaphore, #tpu.memory_space<semaphore_mem>>) src(%arg11 : memref<2112xf32, #tpu.memory_space<vmem>>) dst(%dma_wait3A_32 : memref<2112xf32, #tpu.memory_space<vmem_shared>>)
      tpu.yield
    }) : () -> ()
    %barrier3A = arith.constant 0 : index
    tpu.barrier barrier_id(%barrier3A)
    "tpu.region"() ({
      %run_scoped3A = tpu.sem_alloc : memref<!tpu.dma_semaphore, #tpu.memory_space<semaphore_mem>>
      tpu.enqueue_dma source(%arg17 : memref<33792xf32, #tpu.memory_space<vmem_shared>>) target(%arg10 : memref<33792xf32, #tpu.memory_space<vmem>>) target_semaphore(%run_scoped3A : memref<!tpu.dma_semaphore, #tpu.memory_space<semaphore_mem>>)
      tpu.wait_dma2 semaphore(%run_scoped3A : memref<!tpu.dma_semaphore, #tpu.memory_space<semaphore_mem>>) src(%arg17 : memref<33792xf32, #tpu.memory_space<vmem_shared>>) dst(%arg10 : memref<33792xf32, #tpu.memory_space<vmem>>)
      tpu.yield
    }) : () -> ()
    %mul3A_22 = arith.constant 32 : i32
    %mul3A_23 = arith.muli %add3A, %mul3A_22 : i32
    %parallel_loop3A_24 = arith.constant 0 : i32
    %parallel_loop3A_25 = arith.constant 2112 : i32
    %parallel_loop3A_26 = arith.constant 1 : i32
    scf.for %parallel_loop3A_29 = %parallel_loop3A_24 to %parallel_loop3A_25 step %parallel_loop3A_26  : i32 {
      %parallel_loop3A_30 = arith.constant 16 : i32
      %parallel_loop3A_31 = arith.muli %parallel_loop3A_29, %parallel_loop3A_30 : i32
      %parallel_loop3A_32 = arith.index_cast %parallel_loop3A_31 : i32 to index
      %parallel_loop3A_33 = tpu.vector_load %arg9[%parallel_loop3A_32] {strides = array<i32>} : memref<33792xi32, #tpu.memory_space<vmem>>, vector<16xi32>,
      %parallel_loop3A_34 = arith.constant 65535 : i32
      %parallel_loop3A_35 = vector.broadcast %parallel_loop3A_34 : i32 to vector<16xi32>
      %parallel_loop3A_36 = arith.andi %parallel_loop3A_33, %parallel_loop3A_35 : vector<16xi32>
      %parallel_loop3A_37 = arith.constant 16 : i32
      %parallel_loop3A_38 = vector.broadcast %parallel_loop3A_37 : i32 to vector<16xi32>
      %parallel_loop3A_39 = arith.shrsi %parallel_loop3A_33, %parallel_loop3A_38 : vector<16xi32>
      %parallel_loop3A_40 = vector.broadcast %mul3A_23 : i32 to vector<16xi32>
      %parallel_loop3A_41 = arith.subi %parallel_loop3A_39, %parallel_loop3A_40 : vector<16xi32>
      %parallel_loop3A_42 = vector.bitcast %parallel_loop3A_41 : vector<16xi32> to vector<16xi32>
      %parallel_loop3A_43 = arith.constant 32 : i32
      %parallel_loop3A_44 = vector.broadcast %parallel_loop3A_43 : i32 to vector<16xi32>
      %parallel_loop3A_45 = arith.cmpi ult, %parallel_loop3A_42, %parallel_loop3A_44 : vector<16xi32>
      %parallel_loop3A_46 = arith.index_cast %parallel_loop3A_31 : i32 to index
      %parallel_loop3A_47 = tpu.vector_load %arg10[%parallel_loop3A_46] {strides = array<i32>} : memref<33792xf32, #tpu.memory_space<vmem>>, vector<16xf32>,
      tpu.vector_store_idx %arg13[%parallel_loop3A_41, %parallel_loop3A_36], %parallel_loop3A_47 masked %parallel_loop3A_45 {add = true} : memref<32x1024xf32, #tpu.memory_space<vmem>>[vector<16xi32>, vector<16xi32>], vector<16xf32>, vector<16xi1>
    } {sc.loop_unroll_factor = 8 : i64, sc.parallel_access}
    %mul3A_27 = arith.constant 32 : i32
    %mul3A_28 = arith.muli %add3A, %mul3A_27 : i32
    "tpu.region"() ({
      %run_scoped3A = tpu.sem_alloc : memref<!tpu.dma_semaphore, #tpu.memory_space<semaphore_mem>>
      %dma_start3A_29 = arith.constant 0 : i32
      %dma_start3A_30 = tpu.memref_slice %arg8[%mul3A_28, %dma_start3A_29] : memref<1024x1024xf32, #tpu.memory_space<hbm>> -> memref<32x1024xf32, #tpu.memory_space<hbm>>
      %dma_start3A_31 = arith.constant 0 : i32
      %dma_start3A_32 = tpu.memref_slice %arg8[%mul3A_28, %dma_start3A_31] : memref<1024x1024xf32, #tpu.memory_space<hbm>> -> memref<32x1024xf32, #tpu.memory_space<hbm>>
      tpu.enqueue_dma source(%arg13 : memref<32x1024xf32, #tpu.memory_space<vmem>>) target(%dma_start3A_32 : memref<32x1024xf32, #tpu.memory_space<hbm>>) target_semaphore(%run_scoped3A : memref<!tpu.dma_semaphore, #tpu.memory_space<semaphore_mem>>)
      %dma_wait3A_33 = arith.constant 0 : i32
      %dma_wait3A_34 = tpu.memref_slice %arg8[%mul3A_28, %dma_wait3A_33] : memref<1024x1024xf32, #tpu.memory_space<hbm>> -> memref<32x1024xf32, #tpu.memory_space<hbm>>
      %dma_wait3A_35 = arith.constant 0 : i32
      %dma_wait3A_36 = tpu.memref_slice %arg8[%mul3A_28, %dma_wait3A_35] : memref<1024x1024xf32, #tpu.memory_space<hbm>> -> memref<32x1024xf32, #tpu.memory_space<hbm>>
      tpu.wait_dma2 semaphore(%run_scoped3A : memref<!tpu.dma_semaphore, #tpu.memory_space<semaphore_mem>>) src(%arg13 : memref<32x1024xf32, #tpu.memory_space<vmem>>) dst(%dma_wait3A_36 : memref<32x1024xf32, #tpu.memory_space<hbm>>)
      tpu.yield
    }) : () -> ()
    return
  }
}

#map = affine_map<(d0, d1) -> (0)>
#map1 = affine_map<(d0, d1) -> (0, 0)>
module attributes {stable_mosaic.version = 14 : i64} {
  func.func @k(%arg0: i32, %arg1: i32, %arg2: memref<33792xi32, #tpu.memory_space<hbm>>, %arg3: memref<1024x1024xf32, #tpu.memory_space<hbm>>, %arg4: memref<1024x1024xf32, #tpu.memory_space<hbm>>, %arg5: memref<33792xi32, #tpu.memory_space<vmem>>, %arg6: memref<32x1024xf32, #tpu.memory_space<vmem>>, %arg7: memref<!tpu.dma_semaphore, #tpu.memory_space<semaphore_mem>>) attributes {dimension_semantics = [#tpu.dimension_semantics<core_parallel>, #tpu.dimension_semantics<subcore_parallel>], iteration_bounds = array<i64: 2, 16>, scalar_prefetch = 0 : i64, scratch_operands = 3 : i64, tpu.core_type = #tpu.core_type<sc_vector_subcore>, window_params = [{transform_indices = #map}, {transform_indices = #map1}, {transform_indices = #map1}]} {
    %mul3A = arith.constant 2 : i32
    %mul3A_0 = arith.muli %arg1, %mul3A : i32
    %add3A = arith.addi %mul3A_0, %arg0 : i32
    tpu.enqueue_dma source(%arg2 : memref<33792xi32, #tpu.memory_space<hbm>>) target(%arg5 : memref<33792xi32, #tpu.memory_space<vmem>>) target_semaphore(%arg7 : memref<!tpu.dma_semaphore, #tpu.memory_space<semaphore_mem>>)
    %mul3A_1 = arith.constant 32 : i32
    %mul3A_2 = arith.muli %add3A, %mul3A_1 : i32
    %dma_start3A = arith.constant 0 : i32
    %dma_start3A_3 = tpu.memref_slice %arg3[%mul3A_2, %dma_start3A] : memref<1024x1024xf32, #tpu.memory_space<hbm>> -> memref<32x1024xf32, #tpu.memory_space<hbm>>
    %dma_start3A_4 = arith.constant 0 : i32
    %dma_start3A_5 = tpu.memref_slice %arg3[%mul3A_2, %dma_start3A_4] : memref<1024x1024xf32, #tpu.memory_space<hbm>> -> memref<32x1024xf32, #tpu.memory_space<hbm>>
    tpu.enqueue_dma source(%dma_start3A_5 : memref<32x1024xf32, #tpu.memory_space<hbm>>) target(%arg6 : memref<32x1024xf32, #tpu.memory_space<vmem>>) target_semaphore(%arg7 : memref<!tpu.dma_semaphore, #tpu.memory_space<semaphore_mem>>)
    tpu.wait_dma2 semaphore(%arg7 : memref<!tpu.dma_semaphore, #tpu.memory_space<semaphore_mem>>) src(%arg2 : memref<33792xi32, #tpu.memory_space<hbm>>) dst(%arg5 : memref<33792xi32, #tpu.memory_space<vmem>>)
    %dma_wait3A = arith.constant 0 : i32
    %dma_wait3A_6 = tpu.memref_slice %arg3[%mul3A_2, %dma_wait3A] : memref<1024x1024xf32, #tpu.memory_space<hbm>> -> memref<32x1024xf32, #tpu.memory_space<hbm>>
    %dma_wait3A_7 = arith.constant 0 : i32
    %dma_wait3A_8 = tpu.memref_slice %arg3[%mul3A_2, %dma_wait3A_7] : memref<1024x1024xf32, #tpu.memory_space<hbm>> -> memref<32x1024xf32, #tpu.memory_space<hbm>>
    tpu.wait_dma2 semaphore(%arg7 : memref<!tpu.dma_semaphore, #tpu.memory_space<semaphore_mem>>) src(%dma_wait3A_8 : memref<32x1024xf32, #tpu.memory_space<hbm>>) dst(%arg6 : memref<32x1024xf32, #tpu.memory_space<vmem>>)
    %broadcast_in_dim3A = arith.constant 1.000000e+00 : f32
    %broadcast_in_dim3A_9 = vector.broadcast %broadcast_in_dim3A : f32 to vector<16xf32>
    %mul3A_10 = arith.constant 32 : i32
    %mul3A_11 = arith.muli %add3A, %mul3A_10 : i32
    %parallel_loop3A = arith.constant 0 : i32
    %parallel_loop3A_12 = arith.constant 2112 : i32
    %parallel_loop3A_13 = arith.constant 1 : i32
    scf.for %parallel_loop3A_16 = %parallel_loop3A to %parallel_loop3A_12 step %parallel_loop3A_13  : i32 {
      %parallel_loop3A_17 = arith.constant 16 : i32
      %parallel_loop3A_18 = arith.muli %parallel_loop3A_16, %parallel_loop3A_17 : i32
      %parallel_loop3A_19 = arith.index_cast %parallel_loop3A_18 : i32 to index
      %parallel_loop3A_20 = tpu.vector_load %arg5[%parallel_loop3A_19] {strides = array<i32>} : memref<33792xi32, #tpu.memory_space<vmem>>, vector<16xi32>,
      %parallel_loop3A_21 = arith.constant 65535 : i32
      %parallel_loop3A_22 = vector.broadcast %parallel_loop3A_21 : i32 to vector<16xi32>
      %parallel_loop3A_23 = arith.andi %parallel_loop3A_20, %parallel_loop3A_22 : vector<16xi32>
      %parallel_loop3A_24 = arith.constant 16 : i32
      %parallel_loop3A_25 = vector.broadcast %parallel_loop3A_24 : i32 to vector<16xi32>
      %parallel_loop3A_26 = arith.shrsi %parallel_loop3A_20, %parallel_loop3A_25 : vector<16xi32>
      %parallel_loop3A_27 = vector.broadcast %mul3A_11 : i32 to vector<16xi32>
      %parallel_loop3A_28 = arith.subi %parallel_loop3A_26, %parallel_loop3A_27 : vector<16xi32>
      %parallel_loop3A_29 = vector.bitcast %parallel_loop3A_28 : vector<16xi32> to vector<16xi32>
      %parallel_loop3A_30 = arith.constant 32 : i32
      %parallel_loop3A_31 = vector.broadcast %parallel_loop3A_30 : i32 to vector<16xi32>
      %parallel_loop3A_32 = arith.cmpi ult, %parallel_loop3A_29, %parallel_loop3A_31 : vector<16xi32>
      tpu.vector_store_idx %arg6[%parallel_loop3A_28, %parallel_loop3A_23], %broadcast_in_dim3A_9 masked %parallel_loop3A_32 {add = true} : memref<32x1024xf32, #tpu.memory_space<vmem>>[vector<16xi32>, vector<16xi32>], vector<16xf32>, vector<16xi1>
    } {sc.loop_unroll_factor = 8 : i64, sc.parallel_access}
    %mul3A_14 = arith.constant 32 : i32
    %mul3A_15 = arith.muli %add3A, %mul3A_14 : i32
    "tpu.region"() ({
      %run_scoped3A = tpu.sem_alloc : memref<!tpu.dma_semaphore, #tpu.memory_space<semaphore_mem>>
      %dma_start3A_16 = arith.constant 0 : i32
      %dma_start3A_17 = tpu.memref_slice %arg4[%mul3A_15, %dma_start3A_16] : memref<1024x1024xf32, #tpu.memory_space<hbm>> -> memref<32x1024xf32, #tpu.memory_space<hbm>>
      %dma_start3A_18 = arith.constant 0 : i32
      %dma_start3A_19 = tpu.memref_slice %arg4[%mul3A_15, %dma_start3A_18] : memref<1024x1024xf32, #tpu.memory_space<hbm>> -> memref<32x1024xf32, #tpu.memory_space<hbm>>
      tpu.enqueue_dma source(%arg6 : memref<32x1024xf32, #tpu.memory_space<vmem>>) target(%dma_start3A_19 : memref<32x1024xf32, #tpu.memory_space<hbm>>) target_semaphore(%run_scoped3A : memref<!tpu.dma_semaphore, #tpu.memory_space<semaphore_mem>>)
      %dma_wait3A_20 = arith.constant 0 : i32
      %dma_wait3A_21 = tpu.memref_slice %arg4[%mul3A_15, %dma_wait3A_20] : memref<1024x1024xf32, #tpu.memory_space<hbm>> -> memref<32x1024xf32, #tpu.memory_space<hbm>>
      %dma_wait3A_22 = arith.constant 0 : i32
      %dma_wait3A_23 = tpu.memref_slice %arg4[%mul3A_15, %dma_wait3A_22] : memref<1024x1024xf32, #tpu.memory_space<hbm>> -> memref<32x1024xf32, #tpu.memory_space<hbm>>
      tpu.wait_dma2 semaphore(%run_scoped3A : memref<!tpu.dma_semaphore, #tpu.memory_space<semaphore_mem>>) src(%arg6 : memref<32x1024xf32, #tpu.memory_space<vmem>>) dst(%dma_wait3A_23 : memref<32x1024xf32, #tpu.memory_space<hbm>>)
      tpu.yield
    }) : () -> ()
    return
  }
}

module attributes {stable_mosaic.version = 14 : i64} {
  func.func @_t1_body(%arg0: memref<1024x128xf32, #tpu.memory_space<vmem>>, %arg1: memref<1024x1024xf32, #tpu.memory_space<vmem>>, %arg2: memref<128x64xf32, #tpu.memory_space<vmem>>, %arg3: memref<1x64xf32, #tpu.memory_space<vmem>>, %arg4: memref<128x64xf32, #tpu.memory_space<vmem>>, %arg5: memref<64x1xf32, #tpu.memory_space<vmem>>, %arg6: memref<64x1xf32, #tpu.memory_space<vmem>>, %arg7: memref<1x64xf32, #tpu.memory_space<vmem>>, %arg8: memref<64x1xf32, #tpu.memory_space<vmem>>, %arg9: memref<256x128xf32, #tpu.memory_space<vmem>>, %arg10: memref<1024x64xf32, #tpu.memory_space<vmem>>, %arg11: memref<1024x64xf32, #tpu.memory_space<vmem>>, %arg12: memref<1024x1xf32, #tpu.memory_space<vmem>>, %arg13: memref<1024x1xf32, #tpu.memory_space<vmem>>, %arg14: memref<1024x1xf32, #tpu.memory_space<vmem>>, %arg15: memref<8x16xf32, #tpu.memory_space<vmem>>) attributes {dimension_semantics = [], scalar_prefetch = 0 : i64, scratch_operands = 0 : i64, tpu.core_type = #tpu.core_type<tc>} {
    %get3A = arith.constant 0 : index
    %get3A_0 = arith.constant 0 : index
    %get3A_1 = vector.load %arg1[%get3A, %get3A_0] : memref<1024x1024xf32, #tpu.memory_space<vmem>>, vector<1024x1024xf32>
    %reduce_sum3A = arith.constant dense<0.000000e+00> : vector<1024xf32>
    %reduce_sum3A_2 = vector.multi_reduction <add>, %get3A_1, %reduce_sum3A [1] : vector<1024x1024xf32> to vector<1024xf32>
    %broadcast_in_dim3A = vector.shape_cast %reduce_sum3A_2 : vector<1024xf32> to vector<1024x1xf32>
    %rsqrt3A = math.rsqrt %broadcast_in_dim3A : vector<1024x1xf32>
    %swap3A = arith.constant 0 : index
    %swap3A_3 = arith.constant 0 : index
    %swap3A_4 = vector.load %arg14[%swap3A, %swap3A_3] : memref<1024x1xf32, #tpu.memory_space<vmem>>, vector<1024x1xf32>
    tpu.vector_store %arg14[%swap3A, %swap3A_3], %rsqrt3A {strides = array<i32>} : memref<1024x1xf32, #tpu.memory_space<vmem>>, vector<1024x1xf32>,
    %get3A_5 = arith.constant 0 : index
    %get3A_6 = arith.constant 0 : index
    %get3A_7 = vector.load %arg0[%get3A_5, %get3A_6] : memref<1024x128xf32, #tpu.memory_space<vmem>>, vector<1024x128xf32>
    %get3A_8 = arith.constant 0 : index
    %get3A_9 = arith.constant 0 : index
    %get3A_10 = vector.load %arg2[%get3A_8, %get3A_9] : memref<128x64xf32, #tpu.memory_space<vmem>>, vector<128x64xf32>
    %dot_general3A = arith.constant dense<0.000000e+00> : vector<1024x64xf32>
    %dot_general3A_11 = tpu.matmul %get3A_7, %get3A_10, %dot_general3A {dimension_numbers = #tpu.dot_dimension_numbers<[1], [0], [0], [1], [0, 0, 1, 1], [], []>, transpose_lhs_hint = false} : vector<1024x128xf32>, vector<128x64xf32>, vector<1024x64xf32> -> vector<1024x64xf32>
    %mul3A = vector.broadcast %rsqrt3A : vector<1024x1xf32> to vector<1024x64xf32>
    %mul3A_12 = arith.mulf %mul3A, %dot_general3A_11 : vector<1024x64xf32>
    %dot_general3A_13 = arith.constant dense<0.000000e+00> : vector<1024x64xf32>
    %dot_general3A_14 = tpu.matmul %get3A_1, %mul3A_12, %dot_general3A_13 {dimension_numbers = #tpu.dot_dimension_numbers<[1], [0], [0], [1], [0, 0, 1, 1], [], []>, transpose_lhs_hint = false} : vector<1024x1024xf32>, vector<1024x64xf32>, vector<1024x64xf32> -> vector<1024x64xf32>
    %mul3A_15 = vector.broadcast %rsqrt3A : vector<1024x1xf32> to vector<1024x64xf32>
    %mul3A_16 = arith.mulf %mul3A_15, %dot_general3A_14 : vector<1024x64xf32>
    %get3A_17 = arith.constant 0 : index
    %get3A_18 = arith.constant 0 : index
    %get3A_19 = vector.load %arg3[%get3A_17, %get3A_18] : memref<1x64xf32, #tpu.memory_space<vmem>>, vector<1x64xf32>
    %add3A = vector.broadcast %get3A_19 : vector<1x64xf32> to vector<1024x64xf32>
    %add3A_20 = arith.addf %mul3A_16, %add3A : vector<1024x64xf32>
    %max3A = arith.constant 0.000000e+00 : f32
    %max3A_21 = vector.broadcast %max3A : f32 to vector<1024x64xf32>
    %max3A_22 = arith.maximumf %add3A_20, %max3A_21 : vector<1024x64xf32>
    %swap3A_23 = arith.constant 0 : index
    %swap3A_24 = arith.constant 0 : index
    %swap3A_25 = vector.load %arg10[%swap3A_23, %swap3A_24] : memref<1024x64xf32, #tpu.memory_space<vmem>>, vector<1024x64xf32>
    tpu.vector_store %arg10[%swap3A_23, %swap3A_24], %max3A_22 {strides = array<i32>} : memref<1024x64xf32, #tpu.memory_space<vmem>>, vector<1024x64xf32>,
    %get3A_26 = arith.constant 0 : index
    %get3A_27 = arith.constant 0 : index
    %get3A_28 = vector.load %arg4[%get3A_26, %get3A_27] : memref<128x64xf32, #tpu.memory_space<vmem>>, vector<128x64xf32>
    %dot_general3A_29 = arith.constant dense<0.000000e+00> : vector<1024x64xf32>
    %dot_general3A_30 = tpu.matmul %get3A_7, %get3A_28, %dot_general3A_29 {dimension_numbers = #tpu.dot_dimension_numbers<[1], [0], [0], [1], [0, 0, 1, 1], [], []>, transpose_lhs_hint = false} : vector<1024x128xf32>, vector<128x64xf32>, vector<1024x64xf32> -> vector<1024x64xf32>
    %swap3A_31 = arith.constant 0 : index
    %swap3A_32 = arith.constant 0 : index
    %swap3A_33 = vector.load %arg11[%swap3A_31, %swap3A_32] : memref<1024x64xf32, #tpu.memory_space<vmem>>, vector<1024x64xf32>
    tpu.vector_store %arg11[%swap3A_31, %swap3A_32], %dot_general3A_30 {strides = array<i32>} : memref<1024x64xf32, #tpu.memory_space<vmem>>, vector<1024x64xf32>,
    %get3A_34 = arith.constant 0 : index
    %get3A_35 = arith.constant 0 : index
    %get3A_36 = vector.load %arg5[%get3A_34, %get3A_35] : memref<64x1xf32, #tpu.memory_space<vmem>>, vector<64x1xf32>
    %get3A_37 = arith.constant 0 : index
    %get3A_38 = arith.constant 0 : index
    %get3A_39 = vector.load %arg6[%get3A_37, %get3A_38] : memref<64x1xf32, #tpu.memory_space<vmem>>, vector<64x1xf32>
    %get3A_40 = arith.constant 0 : index
    %get3A_41 = arith.constant 0 : index
    %get3A_42 = vector.load %arg7[%get3A_40, %get3A_41] : memref<1x64xf32, #tpu.memory_space<vmem>>, vector<1x64xf32>
    %get3A_43 = arith.constant 0 : index
    %get3A_44 = arith.constant 0 : index
    %get3A_45 = vector.load %arg8[%get3A_43, %get3A_44] : memref<64x1xf32, #tpu.memory_space<vmem>>, vector<64x1xf32>
    %get3A_46 = arith.constant 0 : index
    %get3A_47 = arith.constant 0 : index
    %get3A_48 = vector.load %arg9[%get3A_46, %get3A_47] : memref<256x128xf32, #tpu.memory_space<vmem>>, vector<256x128xf32>
    %dot_general3A_49 = arith.constant dense<0.000000e+00> : vector<1024x1xf32>
    %dot_general3A_50 = tpu.matmul %dot_general3A_30, %get3A_36, %dot_general3A_49 {dimension_numbers = #tpu.dot_dimension_numbers<[1], [0], [0], [1], [0, 0, 1, 1], [], []>, transpose_lhs_hint = false} : vector<1024x64xf32>, vector<64x1xf32>, vector<1024x1xf32> -> vector<1024x1xf32>
    %dot_general3A_51 = arith.constant dense<0.000000e+00> : vector<1024x1xf32>
    %dot_general3A_52 = tpu.matmul %dot_general3A_30, %get3A_39, %dot_general3A_51 {dimension_numbers = #tpu.dot_dimension_numbers<[1], [0], [0], [1], [0, 0, 1, 1], [], []>, transpose_lhs_hint = false} : vector<1024x64xf32>, vector<64x1xf32>, vector<1024x1xf32> -> vector<1024x1xf32>
    %dot_general3A_53 = arith.constant dense<0.000000e+00> : vector<1x1xf32>
    %dot_general3A_54 = tpu.matmul %get3A_42, %get3A_45, %dot_general3A_53 {dimension_numbers = #tpu.dot_dimension_numbers<[1], [0], [0], [1], [0, 0, 1, 1], [], []>, transpose_lhs_hint = false} : vector<1x64xf32>, vector<64x1xf32>, vector<1x1xf32> -> vector<1x1xf32>
    %squeeze3A = vector.extract %dot_general3A_54[0, 0] : f32 from vector<1x1xf32>
    %reduce_sum3A_55 = vector.shape_cast %get3A_48 : vector<256x128xf32> to vector<1x256x128xf32>
    %reduce_sum3A_56 = arith.constant dense<0.000000e+00> : vector<1xf32>
    %reduce_sum3A_57 = vector.multi_reduction <add>, %reduce_sum3A_55, %reduce_sum3A_56 [1, 2] : vector<1x256x128xf32> to vector<1xf32>
    %reduce_sum3A_58 = vector.shape_cast %reduce_sum3A_57 : vector<1xf32> to vector<1x1x1xf32>
    %reduce_sum3A_59 = vector.extract %reduce_sum3A_58[0, 0, 0] : f32 from vector<1x1x1xf32>
    %div3A = arith.constant 3.276800e+04 : f32
    %div3A_60 = arith.divf %reduce_sum3A_59, %div3A : f32
    %reduce_max3A = vector.shape_cast %get3A_48 : vector<256x128xf32> to vector<1x256x128xf32>
    %reduce_max3A_61 = arith.constant dense<0xFF800000> : vector<1xf32>
    %reduce_max3A_62 = vector.multi_reduction <maximumf>, %reduce_max3A, %reduce_max3A_61 [1, 2] : vector<1x256x128xf32> to vector<1xf32>
    %reduce_max3A_63 = vector.shape_cast %reduce_max3A_62 : vector<1xf32> to vector<1x1x1xf32>
    %reduce_max3A_64 = vector.extract %reduce_max3A_63[0, 0, 0] : f32 from vector<1x1x1xf32>
    %reduce_min3A = vector.shape_cast %get3A_48 : vector<256x128xf32> to vector<1x256x128xf32>
    %reduce_min3A_65 = arith.constant dense<0x7F800000> : vector<1xf32>
    %reduce_min3A_66 = vector.multi_reduction <minimumf>, %reduce_min3A, %reduce_min3A_65 [1, 2] : vector<1x256x128xf32> to vector<1xf32>
    %reduce_min3A_67 = vector.shape_cast %reduce_min3A_66 : vector<1xf32> to vector<1x1x1xf32>
    %reduce_min3A_68 = vector.extract %reduce_min3A_67[0, 0, 0] : f32 from vector<1x1x1xf32>
    %mul3A_69 = arith.mulf %squeeze3A, %reduce_max3A_64 : f32
    %mul3A_70 = arith.mulf %squeeze3A, %reduce_min3A_68 : f32
    %max3A_71 = arith.maximumf %mul3A_69, %mul3A_70 : f32
    %mul3A_72 = arith.mulf %squeeze3A, %div3A_60 : f32
    %max3A_73 = arith.maximumf %max3A_71, %mul3A_72 : f32
    %reduce_max3A_74 = vector.shape_cast %dot_general3A_50 : vector<1024x1xf32> to vector<1x1024x1xf32>
    %reduce_max3A_75 = arith.constant dense<0xFF800000> : vector<1xf32>
    %reduce_max3A_76 = vector.multi_reduction <maximumf>, %reduce_max3A_74, %reduce_max3A_75 [1, 2] : vector<1x1024x1xf32> to vector<1xf32>
    %reduce_max3A_77 = vector.shape_cast %reduce_max3A_76 : vector<1xf32> to vector<1x1x1xf32>
    %reduce_max3A_78 = vector.extract %reduce_max3A_77[0, 0, 0] : f32 from vector<1x1x1xf32>
    %reduce_max3A_79 = vector.shape_cast %dot_general3A_52 : vector<1024x1xf32> to vector<1x1024x1xf32>
    %reduce_max3A_80 = arith.constant dense<0xFF800000> : vector<1xf32>
    %reduce_max3A_81 = vector.multi_reduction <maximumf>, %reduce_max3A_79, %reduce_max3A_80 [1, 2] : vector<1x1024x1xf32> to vector<1xf32>
    %reduce_max3A_82 = vector.shape_cast %reduce_max3A_81 : vector<1xf32> to vector<1x1x1xf32>
    %reduce_max3A_83 = vector.extract %reduce_max3A_82[0, 0, 0] : f32 from vector<1x1x1xf32>
    %add3A_84 = arith.addf %reduce_max3A_78, %reduce_max3A_83 : f32
    %add3A_85 = arith.addf %add3A_84, %max3A_73 : f32
    %max3A_86 = arith.constant 0.000000e+00 : f32
    %max3A_87 = arith.maximumf %add3A_85, %max3A_86 : f32
    %broadcast_in_dim3A_88 = vector.broadcast %squeeze3A : f32 to vector<1x16xf32>
    %mul3A_89 = arith.mulf %squeeze3A, %div3A_60 : f32
    %broadcast_in_dim3A_90 = vector.broadcast %mul3A_89 : f32 to vector<1x16xf32>
    %broadcast_in_dim3A_91 = vector.broadcast %max3A_87 : f32 to vector<1x16xf32>
    %broadcast_in_dim3A_92 = arith.constant 0.000000e+00 : f32
    %broadcast_in_dim3A_93 = vector.broadcast %broadcast_in_dim3A_92 : f32 to vector<5x16xf32>
    %concatenate3A = tpu.concatenate %broadcast_in_dim3A_88, %broadcast_in_dim3A_90, %broadcast_in_dim3A_91, %broadcast_in_dim3A_93 in 0 : vector<1x16xf32>, vector<1x16xf32>, vector<1x16xf32>, vector<5x16xf32> -> vector<8x16xf32>
    %swap3A_94 = arith.constant 0 : index
    %swap3A_95 = arith.constant 0 : index
    %swap3A_96 = vector.load %arg12[%swap3A_94, %swap3A_95] : memref<1024x1xf32, #tpu.memory_space<vmem>>, vector<1024x1xf32>
    tpu.vector_store %arg12[%swap3A_94, %swap3A_95], %dot_general3A_50 {strides = array<i32>} : memref<1024x1xf32, #tpu.memory_space<vmem>>, vector<1024x1xf32>,
    %swap3A_97 = arith.constant 0 : index
    %swap3A_98 = arith.constant 0 : index
    %swap3A_99 = vector.load %arg13[%swap3A_97, %swap3A_98] : memref<1024x1xf32, #tpu.memory_space<vmem>>, vector<1024x1xf32>
    tpu.vector_store %arg13[%swap3A_97, %swap3A_98], %dot_general3A_52 {strides = array<i32>} : memref<1024x1xf32, #tpu.memory_space<vmem>>, vector<1024x1xf32>,
    %swap3A_100 = arith.constant 0 : index
    %swap3A_101 = arith.constant 0 : index
    %swap3A_102 = vector.load %arg15[%swap3A_100, %swap3A_101] : memref<8x16xf32, #tpu.memory_space<vmem>>, vector<8x16xf32>
    tpu.vector_store %arg15[%swap3A_100, %swap3A_101], %concatenate3A {strides = array<i32>} : memref<8x16xf32, #tpu.memory_space<vmem>>, vector<8x16xf32>,
    return
  }
}

module attributes {stable_mosaic.version = 14 : i64} {
  func.func @_t2_body(%arg0: memref<1024x1024xf32, #tpu.memory_space<vmem>>, %arg1: memref<1024x1xf32, #tpu.memory_space<vmem>>, %arg2: memref<1024x64xf32, #tpu.memory_space<vmem>>, %arg3: memref<1024x64xf32, #tpu.memory_space<vmem>>, %arg4: memref<1024x1024xf32, #tpu.memory_space<vmem>>, %arg5: memref<64x64xf32, #tpu.memory_space<vmem>>, %arg6: memref<1x64xf32, #tpu.memory_space<vmem>>, %arg7: memref<64x64xf32, #tpu.memory_space<vmem>>, %arg8: memref<64x1xf32, #tpu.memory_space<vmem>>, %arg9: memref<64x1xf32, #tpu.memory_space<vmem>>, %arg10: memref<1x64xf32, #tpu.memory_space<vmem>>, %arg11: memref<64x1xf32, #tpu.memory_space<vmem>>, %arg12: memref<1x64xf32, #tpu.memory_space<vmem>>, %arg13: memref<256x128xf32, #tpu.memory_space<vmem>>, %arg14: memref<1024x64xf32, #tpu.memory_space<vmem>>, %arg15: memref<1024x64xf32, #tpu.memory_space<vmem>>, %arg16: memref<1024x1xf32, #tpu.memory_space<vmem>>, %arg17: memref<1024x1xf32, #tpu.memory_space<vmem>>, %arg18: memref<8x16xf32, #tpu.memory_space<vmem>>) attributes {dimension_semantics = [], scalar_prefetch = 0 : i64, scratch_operands = 0 : i64, tpu.core_type = #tpu.core_type<tc>} {
    %get3A = arith.constant 0 : index
    %get3A_0 = arith.constant 0 : index
    %get3A_1 = vector.load %arg0[%get3A, %get3A_0] : memref<1024x1024xf32, #tpu.memory_space<vmem>>, vector<1024x1024xf32>
    %get3A_2 = arith.constant 0 : index
    %get3A_3 = arith.constant 0 : index
    %get3A_4 = vector.load %arg1[%get3A_2, %get3A_3] : memref<1024x1xf32, #tpu.memory_space<vmem>>, vector<1024x1xf32>
    %get3A_5 = arith.constant 0 : index
    %get3A_6 = arith.constant 0 : index
    %get3A_7 = vector.load %arg4[%get3A_5, %get3A_6] : memref<1024x1024xf32, #tpu.memory_space<vmem>>, vector<1024x1024xf32>
    %reduce_sum3A = arith.constant dense<0.000000e+00> : vector<1024xf32>
    %reduce_sum3A_8 = vector.multi_reduction <add>, %get3A_7, %reduce_sum3A [1] : vector<1024x1024xf32> to vector<1024xf32>
    %broadcast_in_dim3A = vector.shape_cast %reduce_sum3A_8 : vector<1024xf32> to vector<1024x1xf32>
    %add3A = arith.constant 1.000000e-16 : f32
    %add3A_9 = vector.broadcast %add3A : f32 to vector<1024x1xf32>
    %add3A_10 = arith.addf %broadcast_in_dim3A, %add3A_9 : vector<1024x1xf32>
    %get3A_11 = arith.constant 0 : index
    %get3A_12 = arith.constant 0 : index
    %get3A_13 = vector.load %arg3[%get3A_11, %get3A_12] : memref<1024x64xf32, #tpu.memory_space<vmem>>, vector<1024x64xf32>
    %dot_general3A = arith.constant dense<0.000000e+00> : vector<1024x64xf32>
    %dot_general3A_14 = tpu.matmul %get3A_7, %get3A_13, %dot_general3A {dimension_numbers = #tpu.dot_dimension_numbers<[1], [0], [0], [1], [0, 0, 1, 1], [], []>, transpose_lhs_hint = false} : vector<1024x1024xf32>, vector<1024x64xf32>, vector<1024x64xf32> -> vector<1024x64xf32>
    %div3A = vector.broadcast %add3A_10 : vector<1024x1xf32> to vector<1024x64xf32>
    %div3A_15 = arith.divf %dot_general3A_14, %div3A : vector<1024x64xf32>
    %get3A_16 = arith.constant 0 : index
    %get3A_17 = arith.constant 0 : index
    %get3A_18 = vector.load %arg12[%get3A_16, %get3A_17] : memref<1x64xf32, #tpu.memory_space<vmem>>, vector<1x64xf32>
    %add3A_19 = vector.broadcast %get3A_18 : vector<1x64xf32> to vector<1024x64xf32>
    %add3A_20 = arith.addf %div3A_15, %add3A_19 : vector<1024x64xf32>
    %max3A = arith.constant 0.000000e+00 : f32
    %max3A_21 = vector.broadcast %max3A : f32 to vector<1024x64xf32>
    %max3A_22 = arith.maximumf %add3A_20, %max3A_21 : vector<1024x64xf32>
    %get3A_23 = arith.constant 0 : index
    %get3A_24 = arith.constant 0 : index
    %get3A_25 = vector.load %arg2[%get3A_23, %get3A_24] : memref<1024x64xf32, #tpu.memory_space<vmem>>, vector<1024x64xf32>
    %get3A_26 = arith.constant 0 : index
    %get3A_27 = arith.constant 0 : index
    %get3A_28 = vector.load %arg5[%get3A_26, %get3A_27] : memref<64x64xf32, #tpu.memory_space<vmem>>, vector<64x64xf32>
    %dot_general3A_29 = arith.constant dense<0.000000e+00> : vector<1024x64xf32>
    %dot_general3A_30 = tpu.matmul %get3A_25, %get3A_28, %dot_general3A_29 {dimension_numbers = #tpu.dot_dimension_numbers<[1], [0], [0], [1], [0, 0, 1, 1], [], []>, transpose_lhs_hint = false} : vector<1024x64xf32>, vector<64x64xf32>, vector<1024x64xf32> -> vector<1024x64xf32>
    %mul3A = vector.broadcast %get3A_4 : vector<1024x1xf32> to vector<1024x64xf32>
    %mul3A_31 = arith.mulf %mul3A, %dot_general3A_30 : vector<1024x64xf32>
    %dot_general3A_32 = arith.constant dense<0.000000e+00> : vector<1024x64xf32>
    %dot_general3A_33 = tpu.matmul %get3A_1, %mul3A_31, %dot_general3A_32 {dimension_numbers = #tpu.dot_dimension_numbers<[1], [0], [0], [1], [0, 0, 1, 1], [], []>, transpose_lhs_hint = false} : vector<1024x1024xf32>, vector<1024x64xf32>, vector<1024x64xf32> -> vector<1024x64xf32>
    %mul3A_34 = vector.broadcast %get3A_4 : vector<1024x1xf32> to vector<1024x64xf32>
    %mul3A_35 = arith.mulf %mul3A_34, %dot_general3A_33 : vector<1024x64xf32>
    %get3A_36 = arith.constant 0 : index
    %get3A_37 = arith.constant 0 : index
    %get3A_38 = vector.load %arg6[%get3A_36, %get3A_37] : memref<1x64xf32, #tpu.memory_space<vmem>>, vector<1x64xf32>
    %add3A_39 = vector.broadcast %get3A_38 : vector<1x64xf32> to vector<1024x64xf32>
    %add3A_40 = arith.addf %mul3A_35, %add3A_39 : vector<1024x64xf32>
    %max3A_41 = arith.constant 0.000000e+00 : f32
    %max3A_42 = vector.broadcast %max3A_41 : f32 to vector<1024x64xf32>
    %max3A_43 = arith.maximumf %add3A_40, %max3A_42 : vector<1024x64xf32>
    %swap3A = arith.constant 0 : index
    %swap3A_44 = arith.constant 0 : index
    %swap3A_45 = vector.load %arg14[%swap3A, %swap3A_44] : memref<1024x64xf32, #tpu.memory_space<vmem>>, vector<1024x64xf32>
    tpu.vector_store %arg14[%swap3A, %swap3A_44], %max3A_43 {strides = array<i32>} : memref<1024x64xf32, #tpu.memory_space<vmem>>, vector<1024x64xf32>,
    %get3A_46 = arith.constant 0 : index
    %get3A_47 = arith.constant 0 : index
    %get3A_48 = vector.load %arg7[%get3A_46, %get3A_47] : memref<64x64xf32, #tpu.memory_space<vmem>>, vector<64x64xf32>
    %dot_general3A_49 = arith.constant dense<0.000000e+00> : vector<1024x64xf32>
    %dot_general3A_50 = tpu.matmul %max3A_22, %get3A_48, %dot_general3A_49 {dimension_numbers = #tpu.dot_dimension_numbers<[1], [0], [0], [1], [0, 0, 1, 1], [], []>, transpose_lhs_hint = false} : vector<1024x64xf32>, vector<64x64xf32>, vector<1024x64xf32> -> vector<1024x64xf32>
    %swap3A_51 = arith.constant 0 : index
    %swap3A_52 = arith.constant 0 : index
    %swap3A_53 = vector.load %arg15[%swap3A_51, %swap3A_52] : memref<1024x64xf32, #tpu.memory_space<vmem>>, vector<1024x64xf32>
    tpu.vector_store %arg15[%swap3A_51, %swap3A_52], %dot_general3A_50 {strides = array<i32>} : memref<1024x64xf32, #tpu.memory_space<vmem>>, vector<1024x64xf32>,
    %get3A_54 = arith.constant 0 : index
    %get3A_55 = arith.constant 0 : index
    %get3A_56 = vector.load %arg8[%get3A_54, %get3A_55] : memref<64x1xf32, #tpu.memory_space<vmem>>, vector<64x1xf32>
    %get3A_57 = arith.constant 0 : index
    %get3A_58 = arith.constant 0 : index
    %get3A_59 = vector.load %arg9[%get3A_57, %get3A_58] : memref<64x1xf32, #tpu.memory_space<vmem>>, vector<64x1xf32>
    %get3A_60 = arith.constant 0 : index
    %get3A_61 = arith.constant 0 : index
    %get3A_62 = vector.load %arg10[%get3A_60, %get3A_61] : memref<1x64xf32, #tpu.memory_space<vmem>>, vector<1x64xf32>
    %get3A_63 = arith.constant 0 : index
    %get3A_64 = arith.constant 0 : index
    %get3A_65 = vector.load %arg11[%get3A_63, %get3A_64] : memref<64x1xf32, #tpu.memory_space<vmem>>, vector<64x1xf32>
    %get3A_66 = arith.constant 0 : index
    %get3A_67 = arith.constant 0 : index
    %get3A_68 = vector.load %arg13[%get3A_66, %get3A_67] : memref<256x128xf32, #tpu.memory_space<vmem>>, vector<256x128xf32>
    %dot_general3A_69 = arith.constant dense<0.000000e+00> : vector<1024x1xf32>
    %dot_general3A_70 = tpu.matmul %dot_general3A_50, %get3A_56, %dot_general3A_69 {dimension_numbers = #tpu.dot_dimension_numbers<[1], [0], [0], [1], [0, 0, 1, 1], [], []>, transpose_lhs_hint = false} : vector<1024x64xf32>, vector<64x1xf32>, vector<1024x1xf32> -> vector<1024x1xf32>
    %dot_general3A_71 = arith.constant dense<0.000000e+00> : vector<1024x1xf32>
    %dot_general3A_72 = tpu.matmul %dot_general3A_50, %get3A_59, %dot_general3A_71 {dimension_numbers = #tpu.dot_dimension_numbers<[1], [0], [0], [1], [0, 0, 1, 1], [], []>, transpose_lhs_hint = false} : vector<1024x64xf32>, vector<64x1xf32>, vector<1024x1xf32> -> vector<1024x1xf32>
    %dot_general3A_73 = arith.constant dense<0.000000e+00> : vector<1x1xf32>
    %dot_general3A_74 = tpu.matmul %get3A_62, %get3A_65, %dot_general3A_73 {dimension_numbers = #tpu.dot_dimension_numbers<[1], [0], [0], [1], [0, 0, 1, 1], [], []>, transpose_lhs_hint = false} : vector<1x64xf32>, vector<64x1xf32>, vector<1x1xf32> -> vector<1x1xf32>
    %squeeze3A = vector.extract %dot_general3A_74[0, 0] : f32 from vector<1x1xf32>
    %reduce_sum3A_75 = vector.shape_cast %get3A_68 : vector<256x128xf32> to vector<1x256x128xf32>
    %reduce_sum3A_76 = arith.constant dense<0.000000e+00> : vector<1xf32>
    %reduce_sum3A_77 = vector.multi_reduction <add>, %reduce_sum3A_75, %reduce_sum3A_76 [1, 2] : vector<1x256x128xf32> to vector<1xf32>
    %reduce_sum3A_78 = vector.shape_cast %reduce_sum3A_77 : vector<1xf32> to vector<1x1x1xf32>
    %reduce_sum3A_79 = vector.extract %reduce_sum3A_78[0, 0, 0] : f32 from vector<1x1x1xf32>
    %div3A_80 = arith.constant 3.276800e+04 : f32
    %div3A_81 = arith.divf %reduce_sum3A_79, %div3A_80 : f32
    %reduce_max3A = vector.shape_cast %get3A_68 : vector<256x128xf32> to vector<1x256x128xf32>
    %reduce_max3A_82 = arith.constant dense<0xFF800000> : vector<1xf32>
    %reduce_max3A_83 = vector.multi_reduction <maximumf>, %reduce_max3A, %reduce_max3A_82 [1, 2] : vector<1x256x128xf32> to vector<1xf32>
    %reduce_max3A_84 = vector.shape_cast %reduce_max3A_83 : vector<1xf32> to vector<1x1x1xf32>
    %reduce_max3A_85 = vector.extract %reduce_max3A_84[0, 0, 0] : f32 from vector<1x1x1xf32>
    %reduce_min3A = vector.shape_cast %get3A_68 : vector<256x128xf32> to vector<1x256x128xf32>
    %reduce_min3A_86 = arith.constant dense<0x7F800000> : vector<1xf32>
    %reduce_min3A_87 = vector.multi_reduction <minimumf>, %reduce_min3A, %reduce_min3A_86 [1, 2] : vector<1x256x128xf32> to vector<1xf32>
    %reduce_min3A_88 = vector.shape_cast %reduce_min3A_87 : vector<1xf32> to vector<1x1x1xf32>
    %reduce_min3A_89 = vector.extract %reduce_min3A_88[0, 0, 0] : f32 from vector<1x1x1xf32>
    %mul3A_90 = arith.mulf %squeeze3A, %reduce_max3A_85 : f32
    %mul3A_91 = arith.mulf %squeeze3A, %reduce_min3A_89 : f32
    %max3A_92 = arith.maximumf %mul3A_90, %mul3A_91 : f32
    %mul3A_93 = arith.mulf %squeeze3A, %div3A_81 : f32
    %max3A_94 = arith.maximumf %max3A_92, %mul3A_93 : f32
    %reduce_max3A_95 = vector.shape_cast %dot_general3A_70 : vector<1024x1xf32> to vector<1x1024x1xf32>
    %reduce_max3A_96 = arith.constant dense<0xFF800000> : vector<1xf32>
    %reduce_max3A_97 = vector.multi_reduction <maximumf>, %reduce_max3A_95, %reduce_max3A_96 [1, 2] : vector<1x1024x1xf32> to vector<1xf32>
    %reduce_max3A_98 = vector.shape_cast %reduce_max3A_97 : vector<1xf32> to vector<1x1x1xf32>
    %reduce_max3A_99 = vector.extract %reduce_max3A_98[0, 0, 0] : f32 from vector<1x1x1xf32>
    %reduce_max3A_100 = vector.shape_cast %dot_general3A_72 : vector<1024x1xf32> to vector<1x1024x1xf32>
    %reduce_max3A_101 = arith.constant dense<0xFF800000> : vector<1xf32>
    %reduce_max3A_102 = vector.multi_reduction <maximumf>, %reduce_max3A_100, %reduce_max3A_101 [1, 2] : vector<1x1024x1xf32> to vector<1xf32>
    %reduce_max3A_103 = vector.shape_cast %reduce_max3A_102 : vector<1xf32> to vector<1x1x1xf32>
    %reduce_max3A_104 = vector.extract %reduce_max3A_103[0, 0, 0] : f32 from vector<1x1x1xf32>
    %add3A_105 = arith.addf %reduce_max3A_99, %reduce_max3A_104 : f32
    %add3A_106 = arith.addf %add3A_105, %max3A_94 : f32
    %max3A_107 = arith.constant 0.000000e+00 : f32
    %max3A_108 = arith.maximumf %add3A_106, %max3A_107 : f32
    %broadcast_in_dim3A_109 = vector.broadcast %squeeze3A : f32 to vector<1x16xf32>
    %mul3A_110 = arith.mulf %squeeze3A, %div3A_81 : f32
    %broadcast_in_dim3A_111 = vector.broadcast %mul3A_110 : f32 to vector<1x16xf32>
    %broadcast_in_dim3A_112 = vector.broadcast %max3A_108 : f32 to vector<1x16xf32>
    %broadcast_in_dim3A_113 = arith.constant 0.000000e+00 : f32
    %broadcast_in_dim3A_114 = vector.broadcast %broadcast_in_dim3A_113 : f32 to vector<5x16xf32>
    %concatenate3A = tpu.concatenate %broadcast_in_dim3A_109, %broadcast_in_dim3A_111, %broadcast_in_dim3A_112, %broadcast_in_dim3A_114 in 0 : vector<1x16xf32>, vector<1x16xf32>, vector<1x16xf32>, vector<5x16xf32> -> vector<8x16xf32>
    %swap3A_115 = arith.constant 0 : index
    %swap3A_116 = arith.constant 0 : index
    %swap3A_117 = vector.load %arg16[%swap3A_115, %swap3A_116] : memref<1024x1xf32, #tpu.memory_space<vmem>>, vector<1024x1xf32>
    tpu.vector_store %arg16[%swap3A_115, %swap3A_116], %dot_general3A_70 {strides = array<i32>} : memref<1024x1xf32, #tpu.memory_space<vmem>>, vector<1024x1xf32>,
    %swap3A_118 = arith.constant 0 : index
    %swap3A_119 = arith.constant 0 : index
    %swap3A_120 = vector.load %arg17[%swap3A_118, %swap3A_119] : memref<1024x1xf32, #tpu.memory_space<vmem>>, vector<1024x1xf32>
    tpu.vector_store %arg17[%swap3A_118, %swap3A_119], %dot_general3A_72 {strides = array<i32>} : memref<1024x1xf32, #tpu.memory_space<vmem>>, vector<1024x1xf32>,
    %swap3A_121 = arith.constant 0 : index
    %swap3A_122 = arith.constant 0 : index
    %swap3A_123 = vector.load %arg18[%swap3A_121, %swap3A_122] : memref<8x16xf32, #tpu.memory_space<vmem>>, vector<8x16xf32>
    tpu.vector_store %arg18[%swap3A_121, %swap3A_122], %concatenate3A {strides = array<i32>} : memref<8x16xf32, #tpu.memory_space<vmem>>, vector<8x16xf32>,
    return
  }
}

module attributes {stable_mosaic.version = 14 : i64} {
  func.func @_pair_fused_body(%arg0: i32, %arg1: memref<1024x1024xf32, #tpu.memory_space<vmem>>, %arg2: memref<1024x1xf32, #tpu.memory_space<vmem>>, %arg3: memref<1024x64xf32, #tpu.memory_space<vmem>>, %arg4: memref<1024x64xf32, #tpu.memory_space<vmem>>, %arg5: memref<1024x1024xf32, #tpu.memory_space<vmem>>, %arg6: memref<1x64xf32, #tpu.memory_space<vmem>>, %arg7: memref<64x64xf32, #tpu.memory_space<vmem>>, %arg8: memref<1x64xf32, #tpu.memory_space<vmem>>, %arg9: memref<64x64xf32, #tpu.memory_space<vmem>>, %arg10: memref<64x64xf32, #tpu.memory_space<vmem>>, %arg11: memref<1x64xf32, #tpu.memory_space<vmem>>, %arg12: memref<64x1xf32, #tpu.memory_space<vmem>>, %arg13: memref<1x1xf32, #tpu.memory_space<vmem>>, %arg14: memref<256x1024xf32, #tpu.memory_space<vmem>>, %arg15: memref<1024x64xf32, #tpu.memory_space<vmem>>, %arg16: memref<64x1024xf32, #tpu.memory_space<vmem>>) attributes {dimension_semantics = [#tpu.dimension_semantics<arbitrary>], iteration_bounds = array<i64: 4>, scalar_prefetch = 0 : i64, scratch_operands = 2 : i64, tpu.core_type = #tpu.core_type<tc>, window_params = [{pipeline_mode = #tpu.pipeline_mode<synchronous>, transform_indices = @transform_0, window_bounds = array<i64: 1024, 1024>}, {pipeline_mode = #tpu.pipeline_mode<synchronous>, transform_indices = @transform_1, window_bounds = array<i64: 1024, 1>}, {pipeline_mode = #tpu.pipeline_mode<synchronous>, transform_indices = @transform_2, window_bounds = array<i64: 1024, 64>}, {pipeline_mode = #tpu.pipeline_mode<synchronous>, transform_indices = @transform_3, window_bounds = array<i64: 1024, 64>}, {pipeline_mode = #tpu.pipeline_mode<synchronous>, transform_indices = @transform_4, window_bounds = array<i64: 1024, 1024>}, {pipeline_mode = #tpu.pipeline_mode<synchronous>, transform_indices = @transform_5, window_bounds = array<i64: 1, 64>}, {pipeline_mode = #tpu.pipeline_mode<synchronous>, transform_indices = @transform_6, window_bounds = array<i64: 64, 64>}, {pipeline_mode = #tpu.pipeline_mode<synchronous>, transform_indices = @transform_7, window_bounds = array<i64: 1, 64>}, {pipeline_mode = #tpu.pipeline_mode<synchronous>, transform_indices = @transform_8, window_bounds = array<i64: 64, 64>}, {pipeline_mode = #tpu.pipeline_mode<synchronous>, transform_indices = @transform_9, window_bounds = array<i64: 64, 64>}, {pipeline_mode = #tpu.pipeline_mode<synchronous>, transform_indices = @transform_10, window_bounds = array<i64: 1, 64>}, {pipeline_mode = #tpu.pipeline_mode<synchronous>, transform_indices = @transform_11, window_bounds = array<i64: 64, 1>}, {pipeline_mode = #tpu.pipeline_mode<synchronous>, transform_indices = @transform_12, window_bounds = array<i64: 1, 1>}, {transform_indices = @transform_13, window_bounds = array<i64: 256, 1024>}]} {
    %eq3A = arith.constant 0 : i32
    %eq3A_0 = arith.cmpi eq, %arg0, %eq3A : i32
    %convert_element_type3A = arith.extui %eq3A_0 : i1 to i32
    %cond3A = arith.constant 0 : i32
    %cond3A_1 = arith.cmpi ne, %convert_element_type3A, %cond3A : i32
    scf.if %cond3A_1 {
      %get3A_916 = arith.constant 0 : index
      %get3A_917 = arith.constant 0 : index
      %get3A_918 = vector.load %arg1[%get3A_916, %get3A_917] : memref<1024x1024xf32, #tpu.memory_space<vmem>>, vector<1024x1024xf32>
      %get3A_919 = arith.constant 0 : index
      %get3A_920 = arith.constant 0 : index
      %get3A_921 = vector.load %arg2[%get3A_919, %get3A_920] : memref<1024x1xf32, #tpu.memory_space<vmem>>, vector<1024x1xf32>
      %get3A_922 = arith.constant 0 : index
      %get3A_923 = arith.constant 0 : index
      %get3A_924 = vector.load %arg5[%get3A_922, %get3A_923] : memref<1024x1024xf32, #tpu.memory_space<vmem>>, vector<1024x1024xf32>
      %reduce_sum3A = arith.constant dense<0.000000e+00> : vector<1024xf32>
      %reduce_sum3A_925 = vector.multi_reduction <add>, %get3A_924, %reduce_sum3A [1] : vector<1024x1024xf32> to vector<1024xf32>
      %broadcast_in_dim3A_926 = vector.shape_cast %reduce_sum3A_925 : vector<1024xf32> to vector<1024x1xf32>
      %add3A_927 = arith.constant 1.000000e-16 : f32
      %add3A_928 = vector.broadcast %add3A_927 : f32 to vector<1024x1xf32>
      %add3A_929 = arith.addf %broadcast_in_dim3A_926, %add3A_928 : vector<1024x1xf32>
      %get3A_930 = arith.constant 0 : index
      %get3A_931 = arith.constant 0 : index
      %get3A_932 = vector.load %arg4[%get3A_930, %get3A_931] : memref<1024x64xf32, #tpu.memory_space<vmem>>, vector<1024x64xf32>
      %dot_general3A = arith.constant dense<0.000000e+00> : vector<1024x64xf32>
      %dot_general3A_933 = tpu.matmul %get3A_924, %get3A_932, %dot_general3A {dimension_numbers = #tpu.dot_dimension_numbers<[1], [0], [0], [1], [0, 0, 1, 1], [], []>, transpose_lhs_hint = false} : vector<1024x1024xf32>, vector<1024x64xf32>, vector<1024x64xf32> -> vector<1024x64xf32>
      %div3A_934 = vector.broadcast %add3A_929 : vector<1024x1xf32> to vector<1024x64xf32>
      %div3A_935 = arith.divf %dot_general3A_933, %div3A_934 : vector<1024x64xf32>
      %get3A_936 = arith.constant 0 : index
      %get3A_937 = arith.constant 0 : index
      %get3A_938 = vector.load %arg6[%get3A_936, %get3A_937] : memref<1x64xf32, #tpu.memory_space<vmem>>, vector<1x64xf32>
      %add3A_939 = vector.broadcast %get3A_938 : vector<1x64xf32> to vector<1024x64xf32>
      %add3A_940 = arith.addf %div3A_935, %add3A_939 : vector<1024x64xf32>
      %max3A_941 = arith.constant 0.000000e+00 : f32
      %max3A_942 = vector.broadcast %max3A_941 : f32 to vector<1024x64xf32>
      %max3A_943 = arith.maximumf %add3A_940, %max3A_942 : vector<1024x64xf32>
      %get3A_944 = arith.constant 0 : index
      %get3A_945 = arith.constant 0 : index
      %get3A_946 = vector.load %arg3[%get3A_944, %get3A_945] : memref<1024x64xf32, #tpu.memory_space<vmem>>, vector<1024x64xf32>
      %mul3A_947 = arith.constant 0.699999988 : f32
      %mul3A_948 = vector.broadcast %mul3A_947 : f32 to vector<1024x64xf32>
      %mul3A_949 = arith.mulf %mul3A_948, %get3A_946 : vector<1024x64xf32>
      %mul3A_950 = arith.constant 3.000000e-01 : f32
      %mul3A_951 = vector.broadcast %mul3A_950 : f32 to vector<1024x64xf32>
      %mul3A_952 = arith.mulf %mul3A_951, %max3A_943 : vector<1024x64xf32>
      %add3A_953 = arith.addf %mul3A_949, %mul3A_952 : vector<1024x64xf32>
      %get3A_954 = arith.constant 0 : index
      %get3A_955 = arith.constant 0 : index
      %get3A_956 = vector.load %arg7[%get3A_954, %get3A_955] : memref<64x64xf32, #tpu.memory_space<vmem>>, vector<64x64xf32>
      %dot_general3A_957 = arith.constant dense<0.000000e+00> : vector<1024x64xf32>
      %dot_general3A_958 = tpu.matmul %add3A_953, %get3A_956, %dot_general3A_957 {dimension_numbers = #tpu.dot_dimension_numbers<[1], [0], [0], [1], [0, 0, 1, 1], [], []>, transpose_lhs_hint = false} : vector<1024x64xf32>, vector<64x64xf32>, vector<1024x64xf32> -> vector<1024x64xf32>
      %mul3A_959 = vector.broadcast %get3A_921 : vector<1024x1xf32> to vector<1024x64xf32>
      %mul3A_960 = arith.mulf %mul3A_959, %dot_general3A_958 : vector<1024x64xf32>
      %dot_general3A_961 = arith.constant dense<0.000000e+00> : vector<1024x64xf32>
      %dot_general3A_962 = tpu.matmul %get3A_918, %mul3A_960, %dot_general3A_961 {dimension_numbers = #tpu.dot_dimension_numbers<[1], [0], [0], [1], [0, 0, 1, 1], [], []>, transpose_lhs_hint = false} : vector<1024x1024xf32>, vector<1024x64xf32>, vector<1024x64xf32> -> vector<1024x64xf32>
      %mul3A_963 = vector.broadcast %get3A_921 : vector<1024x1xf32> to vector<1024x64xf32>
      %mul3A_964 = arith.mulf %mul3A_963, %dot_general3A_962 : vector<1024x64xf32>
      %get3A_965 = arith.constant 0 : index
      %get3A_966 = arith.constant 0 : index
      %get3A_967 = vector.load %arg8[%get3A_965, %get3A_966] : memref<1x64xf32, #tpu.memory_space<vmem>>, vector<1x64xf32>
      %add3A_968 = vector.broadcast %get3A_967 : vector<1x64xf32> to vector<1024x64xf32>
      %add3A_969 = arith.addf %mul3A_964, %add3A_968 : vector<1024x64xf32>
      %max3A_970 = arith.constant 0.000000e+00 : f32
      %max3A_971 = vector.broadcast %max3A_970 : f32 to vector<1024x64xf32>
      %max3A_972 = arith.maximumf %add3A_969, %max3A_971 : vector<1024x64xf32>
      %get3A_973 = arith.constant 0 : index
      %get3A_974 = arith.constant 0 : index
      %get3A_975 = vector.load %arg9[%get3A_973, %get3A_974] : memref<64x64xf32, #tpu.memory_space<vmem>>, vector<64x64xf32>
      %dot_general3A_976 = arith.constant dense<0.000000e+00> : vector<1024x64xf32>
      %dot_general3A_977 = tpu.matmul %max3A_972, %get3A_975, %dot_general3A_976 {dimension_numbers = #tpu.dot_dimension_numbers<[1], [0], [0], [1], [0, 0, 1, 1], [], []>, transpose_lhs_hint = false} : vector<1024x64xf32>, vector<64x64xf32>, vector<1024x64xf32> -> vector<1024x64xf32>
      %get3A_978 = arith.constant 0 : index
      %get3A_979 = arith.constant 0 : index
      %get3A_980 = vector.load %arg11[%get3A_978, %get3A_979] : memref<1x64xf32, #tpu.memory_space<vmem>>, vector<1x64xf32>
      %add3A_981 = vector.broadcast %get3A_980 : vector<1x64xf32> to vector<1024x64xf32>
      %add3A_982 = arith.addf %dot_general3A_977, %add3A_981 : vector<1024x64xf32>
      %swap3A_983 = arith.constant 0 : index
      %swap3A_984 = arith.constant 0 : index
      %swap3A_985 = vector.load %arg15[%swap3A_983, %swap3A_984] : memref<1024x64xf32, #tpu.memory_space<vmem>>, vector<1024x64xf32>
      tpu.vector_store %arg15[%swap3A_983, %swap3A_984], %add3A_982 {strides = array<i32>} : memref<1024x64xf32, #tpu.memory_space<vmem>>, vector<1024x64xf32>,
      %get3A_986 = arith.constant 0 : index
      %get3A_987 = arith.constant 0 : index
      %get3A_988 = vector.load %arg10[%get3A_986, %get3A_987] : memref<64x64xf32, #tpu.memory_space<vmem>>, vector<64x64xf32>
      %dot_general3A_989 = arith.constant dense<0.000000e+00> : vector<64x1024xf32>
      %dot_general3A_990 = tpu.matmul %get3A_988, %max3A_972, %dot_general3A_989 {dimension_numbers = #tpu.dot_dimension_numbers<[0], [1], [1], [0], [0, 1, 1, 0], [], []>, transpose_lhs_hint = false} : vector<64x64xf32>, vector<1024x64xf32>, vector<64x1024xf32> -> vector<64x1024xf32>
      %swap3A_991 = arith.constant 0 : index
      %swap3A_992 = arith.constant 0 : index
      %swap3A_993 = vector.load %arg16[%swap3A_991, %swap3A_992] : memref<64x1024xf32, #tpu.memory_space<vmem>>, vector<64x1024xf32>
      tpu.vector_store %arg16[%swap3A_991, %swap3A_992], %dot_general3A_990 {strides = array<i32>} : memref<64x1024xf32, #tpu.memory_space<vmem>>, vector<64x1024xf32>,
    } else {
    }
    %mul3A = arith.constant 256 : i32
    %mul3A_2 = arith.muli %arg0, %mul3A : i32
    %get3A = arith.index_cast %mul3A_2 : i32 to index
    %get3A_3 = arith.constant 0 : index
    %get3A_4 = vector.load %arg15[%get3A, %get3A_3] : memref<1024x64xf32, #tpu.memory_space<vmem>>, vector<256x64xf32>
    %get3A_5 = arith.constant 0 : index
    %get3A_6 = arith.constant 0 : index
    %get3A_7 = vector.load %arg16[%get3A_5, %get3A_6] : memref<64x1024xf32, #tpu.memory_space<vmem>>, vector<64x1024xf32>
    %broadcast_in_dim3A = arith.constant 0.000000e+00 : f32
    %broadcast_in_dim3A_8 = vector.broadcast %broadcast_in_dim3A : f32 to vector<256x1024xf32>
    %slice3A = vector.extract_strided_slice %get3A_4 {offsets = [0, 0], sizes = [256, 1], strides = [1, 1]} : vector<256x64xf32> to vector<256x1xf32>
    %slice3A_9 = vector.extract_strided_slice %get3A_7 {offsets = [0, 0], sizes = [1, 1024], strides = [1, 1]} : vector<64x1024xf32> to vector<1x1024xf32>
    %add3A = vector.broadcast %slice3A : vector<256x1xf32> to vector<256x1024xf32>
    %add3A_10 = vector.broadcast %slice3A_9 : vector<1x1024xf32> to vector<256x1024xf32>
    %add3A_11 = arith.addf %add3A, %add3A_10 : vector<256x1024xf32>
    %max3A = arith.constant 0.000000e+00 : f32
    %max3A_12 = vector.broadcast %max3A : f32 to vector<256x1024xf32>
    %max3A_13 = arith.maximumf %add3A_11, %max3A_12 : vector<256x1024xf32>
    %get3A_14 = arith.constant 0 : index
    %get3A_15 = arith.constant 0 : index
    %get3A_16 = vector.load %arg12[%get3A_14, %get3A_15] : memref<64x1xf32, #tpu.memory_space<vmem>>, vector<1x1xf32>
    %mul3A_17 = vector.broadcast %get3A_16 : vector<1x1xf32> to vector<256x1024xf32>
    %mul3A_18 = arith.mulf %max3A_13, %mul3A_17 : vector<256x1024xf32>
    %add3A_19 = arith.addf %broadcast_in_dim3A_8, %mul3A_18 : vector<256x1024xf32>
    %slice3A_20 = vector.extract_strided_slice %get3A_4 {offsets = [0, 1], sizes = [256, 1], strides = [1, 1]} : vector<256x64xf32> to vector<256x1xf32>
    %slice3A_21 = vector.extract_strided_slice %get3A_7 {offsets = [1, 0], sizes = [1, 1024], strides = [1, 1]} : vector<64x1024xf32> to vector<1x1024xf32>
    %add3A_22 = vector.broadcast %slice3A_20 : vector<256x1xf32> to vector<256x1024xf32>
    %add3A_23 = vector.broadcast %slice3A_21 : vector<1x1024xf32> to vector<256x1024xf32>
    %add3A_24 = arith.addf %add3A_22, %add3A_23 : vector<256x1024xf32>
    %max3A_25 = arith.constant 0.000000e+00 : f32
    %max3A_26 = vector.broadcast %max3A_25 : f32 to vector<256x1024xf32>
    %max3A_27 = arith.maximumf %add3A_24, %max3A_26 : vector<256x1024xf32>
    %get3A_28 = arith.constant 1 : index
    %get3A_29 = arith.constant 0 : index
    %get3A_30 = vector.load %arg12[%get3A_28, %get3A_29] : memref<64x1xf32, #tpu.memory_space<vmem>>, vector<1x1xf32>
    %mul3A_31 = vector.broadcast %get3A_30 : vector<1x1xf32> to vector<256x1024xf32>
    %mul3A_32 = arith.mulf %max3A_27, %mul3A_31 : vector<256x1024xf32>
    %add3A_33 = arith.addf %add3A_19, %mul3A_32 : vector<256x1024xf32>
    %slice3A_34 = vector.extract_strided_slice %get3A_4 {offsets = [0, 2], sizes = [256, 1], strides = [1, 1]} : vector<256x64xf32> to vector<256x1xf32>
    %slice3A_35 = vector.extract_strided_slice %get3A_7 {offsets = [2, 0], sizes = [1, 1024], strides = [1, 1]} : vector<64x1024xf32> to vector<1x1024xf32>
    %add3A_36 = vector.broadcast %slice3A_34 : vector<256x1xf32> to vector<256x1024xf32>
    %add3A_37 = vector.broadcast %slice3A_35 : vector<1x1024xf32> to vector<256x1024xf32>
    %add3A_38 = arith.addf %add3A_36, %add3A_37 : vector<256x1024xf32>
    %max3A_39 = arith.constant 0.000000e+00 : f32
    %max3A_40 = vector.broadcast %max3A_39 : f32 to vector<256x1024xf32>
    %max3A_41 = arith.maximumf %add3A_38, %max3A_40 : vector<256x1024xf32>
    %get3A_42 = arith.constant 2 : index
    %get3A_43 = arith.constant 0 : index
    %get3A_44 = vector.load %arg12[%get3A_42, %get3A_43] : memref<64x1xf32, #tpu.memory_space<vmem>>, vector<1x1xf32>
    %mul3A_45 = vector.broadcast %get3A_44 : vector<1x1xf32> to vector<256x1024xf32>
    %mul3A_46 = arith.mulf %max3A_41, %mul3A_45 : vector<256x1024xf32>
    %add3A_47 = arith.addf %add3A_33, %mul3A_46 : vector<256x1024xf32>
    %slice3A_48 = vector.extract_strided_slice %get3A_4 {offsets = [0, 3], sizes = [256, 1], strides = [1, 1]} : vector<256x64xf32> to vector<256x1xf32>
    %slice3A_49 = vector.extract_strided_slice %get3A_7 {offsets = [3, 0], sizes = [1, 1024], strides = [1, 1]} : vector<64x1024xf32> to vector<1x1024xf32>
    %add3A_50 = vector.broadcast %slice3A_48 : vector<256x1xf32> to vector<256x1024xf32>
    %add3A_51 = vector.broadcast %slice3A_49 : vector<1x1024xf32> to vector<256x1024xf32>
    %add3A_52 = arith.addf %add3A_50, %add3A_51 : vector<256x1024xf32>
    %max3A_53 = arith.constant 0.000000e+00 : f32
    %max3A_54 = vector.broadcast %max3A_53 : f32 to vector<256x1024xf32>
    %max3A_55 = arith.maximumf %add3A_52, %max3A_54 : vector<256x1024xf32>
    %get3A_56 = arith.constant 3 : index
    %get3A_57 = arith.constant 0 : index
    %get3A_58 = vector.load %arg12[%get3A_56, %get3A_57] : memref<64x1xf32, #tpu.memory_space<vmem>>, vector<1x1xf32>
    %mul3A_59 = vector.broadcast %get3A_58 : vector<1x1xf32> to vector<256x1024xf32>
    %mul3A_60 = arith.mulf %max3A_55, %mul3A_59 : vector<256x1024xf32>
    %add3A_61 = arith.addf %add3A_47, %mul3A_60 : vector<256x1024xf32>
    %slice3A_62 = vector.extract_strided_slice %get3A_4 {offsets = [0, 4], sizes = [256, 1], strides = [1, 1]} : vector<256x64xf32> to vector<256x1xf32>
    %slice3A_63 = vector.extract_strided_slice %get3A_7 {offsets = [4, 0], sizes = [1, 1024], strides = [1, 1]} : vector<64x1024xf32> to vector<1x1024xf32>
    %add3A_64 = vector.broadcast %slice3A_62 : vector<256x1xf32> to vector<256x1024xf32>
    %add3A_65 = vector.broadcast %slice3A_63 : vector<1x1024xf32> to vector<256x1024xf32>
    %add3A_66 = arith.addf %add3A_64, %add3A_65 : vector<256x1024xf32>
    %max3A_67 = arith.constant 0.000000e+00 : f32
    %max3A_68 = vector.broadcast %max3A_67 : f32 to vector<256x1024xf32>
    %max3A_69 = arith.maximumf %add3A_66, %max3A_68 : vector<256x1024xf32>
    %get3A_70 = arith.constant 4 : index
    %get3A_71 = arith.constant 0 : index
    %get3A_72 = vector.load %arg12[%get3A_70, %get3A_71] : memref<64x1xf32, #tpu.memory_space<vmem>>, vector<1x1xf32>
    %mul3A_73 = vector.broadcast %get3A_72 : vector<1x1xf32> to vector<256x1024xf32>
    %mul3A_74 = arith.mulf %max3A_69, %mul3A_73 : vector<256x1024xf32>
    %add3A_75 = arith.addf %add3A_61, %mul3A_74 : vector<256x1024xf32>
    %slice3A_76 = vector.extract_strided_slice %get3A_4 {offsets = [0, 5], sizes = [256, 1], strides = [1, 1]} : vector<256x64xf32> to vector<256x1xf32>
    %slice3A_77 = vector.extract_strided_slice %get3A_7 {offsets = [5, 0], sizes = [1, 1024], strides = [1, 1]} : vector<64x1024xf32> to vector<1x1024xf32>
    %add3A_78 = vector.broadcast %slice3A_76 : vector<256x1xf32> to vector<256x1024xf32>
    %add3A_79 = vector.broadcast %slice3A_77 : vector<1x1024xf32> to vector<256x1024xf32>
    %add3A_80 = arith.addf %add3A_78, %add3A_79 : vector<256x1024xf32>
    %max3A_81 = arith.constant 0.000000e+00 : f32
    %max3A_82 = vector.broadcast %max3A_81 : f32 to vector<256x1024xf32>
    %max3A_83 = arith.maximumf %add3A_80, %max3A_82 : vector<256x1024xf32>
    %get3A_84 = arith.constant 5 : index
    %get3A_85 = arith.constant 0 : index
    %get3A_86 = vector.load %arg12[%get3A_84, %get3A_85] : memref<64x1xf32, #tpu.memory_space<vmem>>, vector<1x1xf32>
    %mul3A_87 = vector.broadcast %get3A_86 : vector<1x1xf32> to vector<256x1024xf32>
    %mul3A_88 = arith.mulf %max3A_83, %mul3A_87 : vector<256x1024xf32>
    %add3A_89 = arith.addf %add3A_75, %mul3A_88 : vector<256x1024xf32>
    %slice3A_90 = vector.extract_strided_slice %get3A_4 {offsets = [0, 6], sizes = [256, 1], strides = [1, 1]} : vector<256x64xf32> to vector<256x1xf32>
    %slice3A_91 = vector.extract_strided_slice %get3A_7 {offsets = [6, 0], sizes = [1, 1024], strides = [1, 1]} : vector<64x1024xf32> to vector<1x1024xf32>
    %add3A_92 = vector.broadcast %slice3A_90 : vector<256x1xf32> to vector<256x1024xf32>
    %add3A_93 = vector.broadcast %slice3A_91 : vector<1x1024xf32> to vector<256x1024xf32>
    %add3A_94 = arith.addf %add3A_92, %add3A_93 : vector<256x1024xf32>
    %max3A_95 = arith.constant 0.000000e+00 : f32
    %max3A_96 = vector.broadcast %max3A_95 : f32 to vector<256x1024xf32>
    %max3A_97 = arith.maximumf %add3A_94, %max3A_96 : vector<256x1024xf32>
    %get3A_98 = arith.constant 6 : index
    %get3A_99 = arith.constant 0 : index
    %get3A_100 = vector.load %arg12[%get3A_98, %get3A_99] : memref<64x1xf32, #tpu.memory_space<vmem>>, vector<1x1xf32>
    %mul3A_101 = vector.broadcast %get3A_100 : vector<1x1xf32> to vector<256x1024xf32>
    %mul3A_102 = arith.mulf %max3A_97, %mul3A_101 : vector<256x1024xf32>
    %add3A_103 = arith.addf %add3A_89, %mul3A_102 : vector<256x1024xf32>
    %slice3A_104 = vector.extract_strided_slice %get3A_4 {offsets = [0, 7], sizes = [256, 1], strides = [1, 1]} : vector<256x64xf32> to vector<256x1xf32>
    %slice3A_105 = vector.extract_strided_slice %get3A_7 {offsets = [7, 0], sizes = [1, 1024], strides = [1, 1]} : vector<64x1024xf32> to vector<1x1024xf32>
    %add3A_106 = vector.broadcast %slice3A_104 : vector<256x1xf32> to vector<256x1024xf32>
    %add3A_107 = vector.broadcast %slice3A_105 : vector<1x1024xf32> to vector<256x1024xf32>
    %add3A_108 = arith.addf %add3A_106, %add3A_107 : vector<256x1024xf32>
    %max3A_109 = arith.constant 0.000000e+00 : f32
    %max3A_110 = vector.broadcast %max3A_109 : f32 to vector<256x1024xf32>
    %max3A_111 = arith.maximumf %add3A_108, %max3A_110 : vector<256x1024xf32>
    %get3A_112 = arith.constant 7 : index
    %get3A_113 = arith.constant 0 : index
    %get3A_114 = vector.load %arg12[%get3A_112, %get3A_113] : memref<64x1xf32, #tpu.memory_space<vmem>>, vector<1x1xf32>
    %mul3A_115 = vector.broadcast %get3A_114 : vector<1x1xf32> to vector<256x1024xf32>
    %mul3A_116 = arith.mulf %max3A_111, %mul3A_115 : vector<256x1024xf32>
    %add3A_117 = arith.addf %add3A_103, %mul3A_116 : vector<256x1024xf32>
    %slice3A_118 = vector.extract_strided_slice %get3A_4 {offsets = [0, 8], sizes = [256, 1], strides = [1, 1]} : vector<256x64xf32> to vector<256x1xf32>
    %slice3A_119 = vector.extract_strided_slice %get3A_7 {offsets = [8, 0], sizes = [1, 1024], strides = [1, 1]} : vector<64x1024xf32> to vector<1x1024xf32>
    %add3A_120 = vector.broadcast %slice3A_118 : vector<256x1xf32> to vector<256x1024xf32>
    %add3A_121 = vector.broadcast %slice3A_119 : vector<1x1024xf32> to vector<256x1024xf32>
    %add3A_122 = arith.addf %add3A_120, %add3A_121 : vector<256x1024xf32>
    %max3A_123 = arith.constant 0.000000e+00 : f32
    %max3A_124 = vector.broadcast %max3A_123 : f32 to vector<256x1024xf32>
    %max3A_125 = arith.maximumf %add3A_122, %max3A_124 : vector<256x1024xf32>
    %get3A_126 = arith.constant 8 : index
    %get3A_127 = arith.constant 0 : index
    %get3A_128 = vector.load %arg12[%get3A_126, %get3A_127] : memref<64x1xf32, #tpu.memory_space<vmem>>, vector<1x1xf32>
    %mul3A_129 = vector.broadcast %get3A_128 : vector<1x1xf32> to vector<256x1024xf32>
    %mul3A_130 = arith.mulf %max3A_125, %mul3A_129 : vector<256x1024xf32>
    %add3A_131 = arith.addf %add3A_117, %mul3A_130 : vector<256x1024xf32>
    %slice3A_132 = vector.extract_strided_slice %get3A_4 {offsets = [0, 9], sizes = [256, 1], strides = [1, 1]} : vector<256x64xf32> to vector<256x1xf32>
    %slice3A_133 = vector.extract_strided_slice %get3A_7 {offsets = [9, 0], sizes = [1, 1024], strides = [1, 1]} : vector<64x1024xf32> to vector<1x1024xf32>
    %add3A_134 = vector.broadcast %slice3A_132 : vector<256x1xf32> to vector<256x1024xf32>
    %add3A_135 = vector.broadcast %slice3A_133 : vector<1x1024xf32> to vector<256x1024xf32>
    %add3A_136 = arith.addf %add3A_134, %add3A_135 : vector<256x1024xf32>
    %max3A_137 = arith.constant 0.000000e+00 : f32
    %max3A_138 = vector.broadcast %max3A_137 : f32 to vector<256x1024xf32>
    %max3A_139 = arith.maximumf %add3A_136, %max3A_138 : vector<256x1024xf32>
    %get3A_140 = arith.constant 9 : index
    %get3A_141 = arith.constant 0 : index
    %get3A_142 = vector.load %arg12[%get3A_140, %get3A_141] : memref<64x1xf32, #tpu.memory_space<vmem>>, vector<1x1xf32>
    %mul3A_143 = vector.broadcast %get3A_142 : vector<1x1xf32> to vector<256x1024xf32>
    %mul3A_144 = arith.mulf %max3A_139, %mul3A_143 : vector<256x1024xf32>
    %add3A_145 = arith.addf %add3A_131, %mul3A_144 : vector<256x1024xf32>
    %slice3A_146 = vector.extract_strided_slice %get3A_4 {offsets = [0, 10], sizes = [256, 1], strides = [1, 1]} : vector<256x64xf32> to vector<256x1xf32>
    %slice3A_147 = vector.extract_strided_slice %get3A_7 {offsets = [10, 0], sizes = [1, 1024], strides = [1, 1]} : vector<64x1024xf32> to vector<1x1024xf32>
    %add3A_148 = vector.broadcast %slice3A_146 : vector<256x1xf32> to vector<256x1024xf32>
    %add3A_149 = vector.broadcast %slice3A_147 : vector<1x1024xf32> to vector<256x1024xf32>
    %add3A_150 = arith.addf %add3A_148, %add3A_149 : vector<256x1024xf32>
    %max3A_151 = arith.constant 0.000000e+00 : f32
    %max3A_152 = vector.broadcast %max3A_151 : f32 to vector<256x1024xf32>
    %max3A_153 = arith.maximumf %add3A_150, %max3A_152 : vector<256x1024xf32>
    %get3A_154 = arith.constant 10 : index
    %get3A_155 = arith.constant 0 : index
    %get3A_156 = vector.load %arg12[%get3A_154, %get3A_155] : memref<64x1xf32, #tpu.memory_space<vmem>>, vector<1x1xf32>
    %mul3A_157 = vector.broadcast %get3A_156 : vector<1x1xf32> to vector<256x1024xf32>
    %mul3A_158 = arith.mulf %max3A_153, %mul3A_157 : vector<256x1024xf32>
    %add3A_159 = arith.addf %add3A_145, %mul3A_158 : vector<256x1024xf32>
    %slice3A_160 = vector.extract_strided_slice %get3A_4 {offsets = [0, 11], sizes = [256, 1], strides = [1, 1]} : vector<256x64xf32> to vector<256x1xf32>
    %slice3A_161 = vector.extract_strided_slice %get3A_7 {offsets = [11, 0], sizes = [1, 1024], strides = [1, 1]} : vector<64x1024xf32> to vector<1x1024xf32>
    %add3A_162 = vector.broadcast %slice3A_160 : vector<256x1xf32> to vector<256x1024xf32>
    %add3A_163 = vector.broadcast %slice3A_161 : vector<1x1024xf32> to vector<256x1024xf32>
    %add3A_164 = arith.addf %add3A_162, %add3A_163 : vector<256x1024xf32>
    %max3A_165 = arith.constant 0.000000e+00 : f32
    %max3A_166 = vector.broadcast %max3A_165 : f32 to vector<256x1024xf32>
    %max3A_167 = arith.maximumf %add3A_164, %max3A_166 : vector<256x1024xf32>
    %get3A_168 = arith.constant 11 : index
    %get3A_169 = arith.constant 0 : index
    %get3A_170 = vector.load %arg12[%get3A_168, %get3A_169] : memref<64x1xf32, #tpu.memory_space<vmem>>, vector<1x1xf32>
    %mul3A_171 = vector.broadcast %get3A_170 : vector<1x1xf32> to vector<256x1024xf32>
    %mul3A_172 = arith.mulf %max3A_167, %mul3A_171 : vector<256x1024xf32>
    %add3A_173 = arith.addf %add3A_159, %mul3A_172 : vector<256x1024xf32>
    %slice3A_174 = vector.extract_strided_slice %get3A_4 {offsets = [0, 12], sizes = [256, 1], strides = [1, 1]} : vector<256x64xf32> to vector<256x1xf32>
    %slice3A_175 = vector.extract_strided_slice %get3A_7 {offsets = [12, 0], sizes = [1, 1024], strides = [1, 1]} : vector<64x1024xf32> to vector<1x1024xf32>
    %add3A_176 = vector.broadcast %slice3A_174 : vector<256x1xf32> to vector<256x1024xf32>
    %add3A_177 = vector.broadcast %slice3A_175 : vector<1x1024xf32> to vector<256x1024xf32>
    %add3A_178 = arith.addf %add3A_176, %add3A_177 : vector<256x1024xf32>
    %max3A_179 = arith.constant 0.000000e+00 : f32
    %max3A_180 = vector.broadcast %max3A_179 : f32 to vector<256x1024xf32>
    %max3A_181 = arith.maximumf %add3A_178, %max3A_180 : vector<256x1024xf32>
    %get3A_182 = arith.constant 12 : index
    %get3A_183 = arith.constant 0 : index
    %get3A_184 = vector.load %arg12[%get3A_182, %get3A_183] : memref<64x1xf32, #tpu.memory_space<vmem>>, vector<1x1xf32>
    %mul3A_185 = vector.broadcast %get3A_184 : vector<1x1xf32> to vector<256x1024xf32>
    %mul3A_186 = arith.mulf %max3A_181, %mul3A_185 : vector<256x1024xf32>
    %add3A_187 = arith.addf %add3A_173, %mul3A_186 : vector<256x1024xf32>
    %slice3A_188 = vector.extract_strided_slice %get3A_4 {offsets = [0, 13], sizes = [256, 1], strides = [1, 1]} : vector<256x64xf32> to vector<256x1xf32>
    %slice3A_189 = vector.extract_strided_slice %get3A_7 {offsets = [13, 0], sizes = [1, 1024], strides = [1, 1]} : vector<64x1024xf32> to vector<1x1024xf32>
    %add3A_190 = vector.broadcast %slice3A_188 : vector<256x1xf32> to vector<256x1024xf32>
    %add3A_191 = vector.broadcast %slice3A_189 : vector<1x1024xf32> to vector<256x1024xf32>
    %add3A_192 = arith.addf %add3A_190, %add3A_191 : vector<256x1024xf32>
    %max3A_193 = arith.constant 0.000000e+00 : f32
    %max3A_194 = vector.broadcast %max3A_193 : f32 to vector<256x1024xf32>
    %max3A_195 = arith.maximumf %add3A_192, %max3A_194 : vector<256x1024xf32>
    %get3A_196 = arith.constant 13 : index
    %get3A_197 = arith.constant 0 : index
    %get3A_198 = vector.load %arg12[%get3A_196, %get3A_197] : memref<64x1xf32, #tpu.memory_space<vmem>>, vector<1x1xf32>
    %mul3A_199 = vector.broadcast %get3A_198 : vector<1x1xf32> to vector<256x1024xf32>
    %mul3A_200 = arith.mulf %max3A_195, %mul3A_199 : vector<256x1024xf32>
    %add3A_201 = arith.addf %add3A_187, %mul3A_200 : vector<256x1024xf32>
    %slice3A_202 = vector.extract_strided_slice %get3A_4 {offsets = [0, 14], sizes = [256, 1], strides = [1, 1]} : vector<256x64xf32> to vector<256x1xf32>
    %slice3A_203 = vector.extract_strided_slice %get3A_7 {offsets = [14, 0], sizes = [1, 1024], strides = [1, 1]} : vector<64x1024xf32> to vector<1x1024xf32>
    %add3A_204 = vector.broadcast %slice3A_202 : vector<256x1xf32> to vector<256x1024xf32>
    %add3A_205 = vector.broadcast %slice3A_203 : vector<1x1024xf32> to vector<256x1024xf32>
    %add3A_206 = arith.addf %add3A_204, %add3A_205 : vector<256x1024xf32>
    %max3A_207 = arith.constant 0.000000e+00 : f32
    %max3A_208 = vector.broadcast %max3A_207 : f32 to vector<256x1024xf32>
    %max3A_209 = arith.maximumf %add3A_206, %max3A_208 : vector<256x1024xf32>
    %get3A_210 = arith.constant 14 : index
    %get3A_211 = arith.constant 0 : index
    %get3A_212 = vector.load %arg12[%get3A_210, %get3A_211] : memref<64x1xf32, #tpu.memory_space<vmem>>, vector<1x1xf32>
    %mul3A_213 = vector.broadcast %get3A_212 : vector<1x1xf32> to vector<256x1024xf32>
    %mul3A_214 = arith.mulf %max3A_209, %mul3A_213 : vector<256x1024xf32>
    %add3A_215 = arith.addf %add3A_201, %mul3A_214 : vector<256x1024xf32>
    %slice3A_216 = vector.extract_strided_slice %get3A_4 {offsets = [0, 15], sizes = [256, 1], strides = [1, 1]} : vector<256x64xf32> to vector<256x1xf32>
    %slice3A_217 = vector.extract_strided_slice %get3A_7 {offsets = [15, 0], sizes = [1, 1024], strides = [1, 1]} : vector<64x1024xf32> to vector<1x1024xf32>
    %add3A_218 = vector.broadcast %slice3A_216 : vector<256x1xf32> to vector<256x1024xf32>
    %add3A_219 = vector.broadcast %slice3A_217 : vector<1x1024xf32> to vector<256x1024xf32>
    %add3A_220 = arith.addf %add3A_218, %add3A_219 : vector<256x1024xf32>
    %max3A_221 = arith.constant 0.000000e+00 : f32
    %max3A_222 = vector.broadcast %max3A_221 : f32 to vector<256x1024xf32>
    %max3A_223 = arith.maximumf %add3A_220, %max3A_222 : vector<256x1024xf32>
    %get3A_224 = arith.constant 15 : index
    %get3A_225 = arith.constant 0 : index
    %get3A_226 = vector.load %arg12[%get3A_224, %get3A_225] : memref<64x1xf32, #tpu.memory_space<vmem>>, vector<1x1xf32>
    %mul3A_227 = vector.broadcast %get3A_226 : vector<1x1xf32> to vector<256x1024xf32>
    %mul3A_228 = arith.mulf %max3A_223, %mul3A_227 : vector<256x1024xf32>
    %add3A_229 = arith.addf %add3A_215, %mul3A_228 : vector<256x1024xf32>
    %slice3A_230 = vector.extract_strided_slice %get3A_4 {offsets = [0, 16], sizes = [256, 1], strides = [1, 1]} : vector<256x64xf32> to vector<256x1xf32>
    %slice3A_231 = vector.extract_strided_slice %get3A_7 {offsets = [16, 0], sizes = [1, 1024], strides = [1, 1]} : vector<64x1024xf32> to vector<1x1024xf32>
    %add3A_232 = vector.broadcast %slice3A_230 : vector<256x1xf32> to vector<256x1024xf32>
    %add3A_233 = vector.broadcast %slice3A_231 : vector<1x1024xf32> to vector<256x1024xf32>
    %add3A_234 = arith.addf %add3A_232, %add3A_233 : vector<256x1024xf32>
    %max3A_235 = arith.constant 0.000000e+00 : f32
    %max3A_236 = vector.broadcast %max3A_235 : f32 to vector<256x1024xf32>
    %max3A_237 = arith.maximumf %add3A_234, %max3A_236 : vector<256x1024xf32>
    %get3A_238 = arith.constant 16 : index
    %get3A_239 = arith.constant 0 : index
    %get3A_240 = vector.load %arg12[%get3A_238, %get3A_239] : memref<64x1xf32, #tpu.memory_space<vmem>>, vector<1x1xf32>
    %mul3A_241 = vector.broadcast %get3A_240 : vector<1x1xf32> to vector<256x1024xf32>
    %mul3A_242 = arith.mulf %max3A_237, %mul3A_241 : vector<256x1024xf32>
    %add3A_243 = arith.addf %add3A_229, %mul3A_242 : vector<256x1024xf32>
    %slice3A_244 = vector.extract_strided_slice %get3A_4 {offsets = [0, 17], sizes = [256, 1], strides = [1, 1]} : vector<256x64xf32> to vector<256x1xf32>
    %slice3A_245 = vector.extract_strided_slice %get3A_7 {offsets = [17, 0], sizes = [1, 1024], strides = [1, 1]} : vector<64x1024xf32> to vector<1x1024xf32>
    %add3A_246 = vector.broadcast %slice3A_244 : vector<256x1xf32> to vector<256x1024xf32>
    %add3A_247 = vector.broadcast %slice3A_245 : vector<1x1024xf32> to vector<256x1024xf32>
    %add3A_248 = arith.addf %add3A_246, %add3A_247 : vector<256x1024xf32>
    %max3A_249 = arith.constant 0.000000e+00 : f32
    %max3A_250 = vector.broadcast %max3A_249 : f32 to vector<256x1024xf32>
    %max3A_251 = arith.maximumf %add3A_248, %max3A_250 : vector<256x1024xf32>
    %get3A_252 = arith.constant 17 : index
    %get3A_253 = arith.constant 0 : index
    %get3A_254 = vector.load %arg12[%get3A_252, %get3A_253] : memref<64x1xf32, #tpu.memory_space<vmem>>, vector<1x1xf32>
    %mul3A_255 = vector.broadcast %get3A_254 : vector<1x1xf32> to vector<256x1024xf32>
    %mul3A_256 = arith.mulf %max3A_251, %mul3A_255 : vector<256x1024xf32>
    %add3A_257 = arith.addf %add3A_243, %mul3A_256 : vector<256x1024xf32>
    %slice3A_258 = vector.extract_strided_slice %get3A_4 {offsets = [0, 18], sizes = [256, 1], strides = [1, 1]} : vector<256x64xf32> to vector<256x1xf32>
    %slice3A_259 = vector.extract_strided_slice %get3A_7 {offsets = [18, 0], sizes = [1, 1024], strides = [1, 1]} : vector<64x1024xf32> to vector<1x1024xf32>
    %add3A_260 = vector.broadcast %slice3A_258 : vector<256x1xf32> to vector<256x1024xf32>
    %add3A_261 = vector.broadcast %slice3A_259 : vector<1x1024xf32> to vector<256x1024xf32>
    %add3A_262 = arith.addf %add3A_260, %add3A_261 : vector<256x1024xf32>
    %max3A_263 = arith.constant 0.000000e+00 : f32
    %max3A_264 = vector.broadcast %max3A_263 : f32 to vector<256x1024xf32>
    %max3A_265 = arith.maximumf %add3A_262, %max3A_264 : vector<256x1024xf32>
    %get3A_266 = arith.constant 18 : index
    %get3A_267 = arith.constant 0 : index
    %get3A_268 = vector.load %arg12[%get3A_266, %get3A_267] : memref<64x1xf32, #tpu.memory_space<vmem>>, vector<1x1xf32>
    %mul3A_269 = vector.broadcast %get3A_268 : vector<1x1xf32> to vector<256x1024xf32>
    %mul3A_270 = arith.mulf %max3A_265, %mul3A_269 : vector<256x1024xf32>
    %add3A_271 = arith.addf %add3A_257, %mul3A_270 : vector<256x1024xf32>
    %slice3A_272 = vector.extract_strided_slice %get3A_4 {offsets = [0, 19], sizes = [256, 1], strides = [1, 1]} : vector<256x64xf32> to vector<256x1xf32>
    %slice3A_273 = vector.extract_strided_slice %get3A_7 {offsets = [19, 0], sizes = [1, 1024], strides = [1, 1]} : vector<64x1024xf32> to vector<1x1024xf32>
    %add3A_274 = vector.broadcast %slice3A_272 : vector<256x1xf32> to vector<256x1024xf32>
    %add3A_275 = vector.broadcast %slice3A_273 : vector<1x1024xf32> to vector<256x1024xf32>
    %add3A_276 = arith.addf %add3A_274, %add3A_275 : vector<256x1024xf32>
    %max3A_277 = arith.constant 0.000000e+00 : f32
    %max3A_278 = vector.broadcast %max3A_277 : f32 to vector<256x1024xf32>
    %max3A_279 = arith.maximumf %add3A_276, %max3A_278 : vector<256x1024xf32>
    %get3A_280 = arith.constant 19 : index
    %get3A_281 = arith.constant 0 : index
    %get3A_282 = vector.load %arg12[%get3A_280, %get3A_281] : memref<64x1xf32, #tpu.memory_space<vmem>>, vector<1x1xf32>
    %mul3A_283 = vector.broadcast %get3A_282 : vector<1x1xf32> to vector<256x1024xf32>
    %mul3A_284 = arith.mulf %max3A_279, %mul3A_283 : vector<256x1024xf32>
    %add3A_285 = arith.addf %add3A_271, %mul3A_284 : vector<256x1024xf32>
    %slice3A_286 = vector.extract_strided_slice %get3A_4 {offsets = [0, 20], sizes = [256, 1], strides = [1, 1]} : vector<256x64xf32> to vector<256x1xf32>
    %slice3A_287 = vector.extract_strided_slice %get3A_7 {offsets = [20, 0], sizes = [1, 1024], strides = [1, 1]} : vector<64x1024xf32> to vector<1x1024xf32>
    %add3A_288 = vector.broadcast %slice3A_286 : vector<256x1xf32> to vector<256x1024xf32>
    %add3A_289 = vector.broadcast %slice3A_287 : vector<1x1024xf32> to vector<256x1024xf32>
    %add3A_290 = arith.addf %add3A_288, %add3A_289 : vector<256x1024xf32>
    %max3A_291 = arith.constant 0.000000e+00 : f32
    %max3A_292 = vector.broadcast %max3A_291 : f32 to vector<256x1024xf32>
    %max3A_293 = arith.maximumf %add3A_290, %max3A_292 : vector<256x1024xf32>
    %get3A_294 = arith.constant 20 : index
    %get3A_295 = arith.constant 0 : index
    %get3A_296 = vector.load %arg12[%get3A_294, %get3A_295] : memref<64x1xf32, #tpu.memory_space<vmem>>, vector<1x1xf32>
    %mul3A_297 = vector.broadcast %get3A_296 : vector<1x1xf32> to vector<256x1024xf32>
    %mul3A_298 = arith.mulf %max3A_293, %mul3A_297 : vector<256x1024xf32>
    %add3A_299 = arith.addf %add3A_285, %mul3A_298 : vector<256x1024xf32>
    %slice3A_300 = vector.extract_strided_slice %get3A_4 {offsets = [0, 21], sizes = [256, 1], strides = [1, 1]} : vector<256x64xf32> to vector<256x1xf32>
    %slice3A_301 = vector.extract_strided_slice %get3A_7 {offsets = [21, 0], sizes = [1, 1024], strides = [1, 1]} : vector<64x1024xf32> to vector<1x1024xf32>
    %add3A_302 = vector.broadcast %slice3A_300 : vector<256x1xf32> to vector<256x1024xf32>
    %add3A_303 = vector.broadcast %slice3A_301 : vector<1x1024xf32> to vector<256x1024xf32>
    %add3A_304 = arith.addf %add3A_302, %add3A_303 : vector<256x1024xf32>
    %max3A_305 = arith.constant 0.000000e+00 : f32
    %max3A_306 = vector.broadcast %max3A_305 : f32 to vector<256x1024xf32>
    %max3A_307 = arith.maximumf %add3A_304, %max3A_306 : vector<256x1024xf32>
    %get3A_308 = arith.constant 21 : index
    %get3A_309 = arith.constant 0 : index
    %get3A_310 = vector.load %arg12[%get3A_308, %get3A_309] : memref<64x1xf32, #tpu.memory_space<vmem>>, vector<1x1xf32>
    %mul3A_311 = vector.broadcast %get3A_310 : vector<1x1xf32> to vector<256x1024xf32>
    %mul3A_312 = arith.mulf %max3A_307, %mul3A_311 : vector<256x1024xf32>
    %add3A_313 = arith.addf %add3A_299, %mul3A_312 : vector<256x1024xf32>
    %slice3A_314 = vector.extract_strided_slice %get3A_4 {offsets = [0, 22], sizes = [256, 1], strides = [1, 1]} : vector<256x64xf32> to vector<256x1xf32>
    %slice3A_315 = vector.extract_strided_slice %get3A_7 {offsets = [22, 0], sizes = [1, 1024], strides = [1, 1]} : vector<64x1024xf32> to vector<1x1024xf32>
    %add3A_316 = vector.broadcast %slice3A_314 : vector<256x1xf32> to vector<256x1024xf32>
    %add3A_317 = vector.broadcast %slice3A_315 : vector<1x1024xf32> to vector<256x1024xf32>
    %add3A_318 = arith.addf %add3A_316, %add3A_317 : vector<256x1024xf32>
    %max3A_319 = arith.constant 0.000000e+00 : f32
    %max3A_320 = vector.broadcast %max3A_319 : f32 to vector<256x1024xf32>
    %max3A_321 = arith.maximumf %add3A_318, %max3A_320 : vector<256x1024xf32>
    %get3A_322 = arith.constant 22 : index
    %get3A_323 = arith.constant 0 : index
    %get3A_324 = vector.load %arg12[%get3A_322, %get3A_323] : memref<64x1xf32, #tpu.memory_space<vmem>>, vector<1x1xf32>
    %mul3A_325 = vector.broadcast %get3A_324 : vector<1x1xf32> to vector<256x1024xf32>
    %mul3A_326 = arith.mulf %max3A_321, %mul3A_325 : vector<256x1024xf32>
    %add3A_327 = arith.addf %add3A_313, %mul3A_326 : vector<256x1024xf32>
    %slice3A_328 = vector.extract_strided_slice %get3A_4 {offsets = [0, 23], sizes = [256, 1], strides = [1, 1]} : vector<256x64xf32> to vector<256x1xf32>
    %slice3A_329 = vector.extract_strided_slice %get3A_7 {offsets = [23, 0], sizes = [1, 1024], strides = [1, 1]} : vector<64x1024xf32> to vector<1x1024xf32>
    %add3A_330 = vector.broadcast %slice3A_328 : vector<256x1xf32> to vector<256x1024xf32>
    %add3A_331 = vector.broadcast %slice3A_329 : vector<1x1024xf32> to vector<256x1024xf32>
    %add3A_332 = arith.addf %add3A_330, %add3A_331 : vector<256x1024xf32>
    %max3A_333 = arith.constant 0.000000e+00 : f32
    %max3A_334 = vector.broadcast %max3A_333 : f32 to vector<256x1024xf32>
    %max3A_335 = arith.maximumf %add3A_332, %max3A_334 : vector<256x1024xf32>
    %get3A_336 = arith.constant 23 : index
    %get3A_337 = arith.constant 0 : index
    %get3A_338 = vector.load %arg12[%get3A_336, %get3A_337] : memref<64x1xf32, #tpu.memory_space<vmem>>, vector<1x1xf32>
    %mul3A_339 = vector.broadcast %get3A_338 : vector<1x1xf32> to vector<256x1024xf32>
    %mul3A_340 = arith.mulf %max3A_335, %mul3A_339 : vector<256x1024xf32>
    %add3A_341 = arith.addf %add3A_327, %mul3A_340 : vector<256x1024xf32>
    %slice3A_342 = vector.extract_strided_slice %get3A_4 {offsets = [0, 24], sizes = [256, 1], strides = [1, 1]} : vector<256x64xf32> to vector<256x1xf32>
    %slice3A_343 = vector.extract_strided_slice %get3A_7 {offsets = [24, 0], sizes = [1, 1024], strides = [1, 1]} : vector<64x1024xf32> to vector<1x1024xf32>
    %add3A_344 = vector.broadcast %slice3A_342 : vector<256x1xf32> to vector<256x1024xf32>
    %add3A_345 = vector.broadcast %slice3A_343 : vector<1x1024xf32> to vector<256x1024xf32>
    %add3A_346 = arith.addf %add3A_344, %add3A_345 : vector<256x1024xf32>
    %max3A_347 = arith.constant 0.000000e+00 : f32
    %max3A_348 = vector.broadcast %max3A_347 : f32 to vector<256x1024xf32>
    %max3A_349 = arith.maximumf %add3A_346, %max3A_348 : vector<256x1024xf32>
    %get3A_350 = arith.constant 24 : index
    %get3A_351 = arith.constant 0 : index
    %get3A_352 = vector.load %arg12[%get3A_350, %get3A_351] : memref<64x1xf32, #tpu.memory_space<vmem>>, vector<1x1xf32>
    %mul3A_353 = vector.broadcast %get3A_352 : vector<1x1xf32> to vector<256x1024xf32>
    %mul3A_354 = arith.mulf %max3A_349, %mul3A_353 : vector<256x1024xf32>
    %add3A_355 = arith.addf %add3A_341, %mul3A_354 : vector<256x1024xf32>
    %slice3A_356 = vector.extract_strided_slice %get3A_4 {offsets = [0, 25], sizes = [256, 1], strides = [1, 1]} : vector<256x64xf32> to vector<256x1xf32>
    %slice3A_357 = vector.extract_strided_slice %get3A_7 {offsets = [25, 0], sizes = [1, 1024], strides = [1, 1]} : vector<64x1024xf32> to vector<1x1024xf32>
    %add3A_358 = vector.broadcast %slice3A_356 : vector<256x1xf32> to vector<256x1024xf32>
    %add3A_359 = vector.broadcast %slice3A_357 : vector<1x1024xf32> to vector<256x1024xf32>
    %add3A_360 = arith.addf %add3A_358, %add3A_359 : vector<256x1024xf32>
    %max3A_361 = arith.constant 0.000000e+00 : f32
    %max3A_362 = vector.broadcast %max3A_361 : f32 to vector<256x1024xf32>
    %max3A_363 = arith.maximumf %add3A_360, %max3A_362 : vector<256x1024xf32>
    %get3A_364 = arith.constant 25 : index
    %get3A_365 = arith.constant 0 : index
    %get3A_366 = vector.load %arg12[%get3A_364, %get3A_365] : memref<64x1xf32, #tpu.memory_space<vmem>>, vector<1x1xf32>
    %mul3A_367 = vector.broadcast %get3A_366 : vector<1x1xf32> to vector<256x1024xf32>
    %mul3A_368 = arith.mulf %max3A_363, %mul3A_367 : vector<256x1024xf32>
    %add3A_369 = arith.addf %add3A_355, %mul3A_368 : vector<256x1024xf32>
    %slice3A_370 = vector.extract_strided_slice %get3A_4 {offsets = [0, 26], sizes = [256, 1], strides = [1, 1]} : vector<256x64xf32> to vector<256x1xf32>
    %slice3A_371 = vector.extract_strided_slice %get3A_7 {offsets = [26, 0], sizes = [1, 1024], strides = [1, 1]} : vector<64x1024xf32> to vector<1x1024xf32>
    %add3A_372 = vector.broadcast %slice3A_370 : vector<256x1xf32> to vector<256x1024xf32>
    %add3A_373 = vector.broadcast %slice3A_371 : vector<1x1024xf32> to vector<256x1024xf32>
    %add3A_374 = arith.addf %add3A_372, %add3A_373 : vector<256x1024xf32>
    %max3A_375 = arith.constant 0.000000e+00 : f32
    %max3A_376 = vector.broadcast %max3A_375 : f32 to vector<256x1024xf32>
    %max3A_377 = arith.maximumf %add3A_374, %max3A_376 : vector<256x1024xf32>
    %get3A_378 = arith.constant 26 : index
    %get3A_379 = arith.constant 0 : index
    %get3A_380 = vector.load %arg12[%get3A_378, %get3A_379] : memref<64x1xf32, #tpu.memory_space<vmem>>, vector<1x1xf32>
    %mul3A_381 = vector.broadcast %get3A_380 : vector<1x1xf32> to vector<256x1024xf32>
    %mul3A_382 = arith.mulf %max3A_377, %mul3A_381 : vector<256x1024xf32>
    %add3A_383 = arith.addf %add3A_369, %mul3A_382 : vector<256x1024xf32>
    %slice3A_384 = vector.extract_strided_slice %get3A_4 {offsets = [0, 27], sizes = [256, 1], strides = [1, 1]} : vector<256x64xf32> to vector<256x1xf32>
    %slice3A_385 = vector.extract_strided_slice %get3A_7 {offsets = [27, 0], sizes = [1, 1024], strides = [1, 1]} : vector<64x1024xf32> to vector<1x1024xf32>
    %add3A_386 = vector.broadcast %slice3A_384 : vector<256x1xf32> to vector<256x1024xf32>
    %add3A_387 = vector.broadcast %slice3A_385 : vector<1x1024xf32> to vector<256x1024xf32>
    %add3A_388 = arith.addf %add3A_386, %add3A_387 : vector<256x1024xf32>
    %max3A_389 = arith.constant 0.000000e+00 : f32
    %max3A_390 = vector.broadcast %max3A_389 : f32 to vector<256x1024xf32>
    %max3A_391 = arith.maximumf %add3A_388, %max3A_390 : vector<256x1024xf32>
    %get3A_392 = arith.constant 27 : index
    %get3A_393 = arith.constant 0 : index
    %get3A_394 = vector.load %arg12[%get3A_392, %get3A_393] : memref<64x1xf32, #tpu.memory_space<vmem>>, vector<1x1xf32>
    %mul3A_395 = vector.broadcast %get3A_394 : vector<1x1xf32> to vector<256x1024xf32>
    %mul3A_396 = arith.mulf %max3A_391, %mul3A_395 : vector<256x1024xf32>
    %add3A_397 = arith.addf %add3A_383, %mul3A_396 : vector<256x1024xf32>
    %slice3A_398 = vector.extract_strided_slice %get3A_4 {offsets = [0, 28], sizes = [256, 1], strides = [1, 1]} : vector<256x64xf32> to vector<256x1xf32>
    %slice3A_399 = vector.extract_strided_slice %get3A_7 {offsets = [28, 0], sizes = [1, 1024], strides = [1, 1]} : vector<64x1024xf32> to vector<1x1024xf32>
    %add3A_400 = vector.broadcast %slice3A_398 : vector<256x1xf32> to vector<256x1024xf32>
    %add3A_401 = vector.broadcast %slice3A_399 : vector<1x1024xf32> to vector<256x1024xf32>
    %add3A_402 = arith.addf %add3A_400, %add3A_401 : vector<256x1024xf32>
    %max3A_403 = arith.constant 0.000000e+00 : f32
    %max3A_404 = vector.broadcast %max3A_403 : f32 to vector<256x1024xf32>
    %max3A_405 = arith.maximumf %add3A_402, %max3A_404 : vector<256x1024xf32>
    %get3A_406 = arith.constant 28 : index
    %get3A_407 = arith.constant 0 : index
    %get3A_408 = vector.load %arg12[%get3A_406, %get3A_407] : memref<64x1xf32, #tpu.memory_space<vmem>>, vector<1x1xf32>
    %mul3A_409 = vector.broadcast %get3A_408 : vector<1x1xf32> to vector<256x1024xf32>
    %mul3A_410 = arith.mulf %max3A_405, %mul3A_409 : vector<256x1024xf32>
    %add3A_411 = arith.addf %add3A_397, %mul3A_410 : vector<256x1024xf32>
    %slice3A_412 = vector.extract_strided_slice %get3A_4 {offsets = [0, 29], sizes = [256, 1], strides = [1, 1]} : vector<256x64xf32> to vector<256x1xf32>
    %slice3A_413 = vector.extract_strided_slice %get3A_7 {offsets = [29, 0], sizes = [1, 1024], strides = [1, 1]} : vector<64x1024xf32> to vector<1x1024xf32>
    %add3A_414 = vector.broadcast %slice3A_412 : vector<256x1xf32> to vector<256x1024xf32>
    %add3A_415 = vector.broadcast %slice3A_413 : vector<1x1024xf32> to vector<256x1024xf32>
    %add3A_416 = arith.addf %add3A_414, %add3A_415 : vector<256x1024xf32>
    %max3A_417 = arith.constant 0.000000e+00 : f32
    %max3A_418 = vector.broadcast %max3A_417 : f32 to vector<256x1024xf32>
    %max3A_419 = arith.maximumf %add3A_416, %max3A_418 : vector<256x1024xf32>
    %get3A_420 = arith.constant 29 : index
    %get3A_421 = arith.constant 0 : index
    %get3A_422 = vector.load %arg12[%get3A_420, %get3A_421] : memref<64x1xf32, #tpu.memory_space<vmem>>, vector<1x1xf32>
    %mul3A_423 = vector.broadcast %get3A_422 : vector<1x1xf32> to vector<256x1024xf32>
    %mul3A_424 = arith.mulf %max3A_419, %mul3A_423 : vector<256x1024xf32>
    %add3A_425 = arith.addf %add3A_411, %mul3A_424 : vector<256x1024xf32>
    %slice3A_426 = vector.extract_strided_slice %get3A_4 {offsets = [0, 30], sizes = [256, 1], strides = [1, 1]} : vector<256x64xf32> to vector<256x1xf32>
    %slice3A_427 = vector.extract_strided_slice %get3A_7 {offsets = [30, 0], sizes = [1, 1024], strides = [1, 1]} : vector<64x1024xf32> to vector<1x1024xf32>
    %add3A_428 = vector.broadcast %slice3A_426 : vector<256x1xf32> to vector<256x1024xf32>
    %add3A_429 = vector.broadcast %slice3A_427 : vector<1x1024xf32> to vector<256x1024xf32>
    %add3A_430 = arith.addf %add3A_428, %add3A_429 : vector<256x1024xf32>
    %max3A_431 = arith.constant 0.000000e+00 : f32
    %max3A_432 = vector.broadcast %max3A_431 : f32 to vector<256x1024xf32>
    %max3A_433 = arith.maximumf %add3A_430, %max3A_432 : vector<256x1024xf32>
    %get3A_434 = arith.constant 30 : index
    %get3A_435 = arith.constant 0 : index
    %get3A_436 = vector.load %arg12[%get3A_434, %get3A_435] : memref<64x1xf32, #tpu.memory_space<vmem>>, vector<1x1xf32>
    %mul3A_437 = vector.broadcast %get3A_436 : vector<1x1xf32> to vector<256x1024xf32>
    %mul3A_438 = arith.mulf %max3A_433, %mul3A_437 : vector<256x1024xf32>
    %add3A_439 = arith.addf %add3A_425, %mul3A_438 : vector<256x1024xf32>
    %slice3A_440 = vector.extract_strided_slice %get3A_4 {offsets = [0, 31], sizes = [256, 1], strides = [1, 1]} : vector<256x64xf32> to vector<256x1xf32>
    %slice3A_441 = vector.extract_strided_slice %get3A_7 {offsets = [31, 0], sizes = [1, 1024], strides = [1, 1]} : vector<64x1024xf32> to vector<1x1024xf32>
    %add3A_442 = vector.broadcast %slice3A_440 : vector<256x1xf32> to vector<256x1024xf32>
    %add3A_443 = vector.broadcast %slice3A_441 : vector<1x1024xf32> to vector<256x1024xf32>
    %add3A_444 = arith.addf %add3A_442, %add3A_443 : vector<256x1024xf32>
    %max3A_445 = arith.constant 0.000000e+00 : f32
    %max3A_446 = vector.broadcast %max3A_445 : f32 to vector<256x1024xf32>
    %max3A_447 = arith.maximumf %add3A_444, %max3A_446 : vector<256x1024xf32>
    %get3A_448 = arith.constant 31 : index
    %get3A_449 = arith.constant 0 : index
    %get3A_450 = vector.load %arg12[%get3A_448, %get3A_449] : memref<64x1xf32, #tpu.memory_space<vmem>>, vector<1x1xf32>
    %mul3A_451 = vector.broadcast %get3A_450 : vector<1x1xf32> to vector<256x1024xf32>
    %mul3A_452 = arith.mulf %max3A_447, %mul3A_451 : vector<256x1024xf32>
    %add3A_453 = arith.addf %add3A_439, %mul3A_452 : vector<256x1024xf32>
    %slice3A_454 = vector.extract_strided_slice %get3A_4 {offsets = [0, 32], sizes = [256, 1], strides = [1, 1]} : vector<256x64xf32> to vector<256x1xf32>
    %slice3A_455 = vector.extract_strided_slice %get3A_7 {offsets = [32, 0], sizes = [1, 1024], strides = [1, 1]} : vector<64x1024xf32> to vector<1x1024xf32>
    %add3A_456 = vector.broadcast %slice3A_454 : vector<256x1xf32> to vector<256x1024xf32>
    %add3A_457 = vector.broadcast %slice3A_455 : vector<1x1024xf32> to vector<256x1024xf32>
    %add3A_458 = arith.addf %add3A_456, %add3A_457 : vector<256x1024xf32>
    %max3A_459 = arith.constant 0.000000e+00 : f32
    %max3A_460 = vector.broadcast %max3A_459 : f32 to vector<256x1024xf32>
    %max3A_461 = arith.maximumf %add3A_458, %max3A_460 : vector<256x1024xf32>
    %get3A_462 = arith.constant 32 : index
    %get3A_463 = arith.constant 0 : index
    %get3A_464 = vector.load %arg12[%get3A_462, %get3A_463] : memref<64x1xf32, #tpu.memory_space<vmem>>, vector<1x1xf32>
    %mul3A_465 = vector.broadcast %get3A_464 : vector<1x1xf32> to vector<256x1024xf32>
    %mul3A_466 = arith.mulf %max3A_461, %mul3A_465 : vector<256x1024xf32>
    %add3A_467 = arith.addf %add3A_453, %mul3A_466 : vector<256x1024xf32>
    %slice3A_468 = vector.extract_strided_slice %get3A_4 {offsets = [0, 33], sizes = [256, 1], strides = [1, 1]} : vector<256x64xf32> to vector<256x1xf32>
    %slice3A_469 = vector.extract_strided_slice %get3A_7 {offsets = [33, 0], sizes = [1, 1024], strides = [1, 1]} : vector<64x1024xf32> to vector<1x1024xf32>
    %add3A_470 = vector.broadcast %slice3A_468 : vector<256x1xf32> to vector<256x1024xf32>
    %add3A_471 = vector.broadcast %slice3A_469 : vector<1x1024xf32> to vector<256x1024xf32>
    %add3A_472 = arith.addf %add3A_470, %add3A_471 : vector<256x1024xf32>
    %max3A_473 = arith.constant 0.000000e+00 : f32
    %max3A_474 = vector.broadcast %max3A_473 : f32 to vector<256x1024xf32>
    %max3A_475 = arith.maximumf %add3A_472, %max3A_474 : vector<256x1024xf32>
    %get3A_476 = arith.constant 33 : index
    %get3A_477 = arith.constant 0 : index
    %get3A_478 = vector.load %arg12[%get3A_476, %get3A_477] : memref<64x1xf32, #tpu.memory_space<vmem>>, vector<1x1xf32>
    %mul3A_479 = vector.broadcast %get3A_478 : vector<1x1xf32> to vector<256x1024xf32>
    %mul3A_480 = arith.mulf %max3A_475, %mul3A_479 : vector<256x1024xf32>
    %add3A_481 = arith.addf %add3A_467, %mul3A_480 : vector<256x1024xf32>
    %slice3A_482 = vector.extract_strided_slice %get3A_4 {offsets = [0, 34], sizes = [256, 1], strides = [1, 1]} : vector<256x64xf32> to vector<256x1xf32>
    %slice3A_483 = vector.extract_strided_slice %get3A_7 {offsets = [34, 0], sizes = [1, 1024], strides = [1, 1]} : vector<64x1024xf32> to vector<1x1024xf32>
    %add3A_484 = vector.broadcast %slice3A_482 : vector<256x1xf32> to vector<256x1024xf32>
    %add3A_485 = vector.broadcast %slice3A_483 : vector<1x1024xf32> to vector<256x1024xf32>
    %add3A_486 = arith.addf %add3A_484, %add3A_485 : vector<256x1024xf32>
    %max3A_487 = arith.constant 0.000000e+00 : f32
    %max3A_488 = vector.broadcast %max3A_487 : f32 to vector<256x1024xf32>
    %max3A_489 = arith.maximumf %add3A_486, %max3A_488 : vector<256x1024xf32>
    %get3A_490 = arith.constant 34 : index
    %get3A_491 = arith.constant 0 : index
    %get3A_492 = vector.load %arg12[%get3A_490, %get3A_491] : memref<64x1xf32, #tpu.memory_space<vmem>>, vector<1x1xf32>
    %mul3A_493 = vector.broadcast %get3A_492 : vector<1x1xf32> to vector<256x1024xf32>
    %mul3A_494 = arith.mulf %max3A_489, %mul3A_493 : vector<256x1024xf32>
    %add3A_495 = arith.addf %add3A_481, %mul3A_494 : vector<256x1024xf32>
    %slice3A_496 = vector.extract_strided_slice %get3A_4 {offsets = [0, 35], sizes = [256, 1], strides = [1, 1]} : vector<256x64xf32> to vector<256x1xf32>
    %slice3A_497 = vector.extract_strided_slice %get3A_7 {offsets = [35, 0], sizes = [1, 1024], strides = [1, 1]} : vector<64x1024xf32> to vector<1x1024xf32>
    %add3A_498 = vector.broadcast %slice3A_496 : vector<256x1xf32> to vector<256x1024xf32>
    %add3A_499 = vector.broadcast %slice3A_497 : vector<1x1024xf32> to vector<256x1024xf32>
    %add3A_500 = arith.addf %add3A_498, %add3A_499 : vector<256x1024xf32>
    %max3A_501 = arith.constant 0.000000e+00 : f32
    %max3A_502 = vector.broadcast %max3A_501 : f32 to vector<256x1024xf32>
    %max3A_503 = arith.maximumf %add3A_500, %max3A_502 : vector<256x1024xf32>
    %get3A_504 = arith.constant 35 : index
    %get3A_505 = arith.constant 0 : index
    %get3A_506 = vector.load %arg12[%get3A_504, %get3A_505] : memref<64x1xf32, #tpu.memory_space<vmem>>, vector<1x1xf32>
    %mul3A_507 = vector.broadcast %get3A_506 : vector<1x1xf32> to vector<256x1024xf32>
    %mul3A_508 = arith.mulf %max3A_503, %mul3A_507 : vector<256x1024xf32>
    %add3A_509 = arith.addf %add3A_495, %mul3A_508 : vector<256x1024xf32>
    %slice3A_510 = vector.extract_strided_slice %get3A_4 {offsets = [0, 36], sizes = [256, 1], strides = [1, 1]} : vector<256x64xf32> to vector<256x1xf32>
    %slice3A_511 = vector.extract_strided_slice %get3A_7 {offsets = [36, 0], sizes = [1, 1024], strides = [1, 1]} : vector<64x1024xf32> to vector<1x1024xf32>
    %add3A_512 = vector.broadcast %slice3A_510 : vector<256x1xf32> to vector<256x1024xf32>
    %add3A_513 = vector.broadcast %slice3A_511 : vector<1x1024xf32> to vector<256x1024xf32>
    %add3A_514 = arith.addf %add3A_512, %add3A_513 : vector<256x1024xf32>
    %max3A_515 = arith.constant 0.000000e+00 : f32
    %max3A_516 = vector.broadcast %max3A_515 : f32 to vector<256x1024xf32>
    %max3A_517 = arith.maximumf %add3A_514, %max3A_516 : vector<256x1024xf32>
    %get3A_518 = arith.constant 36 : index
    %get3A_519 = arith.constant 0 : index
    %get3A_520 = vector.load %arg12[%get3A_518, %get3A_519] : memref<64x1xf32, #tpu.memory_space<vmem>>, vector<1x1xf32>
    %mul3A_521 = vector.broadcast %get3A_520 : vector<1x1xf32> to vector<256x1024xf32>
    %mul3A_522 = arith.mulf %max3A_517, %mul3A_521 : vector<256x1024xf32>
    %add3A_523 = arith.addf %add3A_509, %mul3A_522 : vector<256x1024xf32>
    %slice3A_524 = vector.extract_strided_slice %get3A_4 {offsets = [0, 37], sizes = [256, 1], strides = [1, 1]} : vector<256x64xf32> to vector<256x1xf32>
    %slice3A_525 = vector.extract_strided_slice %get3A_7 {offsets = [37, 0], sizes = [1, 1024], strides = [1, 1]} : vector<64x1024xf32> to vector<1x1024xf32>
    %add3A_526 = vector.broadcast %slice3A_524 : vector<256x1xf32> to vector<256x1024xf32>
    %add3A_527 = vector.broadcast %slice3A_525 : vector<1x1024xf32> to vector<256x1024xf32>
    %add3A_528 = arith.addf %add3A_526, %add3A_527 : vector<256x1024xf32>
    %max3A_529 = arith.constant 0.000000e+00 : f32
    %max3A_530 = vector.broadcast %max3A_529 : f32 to vector<256x1024xf32>
    %max3A_531 = arith.maximumf %add3A_528, %max3A_530 : vector<256x1024xf32>
    %get3A_532 = arith.constant 37 : index
    %get3A_533 = arith.constant 0 : index
    %get3A_534 = vector.load %arg12[%get3A_532, %get3A_533] : memref<64x1xf32, #tpu.memory_space<vmem>>, vector<1x1xf32>
    %mul3A_535 = vector.broadcast %get3A_534 : vector<1x1xf32> to vector<256x1024xf32>
    %mul3A_536 = arith.mulf %max3A_531, %mul3A_535 : vector<256x1024xf32>
    %add3A_537 = arith.addf %add3A_523, %mul3A_536 : vector<256x1024xf32>
    %slice3A_538 = vector.extract_strided_slice %get3A_4 {offsets = [0, 38], sizes = [256, 1], strides = [1, 1]} : vector<256x64xf32> to vector<256x1xf32>
    %slice3A_539 = vector.extract_strided_slice %get3A_7 {offsets = [38, 0], sizes = [1, 1024], strides = [1, 1]} : vector<64x1024xf32> to vector<1x1024xf32>
    %add3A_540 = vector.broadcast %slice3A_538 : vector<256x1xf32> to vector<256x1024xf32>
    %add3A_541 = vector.broadcast %slice3A_539 : vector<1x1024xf32> to vector<256x1024xf32>
    %add3A_542 = arith.addf %add3A_540, %add3A_541 : vector<256x1024xf32>
    %max3A_543 = arith.constant 0.000000e+00 : f32
    %max3A_544 = vector.broadcast %max3A_543 : f32 to vector<256x1024xf32>
    %max3A_545 = arith.maximumf %add3A_542, %max3A_544 : vector<256x1024xf32>
    %get3A_546 = arith.constant 38 : index
    %get3A_547 = arith.constant 0 : index
    %get3A_548 = vector.load %arg12[%get3A_546, %get3A_547] : memref<64x1xf32, #tpu.memory_space<vmem>>, vector<1x1xf32>
    %mul3A_549 = vector.broadcast %get3A_548 : vector<1x1xf32> to vector<256x1024xf32>
    %mul3A_550 = arith.mulf %max3A_545, %mul3A_549 : vector<256x1024xf32>
    %add3A_551 = arith.addf %add3A_537, %mul3A_550 : vector<256x1024xf32>
    %slice3A_552 = vector.extract_strided_slice %get3A_4 {offsets = [0, 39], sizes = [256, 1], strides = [1, 1]} : vector<256x64xf32> to vector<256x1xf32>
    %slice3A_553 = vector.extract_strided_slice %get3A_7 {offsets = [39, 0], sizes = [1, 1024], strides = [1, 1]} : vector<64x1024xf32> to vector<1x1024xf32>
    %add3A_554 = vector.broadcast %slice3A_552 : vector<256x1xf32> to vector<256x1024xf32>
    %add3A_555 = vector.broadcast %slice3A_553 : vector<1x1024xf32> to vector<256x1024xf32>
    %add3A_556 = arith.addf %add3A_554, %add3A_555 : vector<256x1024xf32>
    %max3A_557 = arith.constant 0.000000e+00 : f32
    %max3A_558 = vector.broadcast %max3A_557 : f32 to vector<256x1024xf32>
    %max3A_559 = arith.maximumf %add3A_556, %max3A_558 : vector<256x1024xf32>
    %get3A_560 = arith.constant 39 : index
    %get3A_561 = arith.constant 0 : index
    %get3A_562 = vector.load %arg12[%get3A_560, %get3A_561] : memref<64x1xf32, #tpu.memory_space<vmem>>, vector<1x1xf32>
    %mul3A_563 = vector.broadcast %get3A_562 : vector<1x1xf32> to vector<256x1024xf32>
    %mul3A_564 = arith.mulf %max3A_559, %mul3A_563 : vector<256x1024xf32>
    %add3A_565 = arith.addf %add3A_551, %mul3A_564 : vector<256x1024xf32>
    %slice3A_566 = vector.extract_strided_slice %get3A_4 {offsets = [0, 40], sizes = [256, 1], strides = [1, 1]} : vector<256x64xf32> to vector<256x1xf32>
    %slice3A_567 = vector.extract_strided_slice %get3A_7 {offsets = [40, 0], sizes = [1, 1024], strides = [1, 1]} : vector<64x1024xf32> to vector<1x1024xf32>
    %add3A_568 = vector.broadcast %slice3A_566 : vector<256x1xf32> to vector<256x1024xf32>
    %add3A_569 = vector.broadcast %slice3A_567 : vector<1x1024xf32> to vector<256x1024xf32>
    %add3A_570 = arith.addf %add3A_568, %add3A_569 : vector<256x1024xf32>
    %max3A_571 = arith.constant 0.000000e+00 : f32
    %max3A_572 = vector.broadcast %max3A_571 : f32 to vector<256x1024xf32>
    %max3A_573 = arith.maximumf %add3A_570, %max3A_572 : vector<256x1024xf32>
    %get3A_574 = arith.constant 40 : index
    %get3A_575 = arith.constant 0 : index
    %get3A_576 = vector.load %arg12[%get3A_574, %get3A_575] : memref<64x1xf32, #tpu.memory_space<vmem>>, vector<1x1xf32>
    %mul3A_577 = vector.broadcast %get3A_576 : vector<1x1xf32> to vector<256x1024xf32>
    %mul3A_578 = arith.mulf %max3A_573, %mul3A_577 : vector<256x1024xf32>
    %add3A_579 = arith.addf %add3A_565, %mul3A_578 : vector<256x1024xf32>
    %slice3A_580 = vector.extract_strided_slice %get3A_4 {offsets = [0, 41], sizes = [256, 1], strides = [1, 1]} : vector<256x64xf32> to vector<256x1xf32>
    %slice3A_581 = vector.extract_strided_slice %get3A_7 {offsets = [41, 0], sizes = [1, 1024], strides = [1, 1]} : vector<64x1024xf32> to vector<1x1024xf32>
    %add3A_582 = vector.broadcast %slice3A_580 : vector<256x1xf32> to vector<256x1024xf32>
    %add3A_583 = vector.broadcast %slice3A_581 : vector<1x1024xf32> to vector<256x1024xf32>
    %add3A_584 = arith.addf %add3A_582, %add3A_583 : vector<256x1024xf32>
    %max3A_585 = arith.constant 0.000000e+00 : f32
    %max3A_586 = vector.broadcast %max3A_585 : f32 to vector<256x1024xf32>
    %max3A_587 = arith.maximumf %add3A_584, %max3A_586 : vector<256x1024xf32>
    %get3A_588 = arith.constant 41 : index
    %get3A_589 = arith.constant 0 : index
    %get3A_590 = vector.load %arg12[%get3A_588, %get3A_589] : memref<64x1xf32, #tpu.memory_space<vmem>>, vector<1x1xf32>
    %mul3A_591 = vector.broadcast %get3A_590 : vector<1x1xf32> to vector<256x1024xf32>
    %mul3A_592 = arith.mulf %max3A_587, %mul3A_591 : vector<256x1024xf32>
    %add3A_593 = arith.addf %add3A_579, %mul3A_592 : vector<256x1024xf32>
    %slice3A_594 = vector.extract_strided_slice %get3A_4 {offsets = [0, 42], sizes = [256, 1], strides = [1, 1]} : vector<256x64xf32> to vector<256x1xf32>
    %slice3A_595 = vector.extract_strided_slice %get3A_7 {offsets = [42, 0], sizes = [1, 1024], strides = [1, 1]} : vector<64x1024xf32> to vector<1x1024xf32>
    %add3A_596 = vector.broadcast %slice3A_594 : vector<256x1xf32> to vector<256x1024xf32>
    %add3A_597 = vector.broadcast %slice3A_595 : vector<1x1024xf32> to vector<256x1024xf32>
    %add3A_598 = arith.addf %add3A_596, %add3A_597 : vector<256x1024xf32>
    %max3A_599 = arith.constant 0.000000e+00 : f32
    %max3A_600 = vector.broadcast %max3A_599 : f32 to vector<256x1024xf32>
    %max3A_601 = arith.maximumf %add3A_598, %max3A_600 : vector<256x1024xf32>
    %get3A_602 = arith.constant 42 : index
    %get3A_603 = arith.constant 0 : index
    %get3A_604 = vector.load %arg12[%get3A_602, %get3A_603] : memref<64x1xf32, #tpu.memory_space<vmem>>, vector<1x1xf32>
    %mul3A_605 = vector.broadcast %get3A_604 : vector<1x1xf32> to vector<256x1024xf32>
    %mul3A_606 = arith.mulf %max3A_601, %mul3A_605 : vector<256x1024xf32>
    %add3A_607 = arith.addf %add3A_593, %mul3A_606 : vector<256x1024xf32>
    %slice3A_608 = vector.extract_strided_slice %get3A_4 {offsets = [0, 43], sizes = [256, 1], strides = [1, 1]} : vector<256x64xf32> to vector<256x1xf32>
    %slice3A_609 = vector.extract_strided_slice %get3A_7 {offsets = [43, 0], sizes = [1, 1024], strides = [1, 1]} : vector<64x1024xf32> to vector<1x1024xf32>
    %add3A_610 = vector.broadcast %slice3A_608 : vector<256x1xf32> to vector<256x1024xf32>
    %add3A_611 = vector.broadcast %slice3A_609 : vector<1x1024xf32> to vector<256x1024xf32>
    %add3A_612 = arith.addf %add3A_610, %add3A_611 : vector<256x1024xf32>
    %max3A_613 = arith.constant 0.000000e+00 : f32
    %max3A_614 = vector.broadcast %max3A_613 : f32 to vector<256x1024xf32>
    %max3A_615 = arith.maximumf %add3A_612, %max3A_614 : vector<256x1024xf32>
    %get3A_616 = arith.constant 43 : index
    %get3A_617 = arith.constant 0 : index
    %get3A_618 = vector.load %arg12[%get3A_616, %get3A_617] : memref<64x1xf32, #tpu.memory_space<vmem>>, vector<1x1xf32>
    %mul3A_619 = vector.broadcast %get3A_618 : vector<1x1xf32> to vector<256x1024xf32>
    %mul3A_620 = arith.mulf %max3A_615, %mul3A_619 : vector<256x1024xf32>
    %add3A_621 = arith.addf %add3A_607, %mul3A_620 : vector<256x1024xf32>
    %slice3A_622 = vector.extract_strided_slice %get3A_4 {offsets = [0, 44], sizes = [256, 1], strides = [1, 1]} : vector<256x64xf32> to vector<256x1xf32>
    %slice3A_623 = vector.extract_strided_slice %get3A_7 {offsets = [44, 0], sizes = [1, 1024], strides = [1, 1]} : vector<64x1024xf32> to vector<1x1024xf32>
    %add3A_624 = vector.broadcast %slice3A_622 : vector<256x1xf32> to vector<256x1024xf32>
    %add3A_625 = vector.broadcast %slice3A_623 : vector<1x1024xf32> to vector<256x1024xf32>
    %add3A_626 = arith.addf %add3A_624, %add3A_625 : vector<256x1024xf32>
    %max3A_627 = arith.constant 0.000000e+00 : f32
    %max3A_628 = vector.broadcast %max3A_627 : f32 to vector<256x1024xf32>
    %max3A_629 = arith.maximumf %add3A_626, %max3A_628 : vector<256x1024xf32>
    %get3A_630 = arith.constant 44 : index
    %get3A_631 = arith.constant 0 : index
    %get3A_632 = vector.load %arg12[%get3A_630, %get3A_631] : memref<64x1xf32, #tpu.memory_space<vmem>>, vector<1x1xf32>
    %mul3A_633 = vector.broadcast %get3A_632 : vector<1x1xf32> to vector<256x1024xf32>
    %mul3A_634 = arith.mulf %max3A_629, %mul3A_633 : vector<256x1024xf32>
    %add3A_635 = arith.addf %add3A_621, %mul3A_634 : vector<256x1024xf32>
    %slice3A_636 = vector.extract_strided_slice %get3A_4 {offsets = [0, 45], sizes = [256, 1], strides = [1, 1]} : vector<256x64xf32> to vector<256x1xf32>
    %slice3A_637 = vector.extract_strided_slice %get3A_7 {offsets = [45, 0], sizes = [1, 1024], strides = [1, 1]} : vector<64x1024xf32> to vector<1x1024xf32>
    %add3A_638 = vector.broadcast %slice3A_636 : vector<256x1xf32> to vector<256x1024xf32>
    %add3A_639 = vector.broadcast %slice3A_637 : vector<1x1024xf32> to vector<256x1024xf32>
    %add3A_640 = arith.addf %add3A_638, %add3A_639 : vector<256x1024xf32>
    %max3A_641 = arith.constant 0.000000e+00 : f32
    %max3A_642 = vector.broadcast %max3A_641 : f32 to vector<256x1024xf32>
    %max3A_643 = arith.maximumf %add3A_640, %max3A_642 : vector<256x1024xf32>
    %get3A_644 = arith.constant 45 : index
    %get3A_645 = arith.constant 0 : index
    %get3A_646 = vector.load %arg12[%get3A_644, %get3A_645] : memref<64x1xf32, #tpu.memory_space<vmem>>, vector<1x1xf32>
    %mul3A_647 = vector.broadcast %get3A_646 : vector<1x1xf32> to vector<256x1024xf32>
    %mul3A_648 = arith.mulf %max3A_643, %mul3A_647 : vector<256x1024xf32>
    %add3A_649 = arith.addf %add3A_635, %mul3A_648 : vector<256x1024xf32>
    %slice3A_650 = vector.extract_strided_slice %get3A_4 {offsets = [0, 46], sizes = [256, 1], strides = [1, 1]} : vector<256x64xf32> to vector<256x1xf32>
    %slice3A_651 = vector.extract_strided_slice %get3A_7 {offsets = [46, 0], sizes = [1, 1024], strides = [1, 1]} : vector<64x1024xf32> to vector<1x1024xf32>
    %add3A_652 = vector.broadcast %slice3A_650 : vector<256x1xf32> to vector<256x1024xf32>
    %add3A_653 = vector.broadcast %slice3A_651 : vector<1x1024xf32> to vector<256x1024xf32>
    %add3A_654 = arith.addf %add3A_652, %add3A_653 : vector<256x1024xf32>
    %max3A_655 = arith.constant 0.000000e+00 : f32
    %max3A_656 = vector.broadcast %max3A_655 : f32 to vector<256x1024xf32>
    %max3A_657 = arith.maximumf %add3A_654, %max3A_656 : vector<256x1024xf32>
    %get3A_658 = arith.constant 46 : index
    %get3A_659 = arith.constant 0 : index
    %get3A_660 = vector.load %arg12[%get3A_658, %get3A_659] : memref<64x1xf32, #tpu.memory_space<vmem>>, vector<1x1xf32>
    %mul3A_661 = vector.broadcast %get3A_660 : vector<1x1xf32> to vector<256x1024xf32>
    %mul3A_662 = arith.mulf %max3A_657, %mul3A_661 : vector<256x1024xf32>
    %add3A_663 = arith.addf %add3A_649, %mul3A_662 : vector<256x1024xf32>
    %slice3A_664 = vector.extract_strided_slice %get3A_4 {offsets = [0, 47], sizes = [256, 1], strides = [1, 1]} : vector<256x64xf32> to vector<256x1xf32>
    %slice3A_665 = vector.extract_strided_slice %get3A_7 {offsets = [47, 0], sizes = [1, 1024], strides = [1, 1]} : vector<64x1024xf32> to vector<1x1024xf32>
    %add3A_666 = vector.broadcast %slice3A_664 : vector<256x1xf32> to vector<256x1024xf32>
    %add3A_667 = vector.broadcast %slice3A_665 : vector<1x1024xf32> to vector<256x1024xf32>
    %add3A_668 = arith.addf %add3A_666, %add3A_667 : vector<256x1024xf32>
    %max3A_669 = arith.constant 0.000000e+00 : f32
    %max3A_670 = vector.broadcast %max3A_669 : f32 to vector<256x1024xf32>
    %max3A_671 = arith.maximumf %add3A_668, %max3A_670 : vector<256x1024xf32>
    %get3A_672 = arith.constant 47 : index
    %get3A_673 = arith.constant 0 : index
    %get3A_674 = vector.load %arg12[%get3A_672, %get3A_673] : memref<64x1xf32, #tpu.memory_space<vmem>>, vector<1x1xf32>
    %mul3A_675 = vector.broadcast %get3A_674 : vector<1x1xf32> to vector<256x1024xf32>
    %mul3A_676 = arith.mulf %max3A_671, %mul3A_675 : vector<256x1024xf32>
    %add3A_677 = arith.addf %add3A_663, %mul3A_676 : vector<256x1024xf32>
    %slice3A_678 = vector.extract_strided_slice %get3A_4 {offsets = [0, 48], sizes = [256, 1], strides = [1, 1]} : vector<256x64xf32> to vector<256x1xf32>
    %slice3A_679 = vector.extract_strided_slice %get3A_7 {offsets = [48, 0], sizes = [1, 1024], strides = [1, 1]} : vector<64x1024xf32> to vector<1x1024xf32>
    %add3A_680 = vector.broadcast %slice3A_678 : vector<256x1xf32> to vector<256x1024xf32>
    %add3A_681 = vector.broadcast %slice3A_679 : vector<1x1024xf32> to vector<256x1024xf32>
    %add3A_682 = arith.addf %add3A_680, %add3A_681 : vector<256x1024xf32>
    %max3A_683 = arith.constant 0.000000e+00 : f32
    %max3A_684 = vector.broadcast %max3A_683 : f32 to vector<256x1024xf32>
    %max3A_685 = arith.maximumf %add3A_682, %max3A_684 : vector<256x1024xf32>
    %get3A_686 = arith.constant 48 : index
    %get3A_687 = arith.constant 0 : index
    %get3A_688 = vector.load %arg12[%get3A_686, %get3A_687] : memref<64x1xf32, #tpu.memory_space<vmem>>, vector<1x1xf32>
    %mul3A_689 = vector.broadcast %get3A_688 : vector<1x1xf32> to vector<256x1024xf32>
    %mul3A_690 = arith.mulf %max3A_685, %mul3A_689 : vector<256x1024xf32>
    %add3A_691 = arith.addf %add3A_677, %mul3A_690 : vector<256x1024xf32>
    %slice3A_692 = vector.extract_strided_slice %get3A_4 {offsets = [0, 49], sizes = [256, 1], strides = [1, 1]} : vector<256x64xf32> to vector<256x1xf32>
    %slice3A_693 = vector.extract_strided_slice %get3A_7 {offsets = [49, 0], sizes = [1, 1024], strides = [1, 1]} : vector<64x1024xf32> to vector<1x1024xf32>
    %add3A_694 = vector.broadcast %slice3A_692 : vector<256x1xf32> to vector<256x1024xf32>
    %add3A_695 = vector.broadcast %slice3A_693 : vector<1x1024xf32> to vector<256x1024xf32>
    %add3A_696 = arith.addf %add3A_694, %add3A_695 : vector<256x1024xf32>
    %max3A_697 = arith.constant 0.000000e+00 : f32
    %max3A_698 = vector.broadcast %max3A_697 : f32 to vector<256x1024xf32>
    %max3A_699 = arith.maximumf %add3A_696, %max3A_698 : vector<256x1024xf32>
    %get3A_700 = arith.constant 49 : index
    %get3A_701 = arith.constant 0 : index
    %get3A_702 = vector.load %arg12[%get3A_700, %get3A_701] : memref<64x1xf32, #tpu.memory_space<vmem>>, vector<1x1xf32>
    %mul3A_703 = vector.broadcast %get3A_702 : vector<1x1xf32> to vector<256x1024xf32>
    %mul3A_704 = arith.mulf %max3A_699, %mul3A_703 : vector<256x1024xf32>
    %add3A_705 = arith.addf %add3A_691, %mul3A_704 : vector<256x1024xf32>
    %slice3A_706 = vector.extract_strided_slice %get3A_4 {offsets = [0, 50], sizes = [256, 1], strides = [1, 1]} : vector<256x64xf32> to vector<256x1xf32>
    %slice3A_707 = vector.extract_strided_slice %get3A_7 {offsets = [50, 0], sizes = [1, 1024], strides = [1, 1]} : vector<64x1024xf32> to vector<1x1024xf32>
    %add3A_708 = vector.broadcast %slice3A_706 : vector<256x1xf32> to vector<256x1024xf32>
    %add3A_709 = vector.broadcast %slice3A_707 : vector<1x1024xf32> to vector<256x1024xf32>
    %add3A_710 = arith.addf %add3A_708, %add3A_709 : vector<256x1024xf32>
    %max3A_711 = arith.constant 0.000000e+00 : f32
    %max3A_712 = vector.broadcast %max3A_711 : f32 to vector<256x1024xf32>
    %max3A_713 = arith.maximumf %add3A_710, %max3A_712 : vector<256x1024xf32>
    %get3A_714 = arith.constant 50 : index
    %get3A_715 = arith.constant 0 : index
    %get3A_716 = vector.load %arg12[%get3A_714, %get3A_715] : memref<64x1xf32, #tpu.memory_space<vmem>>, vector<1x1xf32>
    %mul3A_717 = vector.broadcast %get3A_716 : vector<1x1xf32> to vector<256x1024xf32>
    %mul3A_718 = arith.mulf %max3A_713, %mul3A_717 : vector<256x1024xf32>
    %add3A_719 = arith.addf %add3A_705, %mul3A_718 : vector<256x1024xf32>
    %slice3A_720 = vector.extract_strided_slice %get3A_4 {offsets = [0, 51], sizes = [256, 1], strides = [1, 1]} : vector<256x64xf32> to vector<256x1xf32>
    %slice3A_721 = vector.extract_strided_slice %get3A_7 {offsets = [51, 0], sizes = [1, 1024], strides = [1, 1]} : vector<64x1024xf32> to vector<1x1024xf32>
    %add3A_722 = vector.broadcast %slice3A_720 : vector<256x1xf32> to vector<256x1024xf32>
    %add3A_723 = vector.broadcast %slice3A_721 : vector<1x1024xf32> to vector<256x1024xf32>
    %add3A_724 = arith.addf %add3A_722, %add3A_723 : vector<256x1024xf32>
    %max3A_725 = arith.constant 0.000000e+00 : f32
    %max3A_726 = vector.broadcast %max3A_725 : f32 to vector<256x1024xf32>
    %max3A_727 = arith.maximumf %add3A_724, %max3A_726 : vector<256x1024xf32>
    %get3A_728 = arith.constant 51 : index
    %get3A_729 = arith.constant 0 : index
    %get3A_730 = vector.load %arg12[%get3A_728, %get3A_729] : memref<64x1xf32, #tpu.memory_space<vmem>>, vector<1x1xf32>
    %mul3A_731 = vector.broadcast %get3A_730 : vector<1x1xf32> to vector<256x1024xf32>
    %mul3A_732 = arith.mulf %max3A_727, %mul3A_731 : vector<256x1024xf32>
    %add3A_733 = arith.addf %add3A_719, %mul3A_732 : vector<256x1024xf32>
    %slice3A_734 = vector.extract_strided_slice %get3A_4 {offsets = [0, 52], sizes = [256, 1], strides = [1, 1]} : vector<256x64xf32> to vector<256x1xf32>
    %slice3A_735 = vector.extract_strided_slice %get3A_7 {offsets = [52, 0], sizes = [1, 1024], strides = [1, 1]} : vector<64x1024xf32> to vector<1x1024xf32>
    %add3A_736 = vector.broadcast %slice3A_734 : vector<256x1xf32> to vector<256x1024xf32>
    %add3A_737 = vector.broadcast %slice3A_735 : vector<1x1024xf32> to vector<256x1024xf32>
    %add3A_738 = arith.addf %add3A_736, %add3A_737 : vector<256x1024xf32>
    %max3A_739 = arith.constant 0.000000e+00 : f32
    %max3A_740 = vector.broadcast %max3A_739 : f32 to vector<256x1024xf32>
    %max3A_741 = arith.maximumf %add3A_738, %max3A_740 : vector<256x1024xf32>
    %get3A_742 = arith.constant 52 : index
    %get3A_743 = arith.constant 0 : index
    %get3A_744 = vector.load %arg12[%get3A_742, %get3A_743] : memref<64x1xf32, #tpu.memory_space<vmem>>, vector<1x1xf32>
    %mul3A_745 = vector.broadcast %get3A_744 : vector<1x1xf32> to vector<256x1024xf32>
    %mul3A_746 = arith.mulf %max3A_741, %mul3A_745 : vector<256x1024xf32>
    %add3A_747 = arith.addf %add3A_733, %mul3A_746 : vector<256x1024xf32>
    %slice3A_748 = vector.extract_strided_slice %get3A_4 {offsets = [0, 53], sizes = [256, 1], strides = [1, 1]} : vector<256x64xf32> to vector<256x1xf32>
    %slice3A_749 = vector.extract_strided_slice %get3A_7 {offsets = [53, 0], sizes = [1, 1024], strides = [1, 1]} : vector<64x1024xf32> to vector<1x1024xf32>
    %add3A_750 = vector.broadcast %slice3A_748 : vector<256x1xf32> to vector<256x1024xf32>
    %add3A_751 = vector.broadcast %slice3A_749 : vector<1x1024xf32> to vector<256x1024xf32>
    %add3A_752 = arith.addf %add3A_750, %add3A_751 : vector<256x1024xf32>
    %max3A_753 = arith.constant 0.000000e+00 : f32
    %max3A_754 = vector.broadcast %max3A_753 : f32 to vector<256x1024xf32>
    %max3A_755 = arith.maximumf %add3A_752, %max3A_754 : vector<256x1024xf32>
    %get3A_756 = arith.constant 53 : index
    %get3A_757 = arith.constant 0 : index
    %get3A_758 = vector.load %arg12[%get3A_756, %get3A_757] : memref<64x1xf32, #tpu.memory_space<vmem>>, vector<1x1xf32>
    %mul3A_759 = vector.broadcast %get3A_758 : vector<1x1xf32> to vector<256x1024xf32>
    %mul3A_760 = arith.mulf %max3A_755, %mul3A_759 : vector<256x1024xf32>
    %add3A_761 = arith.addf %add3A_747, %mul3A_760 : vector<256x1024xf32>
    %slice3A_762 = vector.extract_strided_slice %get3A_4 {offsets = [0, 54], sizes = [256, 1], strides = [1, 1]} : vector<256x64xf32> to vector<256x1xf32>
    %slice3A_763 = vector.extract_strided_slice %get3A_7 {offsets = [54, 0], sizes = [1, 1024], strides = [1, 1]} : vector<64x1024xf32> to vector<1x1024xf32>
    %add3A_764 = vector.broadcast %slice3A_762 : vector<256x1xf32> to vector<256x1024xf32>
    %add3A_765 = vector.broadcast %slice3A_763 : vector<1x1024xf32> to vector<256x1024xf32>
    %add3A_766 = arith.addf %add3A_764, %add3A_765 : vector<256x1024xf32>
    %max3A_767 = arith.constant 0.000000e+00 : f32
    %max3A_768 = vector.broadcast %max3A_767 : f32 to vector<256x1024xf32>
    %max3A_769 = arith.maximumf %add3A_766, %max3A_768 : vector<256x1024xf32>
    %get3A_770 = arith.constant 54 : index
    %get3A_771 = arith.constant 0 : index
    %get3A_772 = vector.load %arg12[%get3A_770, %get3A_771] : memref<64x1xf32, #tpu.memory_space<vmem>>, vector<1x1xf32>
    %mul3A_773 = vector.broadcast %get3A_772 : vector<1x1xf32> to vector<256x1024xf32>
    %mul3A_774 = arith.mulf %max3A_769, %mul3A_773 : vector<256x1024xf32>
    %add3A_775 = arith.addf %add3A_761, %mul3A_774 : vector<256x1024xf32>
    %slice3A_776 = vector.extract_strided_slice %get3A_4 {offsets = [0, 55], sizes = [256, 1], strides = [1, 1]} : vector<256x64xf32> to vector<256x1xf32>
    %slice3A_777 = vector.extract_strided_slice %get3A_7 {offsets = [55, 0], sizes = [1, 1024], strides = [1, 1]} : vector<64x1024xf32> to vector<1x1024xf32>
    %add3A_778 = vector.broadcast %slice3A_776 : vector<256x1xf32> to vector<256x1024xf32>
    %add3A_779 = vector.broadcast %slice3A_777 : vector<1x1024xf32> to vector<256x1024xf32>
    %add3A_780 = arith.addf %add3A_778, %add3A_779 : vector<256x1024xf32>
    %max3A_781 = arith.constant 0.000000e+00 : f32
    %max3A_782 = vector.broadcast %max3A_781 : f32 to vector<256x1024xf32>
    %max3A_783 = arith.maximumf %add3A_780, %max3A_782 : vector<256x1024xf32>
    %get3A_784 = arith.constant 55 : index
    %get3A_785 = arith.constant 0 : index
    %get3A_786 = vector.load %arg12[%get3A_784, %get3A_785] : memref<64x1xf32, #tpu.memory_space<vmem>>, vector<1x1xf32>
    %mul3A_787 = vector.broadcast %get3A_786 : vector<1x1xf32> to vector<256x1024xf32>
    %mul3A_788 = arith.mulf %max3A_783, %mul3A_787 : vector<256x1024xf32>
    %add3A_789 = arith.addf %add3A_775, %mul3A_788 : vector<256x1024xf32>
    %slice3A_790 = vector.extract_strided_slice %get3A_4 {offsets = [0, 56], sizes = [256, 1], strides = [1, 1]} : vector<256x64xf32> to vector<256x1xf32>
    %slice3A_791 = vector.extract_strided_slice %get3A_7 {offsets = [56, 0], sizes = [1, 1024], strides = [1, 1]} : vector<64x1024xf32> to vector<1x1024xf32>
    %add3A_792 = vector.broadcast %slice3A_790 : vector<256x1xf32> to vector<256x1024xf32>
    %add3A_793 = vector.broadcast %slice3A_791 : vector<1x1024xf32> to vector<256x1024xf32>
    %add3A_794 = arith.addf %add3A_792, %add3A_793 : vector<256x1024xf32>
    %max3A_795 = arith.constant 0.000000e+00 : f32
    %max3A_796 = vector.broadcast %max3A_795 : f32 to vector<256x1024xf32>
    %max3A_797 = arith.maximumf %add3A_794, %max3A_796 : vector<256x1024xf32>
    %get3A_798 = arith.constant 56 : index
    %get3A_799 = arith.constant 0 : index
    %get3A_800 = vector.load %arg12[%get3A_798, %get3A_799] : memref<64x1xf32, #tpu.memory_space<vmem>>, vector<1x1xf32>
    %mul3A_801 = vector.broadcast %get3A_800 : vector<1x1xf32> to vector<256x1024xf32>
    %mul3A_802 = arith.mulf %max3A_797, %mul3A_801 : vector<256x1024xf32>
    %add3A_803 = arith.addf %add3A_789, %mul3A_802 : vector<256x1024xf32>
    %slice3A_804 = vector.extract_strided_slice %get3A_4 {offsets = [0, 57], sizes = [256, 1], strides = [1, 1]} : vector<256x64xf32> to vector<256x1xf32>
    %slice3A_805 = vector.extract_strided_slice %get3A_7 {offsets = [57, 0], sizes = [1, 1024], strides = [1, 1]} : vector<64x1024xf32> to vector<1x1024xf32>
    %add3A_806 = vector.broadcast %slice3A_804 : vector<256x1xf32> to vector<256x1024xf32>
    %add3A_807 = vector.broadcast %slice3A_805 : vector<1x1024xf32> to vector<256x1024xf32>
    %add3A_808 = arith.addf %add3A_806, %add3A_807 : vector<256x1024xf32>
    %max3A_809 = arith.constant 0.000000e+00 : f32
    %max3A_810 = vector.broadcast %max3A_809 : f32 to vector<256x1024xf32>
    %max3A_811 = arith.maximumf %add3A_808, %max3A_810 : vector<256x1024xf32>
    %get3A_812 = arith.constant 57 : index
    %get3A_813 = arith.constant 0 : index
    %get3A_814 = vector.load %arg12[%get3A_812, %get3A_813] : memref<64x1xf32, #tpu.memory_space<vmem>>, vector<1x1xf32>
    %mul3A_815 = vector.broadcast %get3A_814 : vector<1x1xf32> to vector<256x1024xf32>
    %mul3A_816 = arith.mulf %max3A_811, %mul3A_815 : vector<256x1024xf32>
    %add3A_817 = arith.addf %add3A_803, %mul3A_816 : vector<256x1024xf32>
    %slice3A_818 = vector.extract_strided_slice %get3A_4 {offsets = [0, 58], sizes = [256, 1], strides = [1, 1]} : vector<256x64xf32> to vector<256x1xf32>
    %slice3A_819 = vector.extract_strided_slice %get3A_7 {offsets = [58, 0], sizes = [1, 1024], strides = [1, 1]} : vector<64x1024xf32> to vector<1x1024xf32>
    %add3A_820 = vector.broadcast %slice3A_818 : vector<256x1xf32> to vector<256x1024xf32>
    %add3A_821 = vector.broadcast %slice3A_819 : vector<1x1024xf32> to vector<256x1024xf32>
    %add3A_822 = arith.addf %add3A_820, %add3A_821 : vector<256x1024xf32>
    %max3A_823 = arith.constant 0.000000e+00 : f32
    %max3A_824 = vector.broadcast %max3A_823 : f32 to vector<256x1024xf32>
    %max3A_825 = arith.maximumf %add3A_822, %max3A_824 : vector<256x1024xf32>
    %get3A_826 = arith.constant 58 : index
    %get3A_827 = arith.constant 0 : index
    %get3A_828 = vector.load %arg12[%get3A_826, %get3A_827] : memref<64x1xf32, #tpu.memory_space<vmem>>, vector<1x1xf32>
    %mul3A_829 = vector.broadcast %get3A_828 : vector<1x1xf32> to vector<256x1024xf32>
    %mul3A_830 = arith.mulf %max3A_825, %mul3A_829 : vector<256x1024xf32>
    %add3A_831 = arith.addf %add3A_817, %mul3A_830 : vector<256x1024xf32>
    %slice3A_832 = vector.extract_strided_slice %get3A_4 {offsets = [0, 59], sizes = [256, 1], strides = [1, 1]} : vector<256x64xf32> to vector<256x1xf32>
    %slice3A_833 = vector.extract_strided_slice %get3A_7 {offsets = [59, 0], sizes = [1, 1024], strides = [1, 1]} : vector<64x1024xf32> to vector<1x1024xf32>
    %add3A_834 = vector.broadcast %slice3A_832 : vector<256x1xf32> to vector<256x1024xf32>
    %add3A_835 = vector.broadcast %slice3A_833 : vector<1x1024xf32> to vector<256x1024xf32>
    %add3A_836 = arith.addf %add3A_834, %add3A_835 : vector<256x1024xf32>
    %max3A_837 = arith.constant 0.000000e+00 : f32
    %max3A_838 = vector.broadcast %max3A_837 : f32 to vector<256x1024xf32>
    %max3A_839 = arith.maximumf %add3A_836, %max3A_838 : vector<256x1024xf32>
    %get3A_840 = arith.constant 59 : index
    %get3A_841 = arith.constant 0 : index
    %get3A_842 = vector.load %arg12[%get3A_840, %get3A_841] : memref<64x1xf32, #tpu.memory_space<vmem>>, vector<1x1xf32>
    %mul3A_843 = vector.broadcast %get3A_842 : vector<1x1xf32> to vector<256x1024xf32>
    %mul3A_844 = arith.mulf %max3A_839, %mul3A_843 : vector<256x1024xf32>
    %add3A_845 = arith.addf %add3A_831, %mul3A_844 : vector<256x1024xf32>
    %slice3A_846 = vector.extract_strided_slice %get3A_4 {offsets = [0, 60], sizes = [256, 1], strides = [1, 1]} : vector<256x64xf32> to vector<256x1xf32>
    %slice3A_847 = vector.extract_strided_slice %get3A_7 {offsets = [60, 0], sizes = [1, 1024], strides = [1, 1]} : vector<64x1024xf32> to vector<1x1024xf32>
    %add3A_848 = vector.broadcast %slice3A_846 : vector<256x1xf32> to vector<256x1024xf32>
    %add3A_849 = vector.broadcast %slice3A_847 : vector<1x1024xf32> to vector<256x1024xf32>
    %add3A_850 = arith.addf %add3A_848, %add3A_849 : vector<256x1024xf32>
    %max3A_851 = arith.constant 0.000000e+00 : f32
    %max3A_852 = vector.broadcast %max3A_851 : f32 to vector<256x1024xf32>
    %max3A_853 = arith.maximumf %add3A_850, %max3A_852 : vector<256x1024xf32>
    %get3A_854 = arith.constant 60 : index
    %get3A_855 = arith.constant 0 : index
    %get3A_856 = vector.load %arg12[%get3A_854, %get3A_855] : memref<64x1xf32, #tpu.memory_space<vmem>>, vector<1x1xf32>
    %mul3A_857 = vector.broadcast %get3A_856 : vector<1x1xf32> to vector<256x1024xf32>
    %mul3A_858 = arith.mulf %max3A_853, %mul3A_857 : vector<256x1024xf32>
    %add3A_859 = arith.addf %add3A_845, %mul3A_858 : vector<256x1024xf32>
    %slice3A_860 = vector.extract_strided_slice %get3A_4 {offsets = [0, 61], sizes = [256, 1], strides = [1, 1]} : vector<256x64xf32> to vector<256x1xf32>
    %slice3A_861 = vector.extract_strided_slice %get3A_7 {offsets = [61, 0], sizes = [1, 1024], strides = [1, 1]} : vector<64x1024xf32> to vector<1x1024xf32>
    %add3A_862 = vector.broadcast %slice3A_860 : vector<256x1xf32> to vector<256x1024xf32>
    %add3A_863 = vector.broadcast %slice3A_861 : vector<1x1024xf32> to vector<256x1024xf32>
    %add3A_864 = arith.addf %add3A_862, %add3A_863 : vector<256x1024xf32>
    %max3A_865 = arith.constant 0.000000e+00 : f32
    %max3A_866 = vector.broadcast %max3A_865 : f32 to vector<256x1024xf32>
    %max3A_867 = arith.maximumf %add3A_864, %max3A_866 : vector<256x1024xf32>
    %get3A_868 = arith.constant 61 : index
    %get3A_869 = arith.constant 0 : index
    %get3A_870 = vector.load %arg12[%get3A_868, %get3A_869] : memref<64x1xf32, #tpu.memory_space<vmem>>, vector<1x1xf32>
    %mul3A_871 = vector.broadcast %get3A_870 : vector<1x1xf32> to vector<256x1024xf32>
    %mul3A_872 = arith.mulf %max3A_867, %mul3A_871 : vector<256x1024xf32>
    %add3A_873 = arith.addf %add3A_859, %mul3A_872 : vector<256x1024xf32>
    %slice3A_874 = vector.extract_strided_slice %get3A_4 {offsets = [0, 62], sizes = [256, 1], strides = [1, 1]} : vector<256x64xf32> to vector<256x1xf32>
    %slice3A_875 = vector.extract_strided_slice %get3A_7 {offsets = [62, 0], sizes = [1, 1024], strides = [1, 1]} : vector<64x1024xf32> to vector<1x1024xf32>
    %add3A_876 = vector.broadcast %slice3A_874 : vector<256x1xf32> to vector<256x1024xf32>
    %add3A_877 = vector.broadcast %slice3A_875 : vector<1x1024xf32> to vector<256x1024xf32>
    %add3A_878 = arith.addf %add3A_876, %add3A_877 : vector<256x1024xf32>
    %max3A_879 = arith.constant 0.000000e+00 : f32
    %max3A_880 = vector.broadcast %max3A_879 : f32 to vector<256x1024xf32>
    %max3A_881 = arith.maximumf %add3A_878, %max3A_880 : vector<256x1024xf32>
    %get3A_882 = arith.constant 62 : index
    %get3A_883 = arith.constant 0 : index
    %get3A_884 = vector.load %arg12[%get3A_882, %get3A_883] : memref<64x1xf32, #tpu.memory_space<vmem>>, vector<1x1xf32>
    %mul3A_885 = vector.broadcast %get3A_884 : vector<1x1xf32> to vector<256x1024xf32>
    %mul3A_886 = arith.mulf %max3A_881, %mul3A_885 : vector<256x1024xf32>
    %add3A_887 = arith.addf %add3A_873, %mul3A_886 : vector<256x1024xf32>
    %slice3A_888 = vector.extract_strided_slice %get3A_4 {offsets = [0, 63], sizes = [256, 1], strides = [1, 1]} : vector<256x64xf32> to vector<256x1xf32>
    %slice3A_889 = vector.extract_strided_slice %get3A_7 {offsets = [63, 0], sizes = [1, 1024], strides = [1, 1]} : vector<64x1024xf32> to vector<1x1024xf32>
    %add3A_890 = vector.broadcast %slice3A_888 : vector<256x1xf32> to vector<256x1024xf32>
    %add3A_891 = vector.broadcast %slice3A_889 : vector<1x1024xf32> to vector<256x1024xf32>
    %add3A_892 = arith.addf %add3A_890, %add3A_891 : vector<256x1024xf32>
    %max3A_893 = arith.constant 0.000000e+00 : f32
    %max3A_894 = vector.broadcast %max3A_893 : f32 to vector<256x1024xf32>
    %max3A_895 = arith.maximumf %add3A_892, %max3A_894 : vector<256x1024xf32>
    %get3A_896 = arith.constant 63 : index
    %get3A_897 = arith.constant 0 : index
    %get3A_898 = vector.load %arg12[%get3A_896, %get3A_897] : memref<64x1xf32, #tpu.memory_space<vmem>>, vector<1x1xf32>
    %mul3A_899 = vector.broadcast %get3A_898 : vector<1x1xf32> to vector<256x1024xf32>
    %mul3A_900 = arith.mulf %max3A_895, %mul3A_899 : vector<256x1024xf32>
    %add3A_901 = arith.addf %add3A_887, %mul3A_900 : vector<256x1024xf32>
    %get3A_902 = arith.constant 0 : index
    %get3A_903 = arith.constant 0 : index
    %get3A_904 = vector.load %arg13[%get3A_902, %get3A_903] : memref<1x1xf32, #tpu.memory_space<vmem>>, vector<1x1xf32>
    %add3A_905 = vector.broadcast %get3A_904 : vector<1x1xf32> to vector<256x1024xf32>
    %add3A_906 = arith.addf %add3A_901, %add3A_905 : vector<256x1024xf32>
    %neg3A = arith.constant 0.000000e+00 : f32
    %neg3A_907 = vector.broadcast %neg3A : f32 to vector<256x1024xf32>
    %neg3A_908 = arith.subf %neg3A_907, %add3A_906 : vector<256x1024xf32>
    %exp3A = math.exp %neg3A_908 : vector<256x1024xf32>
    %add3A_909 = arith.constant 1.000000e+00 : f32
    %add3A_910 = vector.broadcast %add3A_909 : f32 to vector<256x1024xf32>
    %add3A_911 = arith.addf %add3A_910, %exp3A : vector<256x1024xf32>
    %div3A = arith.constant 1.000000e+00 : f32
    %div3A_912 = vector.broadcast %div3A : f32 to vector<256x1024xf32>
    %div3A_913 = arith.divf %div3A_912, %add3A_911 : vector<256x1024xf32>
    %swap3A = arith.constant 0 : index
    %swap3A_914 = arith.constant 0 : index
    %swap3A_915 = vector.load %arg14[%swap3A, %swap3A_914] : memref<256x1024xf32, #tpu.memory_space<vmem>>, vector<256x1024xf32>
    tpu.vector_store %arg14[%swap3A, %swap3A_914], %div3A_913 {strides = array<i32>} : memref<256x1024xf32, #tpu.memory_space<vmem>>, vector<256x1024xf32>,
    return
  }
  func.func @transform_0(%arg0: i32) -> (i32, i32) {
    %c0_i32 = arith.constant 0 : i32
    %c0_i32_0 = arith.constant 0 : i32
    %c0_i32_1 = arith.constant 0 : i32
    return %c0_i32, %c0_i32_0 : i32, i32
  }
  func.func @transform_1(%arg0: i32) -> (i32, i32) {
    %c0_i32 = arith.constant 0 : i32
    %c0_i32_0 = arith.constant 0 : i32
    %c0_i32_1 = arith.constant 0 : i32
    return %c0_i32, %c0_i32_0 : i32, i32
  }
  func.func @transform_2(%arg0: i32) -> (i32, i32) {
    %c0_i32 = arith.constant 0 : i32
    %c0_i32_0 = arith.constant 0 : i32
    %c0_i32_1 = arith.constant 0 : i32
    return %c0_i32, %c0_i32_0 : i32, i32
  }
  func.func @transform_3(%arg0: i32) -> (i32, i32) {
    %c0_i32 = arith.constant 0 : i32
    %c0_i32_0 = arith.constant 0 : i32
    %c0_i32_1 = arith.constant 0 : i32
    return %c0_i32, %c0_i32_0 : i32, i32
  }
  func.func @transform_4(%arg0: i32) -> (i32, i32) {
    %c0_i32 = arith.constant 0 : i32
    %c0_i32_0 = arith.constant 0 : i32
    %c0_i32_1 = arith.constant 0 : i32
    return %c0_i32, %c0_i32_0 : i32, i32
  }
  func.func @transform_5(%arg0: i32) -> (i32, i32) {
    %c0_i32 = arith.constant 0 : i32
    %c0_i32_0 = arith.constant 0 : i32
    %c0_i32_1 = arith.constant 0 : i32
    return %c0_i32, %c0_i32_0 : i32, i32
  }
  func.func @transform_6(%arg0: i32) -> (i32, i32) {
    %c0_i32 = arith.constant 0 : i32
    %c0_i32_0 = arith.constant 0 : i32
    %c0_i32_1 = arith.constant 0 : i32
    return %c0_i32, %c0_i32_0 : i32, i32
  }
  func.func @transform_7(%arg0: i32) -> (i32, i32) {
    %c0_i32 = arith.constant 0 : i32
    %c0_i32_0 = arith.constant 0 : i32
    %c0_i32_1 = arith.constant 0 : i32
    return %c0_i32, %c0_i32_0 : i32, i32
  }
  func.func @transform_8(%arg0: i32) -> (i32, i32) {
    %c0_i32 = arith.constant 0 : i32
    %c0_i32_0 = arith.constant 0 : i32
    %c0_i32_1 = arith.constant 0 : i32
    return %c0_i32, %c0_i32_0 : i32, i32
  }
  func.func @transform_9(%arg0: i32) -> (i32, i32) {
    %c0_i32 = arith.constant 0 : i32
    %c0_i32_0 = arith.constant 0 : i32
    %c0_i32_1 = arith.constant 0 : i32
    return %c0_i32, %c0_i32_0 : i32, i32
  }
  func.func @transform_10(%arg0: i32) -> (i32, i32) {
    %c0_i32 = arith.constant 0 : i32
    %c0_i32_0 = arith.constant 0 : i32
    %c0_i32_1 = arith.constant 0 : i32
    return %c0_i32, %c0_i32_0 : i32, i32
  }
  func.func @transform_11(%arg0: i32) -> (i32, i32) {
    %c0_i32 = arith.constant 0 : i32
    %c0_i32_0 = arith.constant 0 : i32
    %c0_i32_1 = arith.constant 0 : i32
    return %c0_i32, %c0_i32_0 : i32, i32
  }
  func.func @transform_12(%arg0: i32) -> (i32, i32) {
    %c0_i32 = arith.constant 0 : i32
    %c0_i32_0 = arith.constant 0 : i32
    %c0_i32_1 = arith.constant 0 : i32
    return %c0_i32, %c0_i32_0 : i32, i32
  }
  func.func @transform_13(%arg0: i32) -> (i32, i32) {
    %c0_i32 = arith.constant 0 : i32
    %c0_i32_0 = arith.constant 0 : i32
    return %arg0, %c0_i32 : i32, i32
  }
}

</mosaic_0001>

<sc_bundles>
// kernel: kernel.11.cloned.1.call-start
scs
__scs_entry_jumppad:
0x0: {  	(pc) =	sbr.rel $0x88, $3  }
0x1: {  	(tag) =	ssettag $0x0;
	lr =	simm.s32 $0x1  }
0x2: {  	[smem:$0x3F87] =	sst lr;
	_ =	strace $0xD0000000  }
0x3: {  	_ = 	snop  }
0x4: {  	_ = 	snop  }
0x5: {  	_ = 	snop  }
0x6: {  	_ = 	snop  }
0x7: {  	_ = 	snop  }
__scs_overlays_trampoline_lowered:
0x8: {  	[smem:$0x3F96] =	sst s0  }
0x9: {  	[smem:$0x3F97] =	sst s1  }
0xa: {  	[smem:$0x3F98] =	sst s2  }
0xb: {  	[smem:$0x3F99] =	sst s3  }
0xc: {  	[smem:$0x3F9A] =	sst s4  }
0xd: {  	[smem:$0x3F9B] =	sst s5  }
0xe: {  	[smem:$0x3F9C] =	sst s6  }
0xf: {  	[smem:$0x3F9D] =	sst s7  }
0x10: {  	[smem:$0x3F9E] =	sst s8  }
0x11: {  	[smem:$0x3F9F] =	sst s9;
	s0 =	simm.s32 @!p0 $0x0  }
0x12: {  	s1 =	sld [smem:$0x3F85];
	s0 =	simm.s32 @p0 $0x1  }
0x13: {  	[smem:$0x3FA0] =	sst s0;
	s0 =	simm.s32 @!p1 $0x0  }
0x14: {  	s2 =	sld [smem:$0x3F84];
	s0 =	simm.s32 @p1 $0x1  }
0x15: {  	[smem:$0x3FA1] =	sst s0;
	s0 =	simm.s32 @!p2 $0x0  }
0x16: {  	s3 =	sld [smem:$0x3FDB];
	s0 =	simm.s32 @p2 $0x1  }
0x17: {  	s4 =	simm.s32 $0x1BF5;
	[smem:$0x3FA3] =	sst s0  }
0x18: {  	s0 =	sld [smem:$0x3F86];
	_ =	swait.ge [sflag:s4], $0x0  }
0x19: {  	s7 =	sld [smem:$0x3F87]  }
0x1a: {  	s8 =	sadd.s32 $0xFFFFE003, lr  }
0x1b: {  	s9 =	sadd.s32 $0xFFFFFEF7, lr;
	s5 =	simm.s32 $0xFFFFFFFF;
	p2 =	slt.u32 s8, $0xFFFFF086  }
0x1c: {  	p1 =	slt.u32 s9, $0xF7A;
	s5 =	simm.s32 @!p2 $0x0  }
0x1d: {  	s5 =	simm.s32 @p1 $0x1;
	p0 =	seq.s32 s7, s2  }
0x1e: {  	s7 =	smul.u32 @!p0 $0xF7A, s2;
	p2 =	seq.s32 @!p0 s5, $0x0  }
0x1f: {  	s9 =	smul.u32 $0xF7A, s1;
	s8 =	simm.s32 @!p0 $0x1BF5;
	p2 =	por !p2, p0  }
0x20: {  	[sflag:s8] =	ssyncset.s32 @!p0 $0xFFFFF086;
	s6 =	sadd.s32 @!p0 s3, s7;
	s7 =	simm.s32 @!p0 $0x108  }
0x21: {  	s3 =	sadd.s32 s3, s9;
	s6 =	sadd.s32 @!p0 $0x88, s6;
	s7 =	simm.s32 @p2 $0x1082  }
0x22: {  	[simem:s7], [sflag:s8] =	dma.local @!p0 [hbm:s6], $0xF7A  }
0x23: {  	s9 =	sor.u32 $0xD0000000, s2;
	s6 =	simm.s32 $0x108;
	_ =	swait.ge @!p0 [sflag:s8], $0x0  }
0x24: {  	s3 =	sadd.s32 $0x88, s3;
	s6 =	simm.s32 @!p1 $0x1082;
	[sflag:s4] =	ssyncset.s32 $0xFFFFF086  }
0x25: {  	[simem:s6], [sflag:s4] =	dma.local [hbm:s3], $0xF7A  }
0x26: {  	[smem:$0x3F87] =	sst s1;
	(tag) =	ssettag s2;
	_ =	strace s9  }
0x27: {  	s1 =	sld [smem:$0x3F97]  }
0x28: {  	s2 =	sld [smem:$0x3F98]  }
0x29: {  	s4 =	sld [smem:$0x3F9A]  }
0x2a: {  	p0 =	seq.s32 s5, $0x0;
	s5 =	sld [smem:$0x3F9B]  }
0x2b: {  	s6 =	sld [smem:$0x3F9C]  }
0x2c: {  	s7 =	sld [smem:$0x3F9D]  }
0x2d: {  	s3 =	simm.s32 $0x108;
	s8 =	sld [smem:$0x3F9E]  }
0x2e: {  	s3 =	simm.s32 @!p0 $0x1082;
	s9 =	sld [smem:$0x3F9F]  }
0x2f: {  	lr =	sadd.s32 s0, s3;
	s0 =	sld [smem:$0x3F96]  }
0x30: {  	s3 =	sld [smem:$0x3F99]  }
0x31: {  	[smem:$0x3FA2] =	sst s10  }
0x32: {  	s10 =	sld [smem:$0x3FA0];
	_ =	sdelay $0x3  }
0x33: {  	p0 =	seq.s32 s10, $0x1;
	s10 =	sld [smem:$0x3FA2];
	_ =	sdelay $0x3  }
0x34: {  	[smem:$0x3FA2] =	sst s10  }
0x35: {  	s10 =	sld [smem:$0x3FA1];
	_ =	sdelay $0x3  }
0x36: {  	p1 =	seq.s32 s10, $0x1;
	s10 =	sld [smem:$0x3FA2];
	_ =	sdelay $0x3  }
0x37: {  	[smem:$0x3FA2] =	sst s10  }
0x38: {  	s10 =	sld [smem:$0x3FA3]  }
0x39: {  	_ = 	snop;
	(pc) =	sbr.ind lr, $3  }
0x3a: {  	_ = 	snop  }
0x3b: {  	_ = 	snop  }
0x3c: {  	p2 =	seq.s32 s10, $0x1;
	s10 =	sld [smem:$0x3FA2]  }
0x3d: {  	_ =	shalt  }
0x3e: {  	_ =	shalt  }
0x3f: {  	_ =	shalt  }
0x40: {  	_ =	shalt  }
0x41: {  	_ =	shalt  }
0x42: {  	_ =	shalt  }
0x43: {  	_ =	shalt  }
0x44: {  	_ =	shalt  }
0x45: {  	_ =	shalt  }
0x46: {  	_ =	shalt  }
0x47: {  	_ =	shalt  }
0x48: {  	_ =	shalt  }
0x49: {  	_ =	shalt  }
0x4a: {  	_ =	shalt  }
0x4b: {  	_ =	shalt  }
0x4c: {  	_ =	shalt  }
0x4d: {  	_ =	shalt  }
0x4e: {  	_ =	shalt  }
0x4f: {  	_ =	shalt  }
0x50: {  	_ =	shalt  }
0x51: {  	_ =	shalt  }
0x52: {  	_ =	shalt  }
0x53: {  	_ =	shalt  }
0x54: {  	_ =	shalt  }
0x55: {  	_ =	shalt  }
0x56: {  	_ =	shalt  }
0x57: {  	_ =	shalt  }
0x58: {  	_ =	shalt  }
0x59: {  	_ =	shalt  }
0x5a: {  	_ =	shalt  }
0x5b: {  	_ =	shalt  }
0x5c: {  	_ =	shalt  }
0x5d: {  	_ =	shalt  }
0x5e: {  	_ =	shalt  }
0x5f: {  	_ =	shalt  }
0x60: {  	_ =	shalt  }
0x61: {  	_ =	shalt  }
0x62: {  	_ =	shalt  }
0x63: {  	_ =	shalt  }
0x64: {  	_ =	shalt  }
0x65: {  	_ =	shalt  }
0x66: {  	_ =	shalt  }
0x67: {  	_ =	shalt  }
0x68: {  	_ =	shalt  }
0x69: {  	_ =	shalt  }
0x6a: {  	_ =	shalt  }
0x6b: {  	_ =	shalt  }
0x6c: {  	_ =	shalt  }
0x6d: {  	_ =	shalt  }
0x6e: {  	_ =	shalt  }
0x6f: {  	_ =	shalt  }
0x70: {  	_ =	shalt  }
0x71: {  	_ =	shalt  }
0x72: {  	_ =	shalt  }
0x73: {  	_ =	shalt  }
0x74: {  	_ =	shalt  }
0x75: {  	_ =	shalt  }
0x76: {  	_ =	shalt  }
0x77: {  	_ =	shalt  }
0x78: {  	_ =	shalt  }
0x79: {  	_ =	shalt  }
0x7a: {  	_ =	shalt  }
0x7b: {  	_ =	shalt  }
0x7c: {  	_ =	shalt  }
0x7d: {  	_ =	shalt  }
0x7e: {  	_ =	shalt  }
0x7f: {  	_ =	shalt  }
0x80: {  	_ =	shalt  }
0x81: {  	_ =	shalt  }
0x82: {  	_ =	shalt  }
0x83: {  	_ =	shalt  }
0x84: {  	_ =	shalt  }
0x85: {  	_ =	shalt  }
0x86: {  	_ =	shalt  }
0x87: {  	_ =	shalt  }
.Lfunc_end0:
.L_simem_size_0:
called_computation.1_lowered:
.L_overlay_start_0:
0x88: {  	s2 =	sld [smem:$0x3FD9]  }
0x89: {  	s3 =	sld [smem:$0x3FFE];
	_ =	sdelay $0x1  }
0x8a: {  	s1 =	srdreg.scid  }
0x8b: {  	s0 =	sand.u32 $0x1, s1  }
0x8c: {  	s17 =	sshll.u32 s0, $0xA;
	s2 =	sadd.s32 s3, s2  }
0x8d: {  	s2 =	sadd.s32 s2, s17  }
0x8e: {  	[smem:$0x3FAE] =	sst s2  }
0x8f: {  	_ = 	snop  }
0x90: {  	s2 =	sld [smem:$0x3FD0];
	(tm) =	ssettm $0x1  }
0x91: {  	s18 =	sld [smem:$0x3FFB];
	_ =	sdelay $0x3  }
0x92: {  	_ =	strace s18  }
0x93: {  	s3 =	sld [smem:$0x3FFC];
	_ =	sdelay $0x3  }
0x94: {  	_ =	strace s3  }
0x95: {  	s3 =	sld [smem:$0x3FFD];
	_ =	sdelay $0x3  }
0x96: {  	_ =	strace s3  }
0x97: {  	_ =	strace $0x8FFFFFFF  }
0x98: {  	s19 =	sld [smem:$0x3FDB];
	_ =	sdelay $0x1  }
0x99: {  	s4 =	simm.s32 $_scs_section_size  }
0x9a: {  	s5 =	simm.s32 $_size__tile_overlayer_lowered;
	s6 =	simm.s32 $_tile_overlayer_lowered  }
0x9b: {  	s22 =	simm.s32 $0x1BFF;
	s21 =	sshll.u32 s6, $0x1;
	s3 =	sadd.s32 s4, s19  }
0x9c: {  	s7 =	simm.s32 $0x0;
	s20 =	sshll.u32 s5, $0x1;
	s5 =	sadd.s32 s21, s3  }
0x9d: {  	[timem:s7], [sflag:s22] =	dma.local [hbm:s5], s20  }
0x9e: {  	_ =	swait.ge [sflag:s22], s20  }
0x9f: {  	s4 =	ssub.s32 $0x0, s20;
	[sflag:s22] =	ssyncset.done $0x0  }
0xa0: {  	[sflag:s22] =	ssyncadd.s32 s4;
	_ =	sdelay $0x1  }
0xa1: {  	s23 =	simm.s32 $0x1B8B  }
0xa2: {  	_ =	swait.ge [sflag:s23], $0x1  }
0xa3: {  	[sflag:s23] =	ssyncset.done $0x0  }
0xa4: {  	s25 =	simm.s32 $0x1B8E;
	s24 =	sld [smem:$0x3FFE];
	[sflag:s23] =	ssyncadd.s32 $0xFFFFFFFF  }
0xa5: {  	s26 =	simm.s32 $execute0_lowered;
	[smem:$0x3FD2] =	sst s25  }
0xa6: {  	s5 =	sshll.u32 s26, $0x1;
	_ =	strace $0x80000049;
	[dreg:$0x1] =	wrdreg $0xFFFFFFFF  }
0xa7: {  	s28 =	simm.s32 $_size_execute0_lowered;
	s3 =	sadd.s32 s3, s5;
	[dreg:$0x0] =	wrdreg $0x0  }
0xa8: {  	s5 =	sshll.u32 s28, $0x1;
	[dreg:$0x2] =	wrdreg s3  }
0xa9: {  	[dreg:$0x3] =	wrdreg s5  }
0xaa: {  	[dreg:$0x4] =	wrdreg $0xC0  }
0xab: {  	_ =	task [dreg:s7], $0x5FFFF  }
0xac: {  	[dreg:$0x1] =	wrdreg $0xFFFFFFFF  }
0xad: {  	[dreg:$0x0] =	wrdreg $0x60  }
0xae: {  	[dreg:$0x2] =	wrdreg s24  }
0xaf: {  	[dreg:$0x3] =	wrdreg s2  }
0xb0: {  	[dreg:$0x4] =	wrdreg $0x1A1800  }
0xb1: {  	[dreg:$0x5] =	wrdreg $0x9  }
0xb2: {  	_ =	task.clear_ibuf [dreg:s7], $0x6FFFF;
	_ =	strace $0x90000049  }
0xb3: {  	s29 =	simm.s32 $0x9;
	_ =	strace $0x8000004B  }
0xb4: {  	_ =	swait.ge [sflag:s29], $0x1  }
0xb5: {  	[sflag:s29] =	ssyncadd.s32 $0xFFFFFFFF  }
0xb6: {  	_ =	strace $0x9000004B  }
0xb7: {  	_ =	sfence  }
0xb8: {  	s30 =	sld [smem:$0x0];
	_ =	sdelay $0x2  }
0xb9: {  	s31 =	sshll.u32 s1, $0xD;
	s1 =	sshrl.u32 s1, $0x2  }
0xba: {  	s3 =	sand.u32 $0x4000, s31;
	s1 =	sadd.s32 s1, s30  }
0xbb: {  	s0 =	sor.u32 s3, s0;
	s1 =	sshll.u32 s1, $0x11  }
0xbc: {  	s0 =	sor.u32 s1, s0  }
0xbd: {  	s0 =	sadd.s32 $0x8F2B, s0  }
0xbe: {  	[sflag:s0] =	ssyncadd.remote.s32 $0x1  }
0xbf: {  	_ =	sfence.sel $0xFFFF  }
0xc0: {  	[dreg:$0x0] =	wrdreg $0xFFFFFFFF;
	(pc) =	sbr.abs _section_cstart, $3  }
0xc1: {  	[dreg:$0x1] =	wrdreg $0xFFFFFFFF  }
0xc2: {  	_ =	task.clear_ibuf [dreg:s7], $0x2FFFF;
	_ =	strace $0x9FFFFFFF  }
0xc3: {  	(tm) =	ssettm $0x7FFFFFFF  }
tec
execute0_lowered:
.L_overlay_start_1:
0x0: {  	(tag) =	ssettag $0x1  }
0x1: {  	s0 =	rddreg [dreg:$0x0]  }
0x2: {  	s1 =	rddreg [dreg:$0x1]  }
0x3: {  	s16 =	rddreg [dreg:$0x2];
	s3 =	simm.s32 $0x0  }
0x4: {  	s15 =	stileid.u32;
	s5 =	srdreg.scid;
	s18 =	simm.s32 $0x19900  }
0x5: {  	s19 =	simm.s32 $0x19D00;
	s21 =	simm.s32 $0x11900;
	s22 =	simm.s32 $0x1  }
0x6: {  	s24 =	simm.s32 $0x2;
	[smem:$0x7FF] =	sst s3;
	s2 =	smul.u32 $0x840, s15  }
0x7: {  	s4 =	sadd.s32 $0x4800, s0;
	s7 =	sand.u32 $0x1, s5;
	s6 =	sshll.u32 s15, $0x6  }
0x8: {  	s5 =	sadd.s32 $0x3600, s0;
	s14 =	smul.u32 $0x2100, s15;
	s28 =	sand.u32 $0x1, s15  }
0x9: {  	_ =	strace $0x8000004A;
	s8 =	sshll.u32 s7, $0x5;
	s26 =	ssub.s32 $0x2, s7  }
0xa: {  	s7 =	sadd.s32 $0x3A00, s0;
	s25 =	sshrl.u32 s2, $0x3;
	s13 =	sor.u32 s8, s6  }
0xb: {  	s6 =	sadd.s32 $0x3800, s0;
	s11 =	sshrl.u32 s26, $0x1;
	s29 =	sand.u32 $0x1FE00, s14  }
0xc: {  	s30 =	sshrl.u32 s14, $0x2;
	s9 =	sadd.s32 s25, s0;
	s10 =	sshll.u32 s13, $0x7  }
0xd: {  	s12 =	ssub.s32 s26, s11;
	s15 =	sadd.s32 $0x40, s30;
	s31 =	sadd.s32 $0x800, s30  }
0xe: {  	s26 =	simm.s32 $0x0;
	s0 =	sadd.s32 s10, s0;
	s8 =	sadd.s32 $0x25A00, s9;
	v1 =	vmov s31  }
0xf: {  	s9 =	sadd.s32 s1, s10;
	s10 =	sadd.s32 s2, s16;
	s1 =	sshll.u32 s28, $0x8  }
0x10: {  	s12 =	smax.u32 s12, $0x1;
	s11 =	sadd.s32 $0x5A00, s0;
	s0 =	sor.u32 s1, s29  }
0x11: {  	v0 =	vmov s13;
	s16 =	sadd.s32 $0x800, s2;
	s1 =	sadd.s32 $0x70, s2;
	s14 =	sshrl.u32 s0, $0x2  }
.LBB2_1:
0x12: {  	[tilespmem:s3], [sflag:$0x1] =	stream.linear.gather [hbm4b:s4+s3], $0x8400, $0x38;
	[tilespmem:$0x1A9C0] =	vst v63  }
0x13: {  	s0 =	simm.s32 $0x11080  }
0x14: {  	[tilespmem:s0], [sflag:$0x1] =	stream.linear.gather [hbm4b:s8+s3], $0x840, $0x38;
	[tilespmem:$0x1A9C0] =	vst v63  }
0x15: {  	_ = 	snop  }
0x16: {  	[tilespmem:s18], [sflag:$0x1] =	stream.linear.gather [hbm4b:s5+s3], $0x400, $0x38;
	[tilespmem:$0x1A9C0] =	vst v63  }
0x17: {  	_ = 	snop  }
0x18: {  	[tilespmem:s19], [sflag:$0x1] =	stream.linear.gather [hbm4b:s6+s3], $0x400, $0x38;
	[tilespmem:$0x1A9C0] =	vst v63  }
0x19: {  	s20 =	simm.s32 $0x1A100  }
0x1a: {  	[tilespmem:s20], [sflag:$0x1] =	stream.linear.gather [hbm4b:s7+s3], $0x80, $0x38;
	[tilespmem:$0x1A9C0] =	vst v63  }
0x1b: {  	_ = 	snop  }
0x1c: {  	[tilespmem:s21], [sflag:$0x1] =	stream.linear.gather [hbm4b:s9+s3], $0x8000, $0x38;
	[tilespmem:$0x1A9C0] =	vst v63  }
0x1d: {  	_ =	swait.ge [sflag:s22], $0x8400  }
0x1e: {  	[sflag:s22] =	ssyncset.done $0x0  }
0x1f: {  	[sflag:s22] =	ssyncadd.s32 $0xFFFF7C00  }
0x20: {  	_ =	swait.ge [sflag:s22], $0x840  }
0x21: {  	[sflag:s22] =	ssyncset.done $0x0  }
0x22: {  	[sflag:s22] =	ssyncadd.s32 $0xFFFFF7C0  }
0x23: {  	_ =	swait.ge [sflag:s22], $0x400  }
0x24: {  	[sflag:s22] =	ssyncset.done $0x0  }
0x25: {  	[sflag:s22] =	ssyncadd.s32 $0xFFFFFC00  }
0x26: {  	_ =	swait.ge [sflag:s22], $0x400  }
0x27: {  	[sflag:s22] =	ssyncset.done $0x0  }
0x28: {  	[sflag:s22] =	ssyncadd.s32 $0xFFFFFC00  }
0x29: {  	_ =	swait.ge [sflag:s22], $0x80  }
0x2a: {  	[sflag:s22] =	ssyncset.done $0x0  }
0x2b: {  	[sflag:s22] =	ssyncadd.s32 $0xFFFFFF80  }
0x2c: {  	_ =	swait.ge [sflag:s22], $0x8000  }
0x2d: {  	[sflag:s22] =	ssyncset.done $0x0  }
0x2e: {  	[sflag:s22] =	ssyncadd.s32 $0xFFFF8000  }
0x2f: {  	v2 =	vld [tilespmem:$0x1A100]  }
0x30: {  	s23 =	simm.s32 $0x110C0;
	v3 =	vld [tilespmem:$0x1A110]  }
0x31: {  	v5 =	vld [tilespmem:s23+$0x30]  }
0x32: {  	v6 =	vld [tilespmem:s23+$0xFFFFFFC0]  }
0x33: {  	v7 =	vld [tilespmem:s23+$0xFFFFFFD0]  }
0x34: {  	v8 =	vld [tilespmem:s23+$0xFFFFFFE0]  }
0x35: {  	v9 =	vld [tilespmem:s23+$0xFFFFFFF0]  }
0x36: {  	v10 =	vld [tilespmem:s23+$0x20]  }
0x37: {  	v11 =	vld [tilespmem:s15+$0x30]  }
0x38: {  	v12 =	vld [tilespmem:s15+$0x20]  }
0x39: {  	v13 =	vld [tilespmem:s15+$0x10]  }
0x3a: {  	v14 =	vld [tilespmem:s15+$0x0]  }
0x3b: {  	v15 =	vld [tilespmem:s15+$0xFFFFFFF0]  }
0x3c: {  	v16 =	vld [tilespmem:s15+$0xFFFFFFE0];
	v17 =	vand.u32 $0xFFFF, v11  }
0x3d: {  	v18 =	vld [tilespmem:s15+$0xFFFFFFD0];
	v19 =	vshra.s32 v12, $0x10  }
0x3e: {  	v20 =	vld [tilespmem:s14+$0x0];
	v11 =	vshra.s32 v11, $0x10  }
0x3f: {  	v22 =	vld [tilespmem:s23+$0x0];
	v21 =	vand.u32 $0xFFFF, v13  }
0x40: {  	v23 =	vld [tilespmem:s23+$0x10];
	v13 =	vshra.s32 v13, $0x10  }
0x41: {  	v24 =	vand.u32 $0xFFFF, v14;
	v17 =	vld.idx.msk [tilespmem:v17+s18+$0x0], $0xffff  }
0x42: {  	v12 =	vand.u32 $0xFFFF, v12;
	v19 =	vld.idx.msk [tilespmem:v19+s19+$0x0], $0xffff  }
0x43: {  	v25 =	vshra.s32 v15, $0x10;
	v11 =	vld.idx.msk [tilespmem:v11+s19+$0x0], $0xffff  }
0x44: {  	v15 =	vand.u32 $0xFFFF, v15;
	v21 =	vld.idx.msk [tilespmem:v21+s18+$0x0], $0xffff  }
0x45: {  	v14 =	vshra.s32 v14, $0x10;
	v13 =	vld.idx.msk [tilespmem:v13+s19+$0x0], $0xffff  }
0x46: {  	v24 =	vld.idx.msk [tilespmem:v24+s18+$0x0], $0xffff  }
0x47: {  	v26 =	vshra.s32 v16, $0x10;
	v16 =	vand.u32 $0xFFFF, v16;
	v27 =	vshra.s32 v18, $0x10;
	v12 =	vld.idx.msk [tilespmem:v12+s18+$0x0], $0xffff  }
0x48: {  	v18 =	vand.u32 $0xFFFF, v18;
	v23 =	vmul.f32 v23, v2;
	v5 =	vmul.f32 v5, v2;
	v25 =	vld.idx.msk [tilespmem:v25+s19+$0x0], $0xffff  }
0x49: {  	v28 =	vshra.s32 v20, $0x10;
	v22 =	vmul.f32 v22, v2;
	v9 =	vmul.f32 v9, v2;
	v15 =	vld.idx.msk [tilespmem:v15+s18+$0x0], $0xffff  }
0x4a: {  	s2 =	sadd.s32 $0xFFFFFFA0, s1;
	p0 =	slt.u32 s1, $0x8000;
	s20 =	sadd.s32 $0xFFFFFFC0, s1;
	v20 =	vand.u32 $0xFFFF, v20;
	v10 =	vmul.f32 v10, v2;
	v7 =	vmul.f32 v7, v2;
	v14 =	vld.idx.msk [tilespmem:v14+s19+$0x0], $0xffff  }
0x4b: {  	s25 =	sadd.s32 $0xFFFFFF90, s1;
	p1 =	slt.u32 s2, $0x8000;
	p4 =	slt.u32 s20, $0x8000;
	v8 =	vmul.f32 v8, v2;
	v6 =	vmul.f32 v6, v2;
	v5 =	vpsel p0, v5, v3  }
0x4c: {  	s17 =	sadd.s32 $0xFFFFFFE0, s1;
	p2 =	slt.u32 s25, $0x8000;
	v9 =	vpsel p4, v9, v3;
	v16 =	vld.idx.msk [tilespmem:v16+s18+$0x0], $0xffff;
	v11 =	vadd.f32 v11, v17;
	v17 =	vpsel p1, v7, v3  }
0x4d: {  	s13 =	sadd.s32 $0xFFFFFFB0, s1;
	p3 =	slt.u32 s17, $0x8000;
	v7 =	vld.idx.msk [tilespmem:v26+s19+$0x0], $0xffff;
	v13 =	vadd.f32 v13, v21;
	v21 =	vpsel p2, v6, v3;
	v12 =	vadd.f32 v19, v12  }
0x4e: {  	p6 =	slt.u32 s13, $0x8000;
	s25 =	sadd.s32 $0xFFFFFFF0, s1;
	v4 =	vld [tilespmem:$0x1A120];
	s23 =	sadd.s32 $0xFFFFFFD0, s1;
	v6 =	vpsel p3, v23, v3;
	v15 =	vadd.f32 v25, v15;
	v5 =	vadd.f32 v11, v5  }
0x4f: {  	p5 =	slt.u32 s23, $0x8000;
	v26 =	vld.idx.msk [tilespmem:v27+s19+$0x0], $0xffff;
	v11 =	vpsel p6, v8, v3;
	v8 =	vadd.f32 v14, v24;
	v6 =	vadd.f32 v13, v6;
	p6 =	slt.u32 s25, $0x8000  }
0x50: {  	v14 =	vld.idx.msk [tilespmem:v18+s18+$0x0], $0xffff;
	v18 =	vpsel p5, v22, v3;
	v10 =	vpsel p6, v10, v3;
	v13 =	vmul.f32 $2.000000030e-01, v5  }
0x51: {  	s31 =	sadd.s32 $0x80, s15;
	v19 =	vld.idx.msk [tilespmem:v20+s18+$0x0], $0xffff;
	v18 =	vadd.f32 v8, v18;
	v20 =	vmul.f32 $2.000000030e-01, v6;
	v10 =	vadd.f32 v12, v10  }
0x52: {  	v31 =	vld [tilespmem:s31+$0xFFFFFFE0];
	v12 =	vadd.f32 v15, v9;
	v16 =	vadd.f32 v7, v16  }
0x53: {  	v33 =	vld [tilespmem:s31+$0xFFFFFFD0];
	v5 =	vmax.f32 v5, v13;
	v23 =	vmul.f32 $2.000000030e-01, v18;
	v6 =	vmax.f32 v6, v20  }
0x54: {  	s0 =	sadd.s32 $0x80, s14;
	v13 =	vld.idx.msk [tilespmem:v28+s19+$0x0], $0xffff;
	v20 =	vmul.f32 $2.000000030e-01, v10;
	v22 =	vsub.f32 v5, v4;
	v15 =	vsub.f32 v6, v4  }
0x55: {  	v25 =	vld [tilespmem:s0+$0x0];
	v14 =	vadd.f32 v26, v14;
	v11 =	vadd.f32 v16, v11;
	v16 =	vmul.f32 $2.000000030e-01, v12  }
0x56: {  	s30 =	simm.s32 $0x11140;
	v24 =	vld [tilespmem:s31+$0x0];
	v18 =	vmax.f32 v18, v23;
	v20 =	vmax.f32 v10, v20;
	v9 =	vmul.f32 $1.442695020e+00, v22  }
0x57: {  	v8 =	vld [tilespmem:s30+$0x30];
	v18 =	vsub.f32 v18, v4;
	v14 =	vadd.f32 v14, v17;
	v12 =	vmax.f32 v12, v16  }
0x58: {  	v15 =	vmul.f32 $1.442695020e+00, v15;
	v17 =	vld [tilespmem:s31+$0x30];
	v16 =	vsub.f32 v20, v4;
	v12 =	vsub.f32 v12, v4  }
0x59: {  	v20 =	vld [tilespmem:s31+$0x20];
	(erf) = vpow2.f32 v9;
	v13 =	vadd.f32 v13, v19;
	v19 =	vmul.f32 $2.000000030e-01, v11  }
0x5a: {  	v22 =	vld [tilespmem:s31+$0x10];
	v18 =	vmul.f32 $1.442695020e+00, v18;
	v16 =	vmul.f32 $1.442695020e+00, v16  }
0x5b: {  	v7 =	vld [tilespmem:s30+$0xFFFFFFE0];
	(erf) = vpow2.f32 v15;
	v12 =	vmul.f32 $1.442695020e+00, v12;
	v13 =	vadd.f32 v13, v21  }
0x5c: {  	v28 =	vld [tilespmem:s30+$0x10];
	v21 =	vmul.f32 $2.000000030e-01, v14;
	v11 =	vmax.f32 v11, v19;
	(erf) = vpow2.f32 v16  }
0x5d: {  	v15 =	vld [tilespmem:s31+$0xFFFFFFF0];
	v19 =	vshra.s32 v24, $0x10;
	v24 =	vand.u32 $0xFFFF, v24;
	v11 =	vsub.f32 v11, v4  }
0x5e: {  	v5 =	vld [tilespmem:s30+$0xFFFFFFC0];
	v32 =	vand.u32 $0xFFFF, v17;
	v34 =	vshra.s32 v20, $0x10;
	v16 =	vand.u32 $0xFFFF, v20  }
0x5f: {  	v6 =	vld [tilespmem:s30+$0xFFFFFFD0];
	(erf) = vpow2.f32 v18;
	v23 =	vshra.s32 v22, $0x10;
	v26 =	vand.u32 $0xFFFF, v22  }
0x60: {  	v10 =	vld [tilespmem:s30+$0x20];
	v14 =	vmax.f32 v14, v21;
	v30 =	vmul.f32 $2.000000030e-01, v13;
	v21 =	vshra.s32 v17, $0x10  }
0x61: {  	v9 =	vld [tilespmem:s30+$0xFFFFFFF0];
	(erf) = vpow2.f32 v12;
	v12 =	vand.u32 $0xFFFF, v31;
	v14 =	vsub.f32 v14, v4  }
0x62: {  	v22 =	vld [tilespmem:s30+$0x0];
	v27 =	vmul.f32 $1.442695020e+00, v11;
	v18 =	vshra.s32 v15, $0x10;
	v17 =	vand.u32 $0xFFFF, v15  }
0x63: {  	s28 =	simm.s32 $0x10840;
	v30 =	vmax.f32 v13, v30;
	v15 =	vshra.s32 v31, $0x10;
	v29 =	vmul.f32 $1.442695020e+00, v14;
	v20 =	vld.idx.msk [tilespmem:v32+s18+$0x0], $0xffff;
	v11 =	vpop (erf)  }
0x64: {  	s29 =	simm.s32 $0x10840;
	s2 =	simm.s32 $0x8;
	s13 =	smov.u32 s1;
	v14 =	vshra.s32 v33, $0x10;
	v30 =	vsub.f32 v30, v4;
	v13 =	vld.idx.msk [tilespmem:v34+s19+$0x0], $0xffff;
	[tilespmem:s28+$0x30] =	vst v11;
	v11 =	vand.u32 $0xFFFF, v33  }
.LBB2_2:
0x65: {  	s2 =	sadd.s32 $0x8, s2;
	v31 =	vshra.s32 v25, $0x10;
	v25 =	vand.u32 $0xFFFF, v25;
	v21 =	vld.idx.msk [tilespmem:v21+s19+$0x0], $0xffff;
	s13 =	sadd.s32 $0x80, s13;
	s28 =	sadd.s32 $0x80, s28;
	(erf) = vpow2.f32 v27;
	v27 =	vpop (erf)  }
0x66: {  	p0 =	slt.u32 s2, $0x78;
	v26 =	vld.idx.msk [tilespmem:v26+s18+$0x0], $0xffff;
	v30 =	vmul.f32 $1.442695020e+00, v30;
	[tilespmem:s29+$0x10] =	vst v27;
	(erf) = vpow2.f32 v29;
	v27 =	vpop (erf)  }
0x67: {  	v8 =	vmul.f32 v8, v2;
	v23 =	vld.idx.msk [tilespmem:v23+s19+$0x0], $0xffff;
	v28 =	vmul.f32 v28, v2;
	[tilespmem:s29+$0x20] =	vst v27  }
0x68: {  	v22 =	vmul.f32 v22, v2;
	v24 =	vld.idx.msk [tilespmem:v24+s18+$0x0], $0xffff;
	(erf) = vpow2.f32 v30;
	v27 =	vpop (erf)  }
0x69: {  	v9 =	vmul.f32 v9, v2;
	v10 =	vmul.f32 v10, v2;
	s17 =	sadd.s32 $0xFFFFFFF0, s13;
	v19 =	vld.idx.msk [tilespmem:v19+s19+$0x0], $0xffff;
	[tilespmem:s29+$0x0] =	vst v27  }
0x6a: {  	v6 =	vmul.f32 v6, v2;
	v7 =	vmul.f32 v7, v2;
	s20 =	sadd.s32 $0xFFFFFF90, s13;
	s23 =	sadd.s32 $0xFFFFFFA0, s13;
	s25 =	sadd.s32 $0xFFFFFFB0, s13;
	v16 =	vld.idx.msk [tilespmem:v16+s18+$0x0], $0xffff;
	v27 =	vpop (erf)  }
0x6b: {  	v5 =	vmul.f32 v5, v2;
	p3 =	slt.u32 s13, $0x8000;
	p1 =	slt.u32 s23, $0x8000;
	p2 =	slt.u32 s25, $0x8000;
	v29 =	vadd.f32 v21, v20;
	v18 =	vld.idx.msk [tilespmem:v18+s19+$0x0], $0xffff;
	[tilespmem:s29+$0xFFFFFFF0] =	vst v27  }
0x6c: {  	p4 =	slt.u32 s20, $0x8000;
	s20 =	sadd.s32 $0xFFFFFFC0, s13;
	s23 =	sadd.s32 $0xFFFFFFE0, s13;
	v21 =	vpsel p1, v6, v3;
	v27 =	vpsel p2, v7, v3;
	v7 =	vpsel p3, v8, v3;
	v6 =	vld.idx.msk [tilespmem:v17+s18+$0x0], $0xffff  }
0x6d: {  	p1 =	slt.u32 s20, $0x8000;
	p2 =	slt.u32 s23, $0x8000;
	p3 =	slt.u32 s17, $0x8000;
	v17 =	vpsel p4, v5, v3;
	v5 =	vadd.f32 v23, v26;
	v7 =	vadd.f32 v29, v7;
	v15 =	vld.idx.msk [tilespmem:v15+s19+$0x0], $0xffff  }
0x6e: {  	v9 =	vpsel p1, v9, v3;
	s17 =	sadd.s32 $0xFFFFFFD0, s13;
	v8 =	vpsel p2, v28, v3;
	v10 =	vpsel p3, v10, v3;
	v14 =	vld.idx.msk [tilespmem:v14+s19+$0x0], $0xffff;
	v20 =	vpop (erf)  }
0x6f: {  	p1 =	slt.u32 s17, $0x8000;
	v19 =	vadd.f32 v19, v24;
	v5 =	vadd.f32 v5, v8;
	v23 =	vmul.f32 $2.000000030e-01, v7;
	v12 =	vld.idx.msk [tilespmem:v12+s18+$0x0], $0xffff;
	[tilespmem:s29+$0xFFFFFFE0] =	vst v20;
	v20 =	vpop (erf)  }
0x70: {  	v22 =	vpsel p1, v22, v3;
	v13 =	vadd.f32 v13, v16;
	v11 =	vld.idx.msk [tilespmem:v11+s18+$0x0], $0xffff;
	[tilespmem:s29+$0xFFFFFFD0] =	vst v20  }
0x71: {  	v19 =	vadd.f32 v19, v22;
	v20 =	vmul.f32 $2.000000030e-01, v5;
	v7 =	vmax.f32 v7, v23;
	v16 =	vld.idx.msk [tilespmem:v25+s18+$0x0], $0xffff;
	v8 =	vpop (erf)  }
0x72: {  	s30 =	sadd.s32 $0x80, s30;
	v6 =	vadd.f32 v18, v6;
	v7 =	vsub.f32 v7, v4;
	v22 =	vld.idx.msk [tilespmem:v31+s19+$0x0], $0xffff;
	[tilespmem:s29+$0xFFFFFFC0] =	vst v8;
	s29 =	smov.u32 s28  }
0x73: {  	v10 =	vadd.f32 v13, v10;
	v18 =	vmul.f32 $2.000000030e-01, v19;
	v20 =	vmax.f32 v5, v20;
	v8 =	vld [tilespmem:s30+$0x30]  }
0x74: {  	v13 =	vadd.f32 v6, v9;
	v20 =	vsub.f32 v20, v4;
	v9 =	vmul.f32 $1.442695020e+00, v7;
	v5 =	vld [tilespmem:s30+$0xFFFFFFC0]  }
0x75: {  	v12 =	vadd.f32 v15, v12;
	v15 =	vmax.f32 v19, v18;
	v18 =	vmul.f32 $2.000000030e-01, v10;
	v6 =	vld [tilespmem:s30+$0xFFFFFFD0]  }
0x76: {  	v11 =	vadd.f32 v14, v11;
	v14 =	vsub.f32 v15, v4;
	v7 =	vld [tilespmem:s30+$0xFFFFFFE0];
	(erf) = vpow2.f32 v9  }
0x77: {  	v15 =	vmul.f32 $2.000000030e-01, v13;
	v12 =	vadd.f32 v12, v27;
	v18 =	vmax.f32 v10, v18;
	v9 =	vld [tilespmem:s30+$0xFFFFFFF0]  }
0x78: {  	s31 =	sadd.s32 $0x80, s31;
	v19 =	vmul.f32 $1.442695020e+00, v20;
	v16 =	vadd.f32 v22, v16;
	v11 =	vadd.f32 v11, v21;
	v10 =	vld [tilespmem:s30+$0x20]  }
0x79: {  	v13 =	vmax.f32 v13, v15;
	v15 =	vsub.f32 v18, v4;
	v21 =	vmul.f32 $2.000000030e-01, v12;
	v20 =	vld [tilespmem:s31+$0x30]  }
0x7a: {  	v13 =	vsub.f32 v13, v4;
	v30 =	vadd.f32 v16, v17;
	v16 =	vmul.f32 $2.000000030e-01, v11;
	v18 =	vld [tilespmem:s31+$0x20]  }
0x7b: {  	v14 =	vmul.f32 $1.442695020e+00, v14;
	v15 =	vmul.f32 $1.442695020e+00, v15;
	v12 =	vmax.f32 v12, v21;
	v17 =	vld [tilespmem:s31+$0x10]  }
0x7c: {  	v11 =	vmax.f32 v11, v16;
	v12 =	vsub.f32 v12, v4;
	v24 =	vld [tilespmem:s31+$0x0];
	(erf) = vpow2.f32 v19  }
0x7d: {  	v31 =	vmul.f32 $2.000000030e-01, v30;
	v11 =	vsub.f32 v11, v4;
	v28 =	vld [tilespmem:s31+$0xFFFFFFF0];
	(erf) = vpow2.f32 v15  }
0x7e: {  	v13 =	vmul.f32 $1.442695020e+00, v13;
	v32 =	vld [tilespmem:s31+$0xFFFFFFE0];
	v21 =	vshra.s32 v20, $0x10;
	v20 =	vand.u32 $0xFFFF, v20  }
0x7f: {  	s0 =	sadd.s32 $0x80, s0;
	v33 =	vld [tilespmem:s31+$0xFFFFFFD0];
	v34 =	vshra.s32 v18, $0x10;
	v16 =	vand.u32 $0xFFFF, v18;
	(erf) = vpow2.f32 v14;
	v14 =	vpop (erf)  }
.Ltmp0:
0x80: {  	v27 =	vmul.f32 $1.442695020e+00, v12;
	v25 =	vld [tilespmem:s0+$0x0];
	v23 =	vshra.s32 v17, $0x10;
	v26 =	vand.u32 $0xFFFF, v17;
	[tilespmem:s28+$0x30] =	vst v14;
	(pc) =	sbr.rel @p0 .LBB2_2-.Ltmp0, $4  }
0x81: {  	v19 =	vshra.s32 v24, $0x10;
	v22 =	vld [tilespmem:s30+$0x0];
	v24 =	vand.u32 $0xFFFF, v24;
	(erf) = vpow2.f32 v13  }
0x82: {  	v29 =	vmul.f32 $1.442695020e+00, v11;
	v18 =	vshra.s32 v28, $0x10;
	v17 =	vand.u32 $0xFFFF, v28;
	v28 =	vld [tilespmem:s30+$0x10]  }
0x83: {  	v30 =	vmax.f32 v30, v31;
	v15 =	vshra.s32 v32, $0x10;
	v12 =	vand.u32 $0xFFFF, v32;
	v20 =	vld.idx.msk [tilespmem:v20+s18+$0x0], $0xffff  }
0x84: {  	v30 =	vsub.f32 v30, v4;
	v14 =	vshra.s32 v33, $0x10;
	v11 =	vand.u32 $0xFFFF, v33;
	v13 =	vld.idx.msk [tilespmem:v34+s19+$0x0], $0xffff  }
0x85: {  	_ =	sdelay $0x3  }
0x86: {  	v21 =	vld.idx.msk [tilespmem:v21+s19+$0x0], $0xffff  }
0x87: {  	v26 =	vld.idx.msk [tilespmem:v26+s18+$0x0], $0xffff  }
0x88: {  	v23 =	vld.idx.msk [tilespmem:v23+s19+$0x0], $0xffff  }
0x89: {  	v24 =	vld.idx.msk [tilespmem:v24+s18+$0x0], $0xffff  }
0x8a: {  	v19 =	vld.idx.msk [tilespmem:v19+s19+$0x0], $0xffff  }
0x8b: {  	v16 =	vld.idx.msk [tilespmem:v16+s18+$0x0], $0xffff  }
0x8c: {  	v18 =	vld.idx.msk [tilespmem:v18+s19+$0x0], $0xffff  }
0x8d: {  	(erf) = vpow2.f32 v27;
	v17 =	vld.idx.msk [tilespmem:v17+s18+$0x0], $0xffff  }
0x8e: {  	v8 =	vmul.f32 v8, v2;
	v9 =	vmul.f32 v9, v2;
	v15 =	vld.idx.msk [tilespmem:v15+s19+$0x0], $0xffff  }
0x8f: {  	v10 =	vmul.f32 v10, v2;
	v6 =	vmul.f32 v6, v2;
	v14 =	vld.idx.msk [tilespmem:v14+s19+$0x0], $0xffff  }
0x90: {  	v39 =	vshra.s32 v25, $0x10;
	s0 =	sadd.s32 $0x80, s13;
	v7 =	vmul.f32 v7, v2;
	v5 =	vmul.f32 v5, v2;
	v12 =	vld.idx.msk [tilespmem:v12+s18+$0x0], $0xffff  }
0x91: {  	v40 =	vand.u32 $0xFFFF, v25;
	v11 =	vld.idx.msk [tilespmem:v11+s18+$0x0], $0xffff;
	v38 =	vmul.f32 $1.442695020e+00, v30;
	(erf) = vpow2.f32 v29;
	p0 =	slt.u32 s0, $0x8000;
	s2 =	sadd.s32 $0xFFFFFFA0, s0  }
0x92: {  	v22 =	vmul.f32 v22, v2;
	s13 =	sadd.s32 $0xFFFFFFB0, s0;
	v28 =	vmul.f32 v28, v2;
	v8 =	vpsel p0, v8, v3;
	p6 =	slt.u32 s2, $0x8000  }
0x93: {  	s25 =	sadd.s32 $0xFFFFFFD0, s0;
	p1 =	slt.u32 s13, $0x8000;
	(erf) = vpow2.f32 v38;
	v6 =	vpsel p6, v6, v3;
	v20 =	vadd.f32 v21, v20  }
0x94: {  	s17 =	sadd.s32 $0xFFFFFFE0, s0;
	p4 =	slt.u32 s25, $0x8000;
	v7 =	vpsel p1, v7, v3;
	v41 =	vadd.f32 v23, v26;
	v19 =	vadd.f32 v19, v24  }
0x95: {  	s30 =	sadd.s32 $0xFFFFFFF0, s0;
	p2 =	slt.u32 s17, $0x8000;
	v22 =	vpsel p4, v22, v3;
	v13 =	vadd.f32 v13, v16;
	v17 =	vadd.f32 v18, v17  }
0x96: {  	s23 =	sadd.s32 $0xFFFFFFC0, s0;
	p5 =	slt.u32 s30, $0x8000;
	v42 =	vpsel p2, v28, v3;
	v46 =	vld.idx.msk [tilespmem:v40+s18+$0x0], $0xffff;
	v12 =	vadd.f32 v15, v12;
	v11 =	vadd.f32 v14, v11  }
0x97: {  	p3 =	slt.u32 s23, $0x8000;
	v10 =	vpsel p5, v10, v3;
	v47 =	vld.idx.msk [tilespmem:v39+s19+$0x0], $0xffff;
	v8 =	vadd.f32 v20, v8;
	v20 =	vadd.f32 v41, v42  }
0x98: {  	v9 =	vpsel p3, v9, v3;
	v44 =	vadd.f32 v19, v22;
	v10 =	vadd.f32 v13, v10  }
0x99: {  	s0 =	sadd.s32 $0xFFFFFF90, s0;
	v9 =	vadd.f32 v17, v9;
	v7 =	vadd.f32 v12, v7;
	v43 =	vmul.f32 $2.000000030e-01, v8  }
0x9a: {  	p6 =	slt.u32 s0, $0x8000;
	v6 =	vadd.f32 v11, v6;
	v45 =	vmul.f32 $2.000000030e-01, v20;
	v22 =	vmul.f32 $2.000000030e-01, v44  }
0x9b: {  	v5 =	vpsel p6, v5, v3;
	v50 =	vmul.f32 $2.000000030e-01, v10;
	v52 =	vmul.f32 $2.000000030e-01, v9  }
0x9c: {  	v55 =	vmul.f32 $2.000000030e-01, v7;
	v57 =	vmul.f32 $2.000000030e-01, v6;
	v53 =	vadd.f32 v47, v46  }
0x9d: {  	v8 =	vmax.f32 v8, v43;
	v19 =	vmax.f32 v20, v45;
	v49 =	vmax.f32 v44, v22  }
0x9e: {  	v10 =	vmax.f32 v10, v50;
	v7 =	vmax.f32 v7, v55;
	v8 =	vsub.f32 v8, v4  }
0x9f: {  	v6 =	vmax.f32 v6, v57;
	v48 =	vsub.f32 v19, v4;
	v51 =	vsub.f32 v49, v4  }
0xa0: {  	v56 =	vsub.f32 v10, v4;
	v5 =	vadd.f32 v53, v5;
	v8 =	vmul.f32 $1.442695020e+00, v8  }
0xa1: {  	v7 =	vsub.f32 v7, v4;
	v6 =	vsub.f32 v6, v4;
	v54 =	vmul.f32 $1.442695020e+00, v48  }
0xa2: {  	v59 =	vmul.f32 $2.000000030e-01, v5;
	(erf) = vpow2.f32 v8;
	v8 =	vmax.f32 v9, v52  }
0xa3: {  	v58 =	vmul.f32 $1.442695020e+00, v51;
	v9 =	vmul.f32 $1.442695020e+00, v56;
	v8 =	vsub.f32 v8, v4  }
0xa4: {  	v7 =	vmul.f32 $1.442695020e+00, v7;
	v5 =	vmax.f32 v5, v59;
	(erf) = vpow2.f32 v54  }
0xa5: {  	v60 =	vpop (erf);
	v5 =	vsub.f32 v5, v4;
	(erf) = vpow2.f32 v9;
	v8 =	vmul.f32 $1.442695020e+00, v8  }
0xa6: {  	[tilespmem:s29+$0x10] =	vst v60;
	v61 =	vpop (erf);
	v6 =	vmul.f32 $1.442695020e+00, v6;
	(erf) = vpow2.f32 v58  }
0xa7: {  	[tilespmem:s29+$0x20] =	vst v61;
	v62 =	vpop (erf);
	v5 =	vmul.f32 $1.442695020e+00, v5;
	(erf) = vpow2.f32 v8  }
0xa8: {  	[tilespmem:s29+$0x0] =	vst v62;
	v63 =	vpop (erf);
	(erf) = vpow2.f32 v7  }
0xa9: {  	[tilespmem:s29+$0xFFFFFFF0] =	vst v63;
	v7 =	vpop (erf);
	(erf) = vpow2.f32 v6  }
0xaa: {  	[tilespmem:s29+$0xFFFFFFE0] =	vst v7;
	v6 =	vpop (erf);
	(erf) = vpow2.f32 v5  }
0xab: {  	v5 =	vpop (erf);
	[tilespmem:s29+$0xFFFFFFD0] =	vst v6  }
0xac: {  	s31 =	sadd.s32 $0x80, s28;
	v6 =	vpop (erf);
	[tilespmem:s29+$0xFFFFFFC0] =	vst v5  }
0xad: {  	v5 =	vpop (erf);
	[tilespmem:s31+$0x30] =	vst v6  }
0xae: {  	v6 =	vpop (erf);
	[tilespmem:s31+$0x10] =	vst v5  }
0xaf: {  	[tilespmem:s31+$0x20] =	vst v6;
	v5 =	vpop (erf)  }
0xb0: {  	[tilespmem:s31+$0x0] =	vst v5;
	v5 =	vpop (erf)  }
0xb1: {  	[tilespmem:s31+$0xFFFFFFF0] =	vst v5;
	v5 =	vpop (erf)  }
0xb2: {  	[tilespmem:s31+$0xFFFFFFE0] =	vst v5;
	v5 =	vpop (erf)  }
0xb3: {  	[tilespmem:s31+$0xFFFFFFD0] =	vst v5;
	v5 =	vpop (erf)  }
0xb4: {  	s2 =	smov.u32 s16;
	s0 =	simm.s32 $0x0;
	[tilespmem:s31+$0xFFFFFFC0] =	vst v5  }
.LBB2_4:
0xb5: {  	s13 =	sshra.s32 s0, $0x2  }
0xb6: {  	v5 =	vld.idx.msk [tilespmem:v1+s13+$0x0 ss:$0x1], $0xffff;
	_ =	sdelay $0x4  }
0xb7: {  	v6 =	vand.u32 $0xFFFF, v5  }
0xb8: {  	v5 =	vshra.s32 v5, $0x10;
	_ =	sdelay $0x2  }
0xb9: {  	v7 =	vld [tilespmem:s13+$0x11880]  }
0xba: {  	v6 =	vld.idx.msk [tilespmem:v6+s18+$0x0], $0xffff  }
0xbb: {  	v5 =	vld.idx.msk [tilespmem:v5+s19+$0x0], $0xffff;
	_ =	sdelay $0x3  }
0xbc: {  	v7 =	vmul.f32 v7, v2  }
0xbd: {  	p0 =	slt.u32 s2, $0x8000;
	v5 =	vadd.f32 v5, v6  }
0xbe: {  	v6 =	vpsel p0, v7, v3  }
0xbf: {  	v5 =	vadd.f32 v5, v6;
	_ =	sdelay $0x1  }
0xc0: {  	v6 =	vmul.f32 $2.000000030e-01, v5;
	_ =	sdelay $0x1  }
0xc1: {  	v5 =	vmax.f32 v5, v6  }
0xc2: {  	v5 =	vsub.f32 v5, v4;
	_ =	sdelay $0x1  }
0xc3: {  	v5 =	vmul.f32 $1.442695020e+00, v5;
	_ =	sdelay $0x1  }
0xc4: {  	(erf) = vpow2.f32 v5;
	_ =	sdelay $0x4  }
0xc5: {  	p0 =	sne.s32 s0, $0xC0  }
.Ltmp1:
0xc6: {  	_ = 	snop;
	(pc) =	sbr.rel @p0 .LBB2_4-.Ltmp1, $3  }
0xc7: {  	_ =	sdelay $0x1  }
0xc8: {  	v5 =	vpop (erf)  }
0xc9: {  	s2 =	sadd.s32 $0x10, s2;
	s0 =	sadd.s32 $0x40, s0;
	[tilespmem:s13+$0x11000] =	vst v5  }
0xca: {  	s0 =	simm.s32 $0x10800  }
0xcb: {  	[spmem:s10] =	stream.linear.scatter [tilespmem:s0], [sflag:$0x2], $0x840, $0x38;
	[tilespmem:$0x1A9C0] =	vst v63  }
0xcc: {  	_ =	swait.ge [sflag:s24], $0x840  }
0xcd: {  	[sflag:s24] =	ssyncset.done $0x0  }
0xce: {  	[sflag:s24] =	ssyncadd.s32 $0xFFFFF7C0  }
0xcf: {  	[bflag:$0x0] =	sbarrier.arrive $0xFFFF  }
0xd0: {  	s2 =	simm.s32 $0x8400;
	s30 =	rddreg [dreg:$0x2]  }
0xd1: {  	[tilespmem:s2], [sflag:$0x2] =	stream.linear.gather [spmem:s30], $0x8400, $0x38;
	[tilespmem:$0x1A9C0] =	vst v63  }
0xd2: {  	_ =	swait.ge [sflag:s24], $0x8400  }
0xd3: {  	[sflag:s24] =	ssyncset.done $0x0  }
0xd4: {  	s31 =	simm.s32 $0x40;
	[sflag:s24] =	ssyncadd.s32 $0xFFFF7C00  }
0xd5: {  	v4 =	vld [tilespmem:s31+$0x30]  }
0xd6: {  	v17 =	vld [tilespmem:s31+$0xFFFFFFD0]  }
0xd7: {  	v18 =	vld [tilespmem:s31+$0xFFFFFFE0]  }
0xd8: {  	v19 =	vld [tilespmem:s31+$0xFFFFFFF0]  }
0xd9: {  	v20 =	vld [tilespmem:s31+$0x0]  }
0xda: {  	v2 =	vld [tilespmem:s31+$0x10]  }
0xdb: {  	v3 =	vld [tilespmem:s31+$0x20]  }
0xdc: {  	v21 =	vld [tilespmem:s31+$0xFFFFFFC0]  }
0xdd: {  	v5 =	vshra.s32 v4, $0x10  }
0xde: {  	v8 =	vshra.s32 v17, $0x10;
	v11 =	vshll.u32 v17, $0x3;
	v12 =	vshra.s32 v18, $0x10  }
0xdf: {  	v9 =	vshll.u32 v4, $0x3;
	v14 =	vshra.s32 v19, $0x10;
	v4 =	vand.u32 $0x7F, v4  }
0xe0: {  	v15 =	vshra.s32 v20, $0x10;
	v22 =	vshra.s32 v2, $0x10;
	v24 =	vshra.s32 v3, $0x10  }
0xe1: {  	v31 =	vshll.u32 v21, $0x3;
	v32 =	vshll.u32 v18, $0x3;
	v34 =	vshll.u32 v19, $0x3  }
0xe2: {  	v35 =	vshll.u32 v20, $0x3;
	v36 =	vshll.u32 v2, $0x3;
	v37 =	vshll.u32 v3, $0x3  }
0xe3: {  	v19 =	vand.u32 $0x7F, v19;
	v20 =	vand.u32 $0x7F, v20;
	v6 =	vsub.s32 v5, v0  }
0xe4: {  	v9 =	vand.u32 $0x7FC00, v9;
	v5 =	vshll.u32 v5, $0x7;
	v13 =	vsub.s32 v12, v0  }
0xe5: {  	v10 =	vsub.s32 v15, v0;
	v31 =	vand.u32 $0x7FC00, v31;
	v11 =	vand.u32 $0x7FC00, v11  }
0xe6: {  	v32 =	vand.u32 $0x7FC00, v32;
	v12 =	vshll.u32 v12, $0x7;
	v34 =	vand.u32 $0x7FC00, v34  }
0xe7: {  	v38 =	vshll.u32 v14, $0x7;
	v15 =	vshll.u32 v15, $0x7;
	v36 =	vand.u32 $0x7FC00, v36  }
0xe8: {  	v37 =	vand.u32 $0x7FC00, v37;
	v7 =	vshll.u32 v6, $0xA;
	v5 =	vand.u32 $0x380, v5  }
0xe9: {  	vm0 =	vlt.u32 v6, $0x20;
	v6 =	vsub.s32 v8, v0;
	v27 =	vshll.u32 v13, $0xA  }
0xea: {  	v29 =	vshll.u32 v10, $0xA;
	v8 =	vshll.u32 v8, $0x7;
	v12 =	vand.u32 $0x380, v12  }
0xeb: {  	v63 =	vand.u32 $0x380, v38;
	v15 =	vand.u32 $0x380, v15;
	v7 =	vand.u32 $0xFFFFE000, v7  }
0xec: {  	v26 =	vshll.u32 v6, $0xA;
	v27 =	vand.u32 $0xFFFFE000, v27;
	v29 =	vand.u32 $0xFFFFE000, v29  }
0xed: {  	v62 =	vand.u32 $0x380, v8;
	v7 =	vadd.s32 v9, v7;
	v9 =	vsub.s32 v14, v0  }
0xee: {  	v26 =	vand.u32 $0xFFFFE000, v26;
	v14 =	vand.u32 $0x7FC00, v35;
	v27 =	vadd.s32 v32, v27  }
0xef: {  	v5 =	vor.u32 v5, v7;
	v7 =	vsub.s32 v22, v0;
	v28 =	vshll.u32 v9, $0xA  }
0xf0: {  	v22 =	vshll.u32 v22, $0x7;
	v26 =	vadd.s32 v11, v26;
	v29 =	vadd.s32 v14, v29  }
0xf1: {  	s0 =	simm.s32 $0x8440;
	v23 =	vor.u32 v4, v5;
	v4 =	vshra.s32 v21, $0x10;
	v5 =	vsub.s32 v24, v0  }
0xf2: {  	v60 =	vld [tilespmem:s0+$0x30];
	v30 =	vshll.u32 v7, $0xA;
	v28 =	vand.u32 $0xFFFFE000, v28;
	v24 =	vshll.u32 v24, $0x7  }
0xf3: {  	v8 =	vld [tilespmem:s0+$0xFFFFFFF0];
	v22 =	vand.u32 $0x380, v22;
	v26 =	vor.u32 v62, v26;
	v16 =	vsub.s32 v4, v0  }
0xf4: {  	v11 =	vld [tilespmem:s0+$0xFFFFFFC0];
	v33 =	vshll.u32 v5, $0xA;
	v30 =	vand.u32 $0xFFFFE000, v30;
	v25 =	vshll.u32 v16, $0xA  }
0xf5: {  	v14 =	vld [tilespmem:s0+$0xFFFFFFD0];
	v4 =	vshll.u32 v4, $0x7;
	v33 =	vand.u32 $0xFFFFE000, v33;
	v25 =	vand.u32 $0xFFFFE000, v25  }
0xf6: {  	v25 =	vadd.s32 v31, v25;
	v31 =	vadd.s32 v34, v28;
	v28 =	vand.u32 $0x380, v4;
	v4 =	vld [tilespmem:s0+$0xFFFFFFE0]  }
0xf7: {  	v24 =	vand.u32 $0x380, v24;
	v30 =	vadd.s32 v36, v30;
	v61 =	vadd.s32 v37, v33;
	[tilespmem:v23+s21+$0x0] =	vst.idx.add.f32.msk vm0, v60  }
0xf8: {  	v22 =	vor.u32 v22, v30;
	v28 =	vor.u32 v28, v25;
	v25 =	vor.u32 v12, v27;
	v12 =	vld [tilespmem:s0+$0x0]  }
0xf9: {  	v30 =	vand.u32 $0x7F, v18;
	v24 =	vor.u32 v24, v61;
	v23 =	vor.u32 v15, v29;
	v15 =	vld [tilespmem:s0+$0x10]  }
0xfa: {  	s13 =	simm.s32 $0xC0;
	s2 =	simm.s32 $0x0;
	v27 =	vor.u32 v63, v31;
	v31 =	vand.u32 $0x7F, v21;
	v29 =	vand.u32 $0x7F, v17;
	v17 =	vld [tilespmem:s0+$0x20]  }
.LBB2_6:
0xfb: {  	v32 =	vld [tilespmem:s13+$0x30];
	s2 =	sadd.s32 $0x8, s2;
	v28 =	vor.u32 v31, v28;
	v2 =	vand.u32 $0x7F, v2;
	v3 =	vand.u32 $0x7F, v3  }
0xfc: {  	v26 =	vor.u32 v29, v26;
	v25 =	vor.u32 v30, v25;
	v27 =	vor.u32 v19, v27;
	v18 =	vld [tilespmem:s13+$0xFFFFFFD0];
	p0 =	slt.u32 s2, $0x838  }
0xfd: {  	v23 =	vor.u32 v20, v23;
	v22 =	vor.u32 v2, v22;
	v24 =	vor.u32 v3, v24;
	v19 =	vld [tilespmem:s13+$0xFFFFFFE0]  }
0xfe: {  	vm6 =	vlt.u32 v16, $0x20;
	vm5 =	vlt.u32 v6, $0x20;
	vm4 =	vlt.u32 v13, $0x20;
	v20 =	vld [tilespmem:s13+$0xFFFFFFF0]  }
0xff: {  	vm3 =	vlt.u32 v9, $0x20;
	vm2 =	vlt.u32 v10, $0x20;
	vm1 =	vlt.u32 v7, $0x20;
	v21 =	vld [tilespmem:s13+$0x0]  }
0x100: {  	vm0 =	vlt.u32 v5, $0x20;
	v2 =	vld [tilespmem:s13+$0x10];
	v6 =	vshra.s32 v32, $0x10  }
0x101: {  	v29 =	vshra.s32 v18, $0x10;
	v30 =	vshll.u32 v18, $0x3;
	v3 =	vld [tilespmem:s13+$0x20];
	v5 =	vsub.s32 v6, v0  }
0x102: {  	v9 =	vshll.u32 v32, $0x3;
	v31 =	vld [tilespmem:s13+$0xFFFFFFC0];
	v33 =	vshra.s32 v19, $0x10;
	v7 =	vshll.u32 v5, $0xA  }
0x103: {  	v9 =	vand.u32 $0x7FC00, v9;
	v6 =	vshll.u32 v6, $0x7;
	v7 =	vand.u32 $0xFFFFE000, v7  }
0x104: {  	v6 =	vand.u32 $0x380, v6;
	v34 =	vshra.s32 v20, $0x10;
	v7 =	vadd.s32 v9, v7;
	[tilespmem:v28+s21+$0x0] =	vst.idx.add.f32.msk vm6, v11  }
0x105: {  	s0 =	sadd.s32 $0x80, s0;
	vm6 =	vlt.u32 v5, $0x20;
	v5 =	vand.u32 $0x7F, v32;
	v6 =	vor.u32 v6, v7;
	[tilespmem:v26+s21+$0x0] =	vst.idx.add.f32.msk vm5, v14  }
0x106: {  	v26 =	vshra.s32 v21, $0x10;
	v28 =	vshra.s32 v2, $0x10;
	v32 =	vld [tilespmem:s0+$0x30];
	v35 =	vor.u32 v5, v6  }
0x107: {  	v6 =	vsub.s32 v29, v0;
	v37 =	vshra.s32 v3, $0x10;
	v36 =	vshra.s32 v31, $0x10;
	v11 =	vld [tilespmem:s0+$0xFFFFFFC0]  }
0x108: {  	v13 =	vsub.s32 v33, v0;
	v9 =	vsub.s32 v34, v0;
	v16 =	vsub.s32 v36, v0;
	v14 =	vld [tilespmem:s0+$0xFFFFFFD0]  }
0x109: {  	v10 =	vsub.s32 v26, v0;
	v7 =	vsub.s32 v28, v0;
	v5 =	vsub.s32 v37, v0;
	v38 =	vld [tilespmem:s0+$0xFFFFFFE0]  }
0x10a: {  	v41 =	vshll.u32 v13, $0xA;
	v40 =	vshll.u32 v6, $0xA;
	v39 =	vshll.u32 v16, $0xA;
	v42 =	vld [tilespmem:s0+$0xFFFFFFF0]  }
0x10b: {  	v43 =	vshll.u32 v9, $0xA;
	v44 =	vshll.u32 v10, $0xA;
	v45 =	vshll.u32 v7, $0xA;
	[tilespmem:v35+s21+$0x0] =	vst.idx.add.f32.msk vm6, v32  }
0x10c: {  	v47 =	vshll.u32 v5, $0xA;
	v32 =	vshll.u32 v31, $0x3;
	v35 =	vshll.u32 v19, $0x3;
	v46 =	vld [tilespmem:s0+$0x0]  }
0x10d: {  	v48 =	vshll.u32 v20, $0x3;
	v49 =	vshll.u32 v21, $0x3;
	v51 =	vshll.u32 v2, $0x3;
	v50 =	vld [tilespmem:s0+$0x10]  }
0x10e: {  	v53 =	vshll.u32 v3, $0x3;
	v40 =	vand.u32 $0xFFFFE000, v40;
	v39 =	vand.u32 $0xFFFFE000, v39;
	v52 =	vld [tilespmem:s0+$0x20]  }
0x10f: {  	v41 =	vand.u32 $0xFFFFE000, v41;
	v43 =	vand.u32 $0xFFFFE000, v43;
	v44 =	vand.u32 $0xFFFFE000, v44;
	[tilespmem:v25+s21+$0x0] =	vst.idx.add.f32.msk vm4, v4;
	v4 =	vmovc v38  }
0x110: {  	v25 =	vand.u32 $0x7FC00, v32;
	v32 =	vand.u32 $0xFFFFE000, v45;
	v38 =	vand.u32 $0xFFFFE000, v47;
	[tilespmem:v27+s21+$0x0] =	vst.idx.add.f32.msk vm3, v8;
	v8 =	vmovc v42  }
0x111: {  	v30 =	vand.u32 $0x7FC00, v30;
	v29 =	vshll.u32 v29, $0x7;
	v27 =	vshll.u32 v36, $0x7;
	[tilespmem:v23+s21+$0x0] =	vst.idx.add.f32.msk vm2, v12;
	v12 =	vmovc v46  }
0x112: {  	v33 =	vshll.u32 v33, $0x7;
	v23 =	vand.u32 $0x7FC00, v35;
	v35 =	vand.u32 $0x7FC00, v48;
	[tilespmem:v22+s21+$0x0] =	vst.idx.add.f32.msk vm1, v15;
	v15 =	vmovc v50  }
0x113: {  	v26 =	vshll.u32 v26, $0x7;
	v22 =	vshll.u32 v34, $0x7;
	v34 =	vand.u32 $0x7FC00, v49;
	[tilespmem:v24+s21+$0x0] =	vst.idx.add.f32.msk vm0, v17;
	v17 =	vmovc v52  }
0x114: {  	v28 =	vshll.u32 v28, $0x7;
	v36 =	vand.u32 $0x7FC00, v53;
	v24 =	vand.u32 $0x7FC00, v51  }
0x115: {  	v37 =	vshll.u32 v37, $0x7;
	v30 =	vadd.s32 v30, v40;
	v25 =	vadd.s32 v25, v39  }
0x116: {  	v23 =	vadd.s32 v23, v41;
	v35 =	vadd.s32 v35, v43;
	v34 =	vadd.s32 v34, v44  }
0x117: {  	v27 =	vand.u32 $0x380, v27;
	v24 =	vadd.s32 v24, v32;
	v32 =	vadd.s32 v36, v38  }
0x118: {  	v33 =	vand.u32 $0x380, v33;
	v29 =	vand.u32 $0x380, v29;
	v22 =	vand.u32 $0x380, v22  }
.Ltmp2:
0x119: {  	v37 =	vand.u32 $0x380, v37;
	v36 =	vand.u32 $0x380, v26;
	v38 =	vand.u32 $0x380, v28;
	(pc) =	sbr.rel @p0 .LBB2_6-.Ltmp2, $4  }
0x11a: {  	v28 =	vor.u32 v27, v25;
	v26 =	vor.u32 v29, v30;
	v25 =	vor.u32 v33, v23  }
0x11b: {  	v27 =	vor.u32 v22, v35;
	v23 =	vor.u32 v36, v34;
	v22 =	vor.u32 v38, v24  }
0x11c: {  	v31 =	vand.u32 $0x7F, v31;
	v29 =	vand.u32 $0x7F, v18;
	v24 =	vor.u32 v37, v32  }
0x11d: {  	s13 =	sadd.s32 $0x80, s13;
	v30 =	vand.u32 $0x7F, v19;
	v19 =	vand.u32 $0x7F, v20;
	v20 =	vand.u32 $0x7F, v21  }
0x11e: {  	vm0 =	vlt.u32 v16, $0x20  }
0x11f: {  	v59 =	vor.u32 v31, v28;
	vm1 =	vlt.u32 v6, $0x20  }
0x120: {  	v60 =	vor.u32 v29, v26;
	vm2 =	vlt.u32 v13, $0x20  }
0x121: {  	v61 =	vor.u32 v30, v25;
	vm3 =	vlt.u32 v9, $0x20  }
0x122: {  	v62 =	vor.u32 v19, v27;
	vm4 =	vlt.u32 v10, $0x20  }
0x123: {  	v2 =	vand.u32 $0x7F, v2;
	v63 =	vor.u32 v20, v23;
	vm5 =	vlt.u32 v7, $0x20  }
0x124: {  	v3 =	vand.u32 $0x7F, v3;
	vm6 =	vlt.u32 v5, $0x20;
	v2 =	vor.u32 v2, v22;
	[tilespmem:v59+s21+$0x0] =	vst.idx.add.f32.msk vm0, v11  }
0x125: {  	v3 =	vor.u32 v3, v24;
	[tilespmem:v60+s21+$0x0] =	vst.idx.add.f32.msk vm1, v14  }
0x126: {  	[tilespmem:v61+s21+$0x0] =	vst.idx.add.f32.msk vm2, v4  }
0x127: {  	[tilespmem:v62+s21+$0x0] =	vst.idx.add.f32.msk vm3, v8  }
0x128: {  	s26 =	sadd.s32 $0x1, s26;
	[tilespmem:v63+s21+$0x0] =	vst.idx.add.f32.msk vm4, v12  }
0x129: {  	p0 =	sne.s32 s26, s12;
	[tilespmem:v2+s21+$0x0] =	vst.idx.add.f32.msk vm5, v15  }
.Ltmp3:
0x12a: {  	[tilespmem:v3+s21+$0x0] =	vst.idx.add.f32.msk vm6, v17;
	(pc) =	sbr.rel @p0 .LBB2_1-.Ltmp3, $4  }
0x12b: {  	[hbm4b:s11+s3] =	stream.linear.scatter [tilespmem:s21], [sflag:$0x2], $0x8000, $0x38;
	[tilespmem:$0x1A9C0] =	vst v63  }
0x12c: {  	_ =	swait.ge [sflag:s24], $0x8000  }
0x12d: {  	[sflag:s24] =	ssyncset.done $0x0  }
0x12e: {  	[sflag:s24] =	ssyncadd.s32 $0xFFFF8000  }
0x12f: {  	_ =	sfence.sel $0x180000  }
0x130: {  	[bflag:$0x0] =	sbarrier.arrive $0xFFFF  }
0x131: {  	_ =	strace $0x9000004A  }
0x132: {  	s0 =	stileid.u32;
	[bflag:$0x2] =	sbarrier.arrive $0xFFFF  }
0x133: {  	p0 =	sne.s32 s0, $0x0;
	s0 =	rddreg [dreg:$0x3]  }
0x134: {  	s0 =	sadd.s32 @!p0 $0x100000, s0  }
0x135: {  	[sflag:s0] =	ssyncadd.tile.s32 @!p0 $0x1;
	_ =	shalt  }
.Lfunc_end2:
_tile_overlayer_lowered:
.L_overlay_start_2:
0x136: {  	(tag) =	ssettag $0x2  }
0x137: {  	s0 =	rddreg [dreg:$0x0];
	s2 =	stileid.u32  }
0x138: {  	s1 =	rddreg [dreg:$0x1];
	p0 =	sne.s32 s2, $0x0  }
0x139: {  	s3 =	rddreg [dreg:$0x2];
	[bflag:$0x3] =	sbarrier.arrive $0xFFFF;
	s2 =	simm.s32 @!p0 $0x1C02  }
0x13a: {  	[timem:s3], [sflag:s2] =	dma.local @!p0 [hbm:s0], s1  }
0x13b: {  	s0 =	simm.s32 @!p0 $0x2  }
0x13c: {  	_ =	swait.ge @!p0 [sflag:s0], s1  }
0x13d: {  	s1 =	ssub.s32 @!p0 $0x0, s1;
	[sflag:s0] =	ssyncset.done @!p0 $0x0  }
0x13e: {  	[sflag:s0] =	ssyncadd.s32 @!p0 s1  }
0x13f: {  	[bflag:$0x3] =	sbarrier.arrive $0xFFFF  }
0x140: {  	_ =	shalt  }

// kernel: kernel.14.cloned.1.call-start
scs
__scs_entry_jumppad:
0x0: {  	(pc) =	sbr.rel $0x88, $3  }
0x1: {  	(tag) =	ssettag $0x0;
	lr =	simm.s32 $0x1  }
0x2: {  	[smem:$0x3F87] =	sst lr;
	_ =	strace $0xD0000000  }
0x3: {  	_ = 	snop  }
0x4: {  	_ = 	snop  }
0x5: {  	_ = 	snop  }
0x6: {  	_ = 	snop  }
0x7: {  	_ = 	snop  }
__scs_overlays_trampoline_lowered:
0x8: {  	[smem:$0x3F96] =	sst s0  }
0x9: {  	[smem:$0x3F97] =	sst s1  }
0xa: {  	[smem:$0x3F98] =	sst s2  }
0xb: {  	[smem:$0x3F99] =	sst s3  }
0xc: {  	[smem:$0x3F9A] =	sst s4  }
0xd: {  	[smem:$0x3F9B] =	sst s5  }
0xe: {  	[smem:$0x3F9C] =	sst s6  }
0xf: {  	[smem:$0x3F9D] =	sst s7  }
0x10: {  	[smem:$0x3F9E] =	sst s8  }
0x11: {  	[smem:$0x3F9F] =	sst s9;
	s0 =	simm.s32 @!p0 $0x0  }
0x12: {  	s1 =	sld [smem:$0x3F85];
	s0 =	simm.s32 @p0 $0x1  }
0x13: {  	[smem:$0x3FA0] =	sst s0;
	s0 =	simm.s32 @!p1 $0x0  }
0x14: {  	s2 =	sld [smem:$0x3F84];
	s0 =	simm.s32 @p1 $0x1  }
0x15: {  	[smem:$0x3FA1] =	sst s0;
	s0 =	simm.s32 @!p2 $0x0  }
0x16: {  	s3 =	sld [smem:$0x3FDB];
	s0 =	simm.s32 @p2 $0x1  }
0x17: {  	s4 =	simm.s32 $0x1BF5;
	[smem:$0x3FA3] =	sst s0  }
0x18: {  	s0 =	sld [smem:$0x3F86];
	_ =	swait.ge [sflag:s4], $0x0  }
0x19: {  	s7 =	sld [smem:$0x3F87]  }
0x1a: {  	s8 =	sadd.s32 $0xFFFFE003, lr  }
0x1b: {  	s9 =	sadd.s32 $0xFFFFFEF7, lr;
	s5 =	simm.s32 $0xFFFFFFFF;
	p2 =	slt.u32 s8, $0xFFFFF086  }
0x1c: {  	p1 =	slt.u32 s9, $0xF7A;
	s5 =	simm.s32 @!p2 $0x0  }
0x1d: {  	s5 =	simm.s32 @p1 $0x1;
	p0 =	seq.s32 s7, s2  }
0x1e: {  	s7 =	smul.u32 @!p0 $0xF7A, s2;
	p2 =	seq.s32 @!p0 s5, $0x0  }
0x1f: {  	s9 =	smul.u32 $0xF7A, s1;
	s8 =	simm.s32 @!p0 $0x1BF5;
	p2 =	por !p2, p0  }
0x20: {  	[sflag:s8] =	ssyncset.s32 @!p0 $0xFFFFF086;
	s6 =	sadd.s32 @!p0 s3, s7;
	s7 =	simm.s32 @!p0 $0x108  }
0x21: {  	s3 =	sadd.s32 s3, s9;
	s6 =	sadd.s32 @!p0 $0x88, s6;
	s7 =	simm.s32 @p2 $0x1082  }
0x22: {  	[simem:s7], [sflag:s8] =	dma.local @!p0 [hbm:s6], $0xF7A  }
0x23: {  	s9 =	sor.u32 $0xD0000000, s2;
	s6 =	simm.s32 $0x108;
	_ =	swait.ge @!p0 [sflag:s8], $0x0  }
0x24: {  	s3 =	sadd.s32 $0x88, s3;
	s6 =	simm.s32 @!p1 $0x1082;
	[sflag:s4] =	ssyncset.s32 $0xFFFFF086  }
0x25: {  	[simem:s6], [sflag:s4] =	dma.local [hbm:s3], $0xF7A  }
0x26: {  	[smem:$0x3F87] =	sst s1;
	(tag) =	ssettag s2;
	_ =	strace s9  }
0x27: {  	s1 =	sld [smem:$0x3F97]  }
0x28: {  	s2 =	sld [smem:$0x3F98]  }
0x29: {  	s4 =	sld [smem:$0x3F9A]  }
0x2a: {  	p0 =	seq.s32 s5, $0x0;
	s5 =	sld [smem:$0x3F9B]  }
0x2b: {  	s6 =	sld [smem:$0x3F9C]  }
0x2c: {  	s7 =	sld [smem:$0x3F9D]  }
0x2d: {  	s3 =	simm.s32 $0x108;
	s8 =	sld [smem:$0x3F9E]  }
0x2e: {  	s3 =	simm.s32 @!p0 $0x1082;
	s9 =	sld [smem:$0x3F9F]  }
0x2f: {  	lr =	sadd.s32 s0, s3;
	s0 =	sld [smem:$0x3F96]  }
0x30: {  	s3 =	sld [smem:$0x3F99]  }
0x31: {  	[smem:$0x3FA2] =	sst s10  }
0x32: {  	s10 =	sld [smem:$0x3FA0];
	_ =	sdelay $0x3  }
0x33: {  	p0 =	seq.s32 s10, $0x1;
	s10 =	sld [smem:$0x3FA2];
	_ =	sdelay $0x3  }
0x34: {  	[smem:$0x3FA2] =	sst s10  }
0x35: {  	s10 =	sld [smem:$0x3FA1];
	_ =	sdelay $0x3  }
0x36: {  	p1 =	seq.s32 s10, $0x1;
	s10 =	sld [smem:$0x3FA2];
	_ =	sdelay $0x3  }
0x37: {  	[smem:$0x3FA2] =	sst s10  }
0x38: {  	s10 =	sld [smem:$0x3FA3]  }
0x39: {  	_ = 	snop;
	(pc) =	sbr.ind lr, $3  }
0x3a: {  	_ = 	snop  }
0x3b: {  	_ = 	snop  }
0x3c: {  	p2 =	seq.s32 s10, $0x1;
	s10 =	sld [smem:$0x3FA2]  }
0x3d: {  	_ =	shalt  }
0x3e: {  	_ =	shalt  }
0x3f: {  	_ =	shalt  }
0x40: {  	_ =	shalt  }
0x41: {  	_ =	shalt  }
0x42: {  	_ =	shalt  }
0x43: {  	_ =	shalt  }
0x44: {  	_ =	shalt  }
0x45: {  	_ =	shalt  }
0x46: {  	_ =	shalt  }
0x47: {  	_ =	shalt  }
0x48: {  	_ =	shalt  }
0x49: {  	_ =	shalt  }
0x4a: {  	_ =	shalt  }
0x4b: {  	_ =	shalt  }
0x4c: {  	_ =	shalt  }
0x4d: {  	_ =	shalt  }
0x4e: {  	_ =	shalt  }
0x4f: {  	_ =	shalt  }
0x50: {  	_ =	shalt  }
0x51: {  	_ =	shalt  }
0x52: {  	_ =	shalt  }
0x53: {  	_ =	shalt  }
0x54: {  	_ =	shalt  }
0x55: {  	_ =	shalt  }
0x56: {  	_ =	shalt  }
0x57: {  	_ =	shalt  }
0x58: {  	_ =	shalt  }
0x59: {  	_ =	shalt  }
0x5a: {  	_ =	shalt  }
0x5b: {  	_ =	shalt  }
0x5c: {  	_ =	shalt  }
0x5d: {  	_ =	shalt  }
0x5e: {  	_ =	shalt  }
0x5f: {  	_ =	shalt  }
0x60: {  	_ =	shalt  }
0x61: {  	_ =	shalt  }
0x62: {  	_ =	shalt  }
0x63: {  	_ =	shalt  }
0x64: {  	_ =	shalt  }
0x65: {  	_ =	shalt  }
0x66: {  	_ =	shalt  }
0x67: {  	_ =	shalt  }
0x68: {  	_ =	shalt  }
0x69: {  	_ =	shalt  }
0x6a: {  	_ =	shalt  }
0x6b: {  	_ =	shalt  }
0x6c: {  	_ =	shalt  }
0x6d: {  	_ =	shalt  }
0x6e: {  	_ =	shalt  }
0x6f: {  	_ =	shalt  }
0x70: {  	_ =	shalt  }
0x71: {  	_ =	shalt  }
0x72: {  	_ =	shalt  }
0x73: {  	_ =	shalt  }
0x74: {  	_ =	shalt  }
0x75: {  	_ =	shalt  }
0x76: {  	_ =	shalt  }
0x77: {  	_ =	shalt  }
0x78: {  	_ =	shalt  }
0x79: {  	_ =	shalt  }
0x7a: {  	_ =	shalt  }
0x7b: {  	_ =	shalt  }
0x7c: {  	_ =	shalt  }
0x7d: {  	_ =	shalt  }
0x7e: {  	_ =	shalt  }
0x7f: {  	_ =	shalt  }
0x80: {  	_ =	shalt  }
0x81: {  	_ =	shalt  }
0x82: {  	_ =	shalt  }
0x83: {  	_ =	shalt  }
0x84: {  	_ =	shalt  }
0x85: {  	_ =	shalt  }
0x86: {  	_ =	shalt  }
0x87: {  	_ =	shalt  }
.Lfunc_end0:
.L_simem_size_0:
called_computation.2_lowered:
.L_overlay_start_0:
0x88: {  	s2 =	sld [smem:$0x3FD9]  }
0x89: {  	s3 =	sld [smem:$0x3FFE];
	_ =	sdelay $0x1  }
0x8a: {  	s1 =	srdreg.scid  }
0x8b: {  	s0 =	sand.u32 $0x1, s1  }
0x8c: {  	s17 =	sshll.u32 s0, $0xA;
	s2 =	sadd.s32 s3, s2  }
0x8d: {  	s2 =	sadd.s32 s2, s17  }
0x8e: {  	[smem:$0x3FAE] =	sst s2  }
0x8f: {  	_ = 	snop  }
0x90: {  	s2 =	sld [smem:$0x3FD0];
	(tm) =	ssettm $0x1  }
0x91: {  	s18 =	sld [smem:$0x3FFB];
	_ =	sdelay $0x3  }
0x92: {  	_ =	strace s18  }
0x93: {  	s3 =	sld [smem:$0x3FFC];
	_ =	sdelay $0x3  }
0x94: {  	_ =	strace s3  }
0x95: {  	s3 =	sld [smem:$0x3FFD];
	_ =	sdelay $0x3  }
0x96: {  	_ =	strace s3  }
0x97: {  	_ =	strace $0x8FFFFFFF  }
0x98: {  	s19 =	sld [smem:$0x3FDB];
	_ =	sdelay $0x1  }
0x99: {  	s4 =	simm.s32 $_scs_section_size  }
0x9a: {  	s5 =	simm.s32 $_size__tile_overlayer_lowered;
	s6 =	simm.s32 $_tile_overlayer_lowered  }
0x9b: {  	s22 =	simm.s32 $0x1BFF;
	s21 =	sshll.u32 s6, $0x1;
	s3 =	sadd.s32 s4, s19  }
0x9c: {  	s7 =	simm.s32 $0x0;
	s20 =	sshll.u32 s5, $0x1;
	s5 =	sadd.s32 s21, s3  }
0x9d: {  	[timem:s7], [sflag:s22] =	dma.local [hbm:s5], s20  }
0x9e: {  	_ =	swait.ge [sflag:s22], s20  }
0x9f: {  	s4 =	ssub.s32 $0x0, s20;
	[sflag:s22] =	ssyncset.done $0x0  }
0xa0: {  	[sflag:s22] =	ssyncadd.s32 s4;
	_ =	sdelay $0x1  }
0xa1: {  	s23 =	simm.s32 $0x1B8B  }
0xa2: {  	_ =	swait.ge [sflag:s23], $0x1  }
0xa3: {  	[sflag:s23] =	ssyncset.done $0x0  }
0xa4: {  	s25 =	simm.s32 $0x1B8E;
	s24 =	sld [smem:$0x3FFE];
	[sflag:s23] =	ssyncadd.s32 $0xFFFFFFFF  }
0xa5: {  	s26 =	simm.s32 $execute0_lowered;
	[smem:$0x3FD2] =	sst s25  }
0xa6: {  	s5 =	sshll.u32 s26, $0x1;
	_ =	strace $0x8000004C;
	[dreg:$0x1] =	wrdreg $0xFFFFFFFF  }
0xa7: {  	s28 =	simm.s32 $_size_execute0_lowered;
	s3 =	sadd.s32 s3, s5;
	[dreg:$0x0] =	wrdreg $0x0  }
0xa8: {  	s5 =	sshll.u32 s28, $0x1;
	[dreg:$0x2] =	wrdreg s3  }
0xa9: {  	[dreg:$0x3] =	wrdreg s5  }
0xaa: {  	[dreg:$0x4] =	wrdreg $0xC0  }
0xab: {  	_ =	task [dreg:s7], $0x5FFFF  }
0xac: {  	[dreg:$0x1] =	wrdreg $0xFFFFFFFF  }
0xad: {  	[dreg:$0x0] =	wrdreg $0x60  }
0xae: {  	[dreg:$0x2] =	wrdreg s24  }
0xaf: {  	[dreg:$0x3] =	wrdreg s2  }
0xb0: {  	[dreg:$0x4] =	wrdreg $0x1A1800  }
0xb1: {  	[dreg:$0x5] =	wrdreg $0x9  }
0xb2: {  	_ =	task.clear_ibuf [dreg:s7], $0x6FFFF;
	_ =	strace $0x9000004C  }
0xb3: {  	s29 =	simm.s32 $0x9;
	_ =	strace $0x8000004E  }
0xb4: {  	_ =	swait.ge [sflag:s29], $0x1  }
0xb5: {  	[sflag:s29] =	ssyncadd.s32 $0xFFFFFFFF  }
0xb6: {  	_ =	strace $0x9000004E  }
0xb7: {  	_ =	sfence  }
0xb8: {  	s30 =	sld [smem:$0x0];
	_ =	sdelay $0x2  }
0xb9: {  	s31 =	sshll.u32 s1, $0xD;
	s1 =	sshrl.u32 s1, $0x2  }
0xba: {  	s3 =	sand.u32 $0x4000, s31;
	s1 =	sadd.s32 s1, s30  }
0xbb: {  	s0 =	sor.u32 s3, s0;
	s1 =	sshll.u32 s1, $0x11  }
0xbc: {  	s0 =	sor.u32 s1, s0  }
0xbd: {  	s0 =	sadd.s32 $0x8F2B, s0  }
0xbe: {  	[sflag:s0] =	ssyncadd.remote.s32 $0x1  }
0xbf: {  	_ =	sfence.sel $0xFFFF  }
0xc0: {  	[dreg:$0x0] =	wrdreg $0xFFFFFFFF;
	(pc) =	sbr.abs _section_cstart, $3  }
0xc1: {  	[dreg:$0x1] =	wrdreg $0xFFFFFFFF  }
0xc2: {  	_ =	task.clear_ibuf [dreg:s7], $0x2FFFF;
	_ =	strace $0x9FFFFFFF  }
0xc3: {  	(tm) =	ssettm $0x7FFFFFFF  }
tec
execute0_lowered:
.L_overlay_start_1:
0x0: {  	(tag) =	ssettag $0x1  }
0x1: {  	s0 =	rddreg [dreg:$0x0]  }
0x2: {  	s1 =	rddreg [dreg:$0x1]  }
0x3: {  	s16 =	rddreg [dreg:$0x2];
	s3 =	simm.s32 $0x0  }
0x4: {  	s15 =	stileid.u32;
	s5 =	srdreg.scid;
	s18 =	simm.s32 $0x19900  }
0x5: {  	s19 =	simm.s32 $0x19D00;
	s21 =	simm.s32 $0x11900;
	s22 =	simm.s32 $0x1  }
0x6: {  	s24 =	simm.s32 $0x2;
	[smem:$0x7FF] =	sst s3;
	s2 =	smul.u32 $0x840, s15  }
0x7: {  	s4 =	sadd.s32 $0x4800, s0;
	s7 =	sand.u32 $0x1, s5;
	s6 =	sshll.u32 s15, $0x6  }
0x8: {  	s5 =	sadd.s32 $0x3600, s0;
	s14 =	smul.u32 $0x2100, s15;
	s28 =	sand.u32 $0x1, s15  }
0x9: {  	_ =	strace $0x8000004D;
	s8 =	sshll.u32 s7, $0x5;
	s26 =	ssub.s32 $0x2, s7  }
0xa: {  	s7 =	sadd.s32 $0x3A00, s0;
	s25 =	sshrl.u32 s2, $0x3;
	s13 =	sor.u32 s8, s6  }
0xb: {  	s6 =	sadd.s32 $0x3800, s0;
	s11 =	sshrl.u32 s26, $0x1;
	s29 =	sand.u32 $0x1FE00, s14  }
0xc: {  	s30 =	sshrl.u32 s14, $0x2;
	s9 =	sadd.s32 s25, s0;
	s10 =	sshll.u32 s13, $0x7  }
0xd: {  	s12 =	ssub.s32 s26, s11;
	s15 =	sadd.s32 $0x40, s30;
	s31 =	sadd.s32 $0x800, s30  }
0xe: {  	s26 =	simm.s32 $0x0;
	s0 =	sadd.s32 s10, s0;
	s8 =	sadd.s32 $0x25A00, s9;
	v1 =	vmov s31  }
0xf: {  	s9 =	sadd.s32 s1, s10;
	s10 =	sadd.s32 s2, s16;
	s1 =	sshll.u32 s28, $0x8  }
0x10: {  	s12 =	smax.u32 s12, $0x1;
	s11 =	sadd.s32 $0x5A00, s0;
	s0 =	sor.u32 s1, s29  }
0x11: {  	v0 =	vmov s13;
	s16 =	sadd.s32 $0x800, s2;
	s1 =	sadd.s32 $0x70, s2;
	s14 =	sshrl.u32 s0, $0x2  }
.LBB2_1:
0x12: {  	[tilespmem:s3], [sflag:$0x1] =	stream.linear.gather [hbm4b:s4+s3], $0x8400, $0x38;
	[tilespmem:$0x1A9C0] =	vst v63  }
0x13: {  	s0 =	simm.s32 $0x11080  }
0x14: {  	[tilespmem:s0], [sflag:$0x1] =	stream.linear.gather [hbm4b:s8+s3], $0x840, $0x38;
	[tilespmem:$0x1A9C0] =	vst v63  }
0x15: {  	_ = 	snop  }
0x16: {  	[tilespmem:s18], [sflag:$0x1] =	stream.linear.gather [hbm4b:s5+s3], $0x400, $0x38;
	[tilespmem:$0x1A9C0] =	vst v63  }
0x17: {  	_ = 	snop  }
0x18: {  	[tilespmem:s19], [sflag:$0x1] =	stream.linear.gather [hbm4b:s6+s3], $0x400, $0x38;
	[tilespmem:$0x1A9C0] =	vst v63  }
0x19: {  	s20 =	simm.s32 $0x1A100  }
0x1a: {  	[tilespmem:s20], [sflag:$0x1] =	stream.linear.gather [hbm4b:s7+s3], $0x80, $0x38;
	[tilespmem:$0x1A9C0] =	vst v63  }
0x1b: {  	_ = 	snop  }
0x1c: {  	[tilespmem:s21], [sflag:$0x1] =	stream.linear.gather [hbm4b:s9+s3], $0x8000, $0x38;
	[tilespmem:$0x1A9C0] =	vst v63  }
0x1d: {  	_ =	swait.ge [sflag:s22], $0x8400  }
0x1e: {  	[sflag:s22] =	ssyncset.done $0x0  }
0x1f: {  	[sflag:s22] =	ssyncadd.s32 $0xFFFF7C00  }
0x20: {  	_ =	swait.ge [sflag:s22], $0x840  }
0x21: {  	[sflag:s22] =	ssyncset.done $0x0  }
0x22: {  	[sflag:s22] =	ssyncadd.s32 $0xFFFFF7C0  }
0x23: {  	_ =	swait.ge [sflag:s22], $0x400  }
0x24: {  	[sflag:s22] =	ssyncset.done $0x0  }
0x25: {  	[sflag:s22] =	ssyncadd.s32 $0xFFFFFC00  }
0x26: {  	_ =	swait.ge [sflag:s22], $0x400  }
0x27: {  	[sflag:s22] =	ssyncset.done $0x0  }
0x28: {  	[sflag:s22] =	ssyncadd.s32 $0xFFFFFC00  }
0x29: {  	_ =	swait.ge [sflag:s22], $0x80  }
0x2a: {  	[sflag:s22] =	ssyncset.done $0x0  }
0x2b: {  	[sflag:s22] =	ssyncadd.s32 $0xFFFFFF80  }
0x2c: {  	_ =	swait.ge [sflag:s22], $0x8000  }
0x2d: {  	[sflag:s22] =	ssyncset.done $0x0  }
0x2e: {  	[sflag:s22] =	ssyncadd.s32 $0xFFFF8000  }
0x2f: {  	v2 =	vld [tilespmem:$0x1A100]  }
0x30: {  	s23 =	simm.s32 $0x110C0;
	v3 =	vld [tilespmem:$0x1A110]  }
0x31: {  	v5 =	vld [tilespmem:s23+$0x30]  }
0x32: {  	v6 =	vld [tilespmem:s23+$0xFFFFFFC0]  }
0x33: {  	v7 =	vld [tilespmem:s23+$0xFFFFFFD0]  }
0x34: {  	v8 =	vld [tilespmem:s23+$0xFFFFFFE0]  }
0x35: {  	v9 =	vld [tilespmem:s23+$0xFFFFFFF0]  }
0x36: {  	v10 =	vld [tilespmem:s23+$0x20]  }
0x37: {  	v11 =	vld [tilespmem:s15+$0x30]  }
0x38: {  	v12 =	vld [tilespmem:s15+$0x20]  }
0x39: {  	v13 =	vld [tilespmem:s15+$0x10]  }
0x3a: {  	v14 =	vld [tilespmem:s15+$0x0]  }
0x3b: {  	v15 =	vld [tilespmem:s15+$0xFFFFFFF0]  }
0x3c: {  	v16 =	vld [tilespmem:s15+$0xFFFFFFE0];
	v17 =	vand.u32 $0xFFFF, v11  }
0x3d: {  	v18 =	vld [tilespmem:s15+$0xFFFFFFD0];
	v19 =	vshra.s32 v12, $0x10  }
0x3e: {  	v20 =	vld [tilespmem:s14+$0x0];
	v11 =	vshra.s32 v11, $0x10  }
0x3f: {  	v22 =	vld [tilespmem:s23+$0x0];
	v21 =	vand.u32 $0xFFFF, v13  }
0x40: {  	v23 =	vld [tilespmem:s23+$0x10];
	v13 =	vshra.s32 v13, $0x10  }
0x41: {  	v24 =	vand.u32 $0xFFFF, v14;
	v17 =	vld.idx.msk [tilespmem:v17+s18+$0x0], $0xffff  }
0x42: {  	v12 =	vand.u32 $0xFFFF, v12;
	v19 =	vld.idx.msk [tilespmem:v19+s19+$0x0], $0xffff  }
0x43: {  	v25 =	vshra.s32 v15, $0x10;
	v11 =	vld.idx.msk [tilespmem:v11+s19+$0x0], $0xffff  }
0x44: {  	v15 =	vand.u32 $0xFFFF, v15;
	v21 =	vld.idx.msk [tilespmem:v21+s18+$0x0], $0xffff  }
0x45: {  	v14 =	vshra.s32 v14, $0x10;
	v13 =	vld.idx.msk [tilespmem:v13+s19+$0x0], $0xffff  }
0x46: {  	v24 =	vld.idx.msk [tilespmem:v24+s18+$0x0], $0xffff  }
0x47: {  	v26 =	vshra.s32 v16, $0x10;
	v16 =	vand.u32 $0xFFFF, v16;
	v27 =	vshra.s32 v18, $0x10;
	v12 =	vld.idx.msk [tilespmem:v12+s18+$0x0], $0xffff  }
0x48: {  	v18 =	vand.u32 $0xFFFF, v18;
	v23 =	vmul.f32 v23, v2;
	v5 =	vmul.f32 v5, v2;
	v25 =	vld.idx.msk [tilespmem:v25+s19+$0x0], $0xffff  }
0x49: {  	v28 =	vshra.s32 v20, $0x10;
	v22 =	vmul.f32 v22, v2;
	v9 =	vmul.f32 v9, v2;
	v15 =	vld.idx.msk [tilespmem:v15+s18+$0x0], $0xffff  }
0x4a: {  	s2 =	sadd.s32 $0xFFFFFFA0, s1;
	p0 =	slt.u32 s1, $0x8000;
	s20 =	sadd.s32 $0xFFFFFFC0, s1;
	v20 =	vand.u32 $0xFFFF, v20;
	v10 =	vmul.f32 v10, v2;
	v7 =	vmul.f32 v7, v2;
	v14 =	vld.idx.msk [tilespmem:v14+s19+$0x0], $0xffff  }
0x4b: {  	s25 =	sadd.s32 $0xFFFFFF90, s1;
	p1 =	slt.u32 s2, $0x8000;
	p4 =	slt.u32 s20, $0x8000;
	v8 =	vmul.f32 v8, v2;
	v6 =	vmul.f32 v6, v2;
	v5 =	vpsel p0, v5, v3  }
0x4c: {  	s17 =	sadd.s32 $0xFFFFFFE0, s1;
	p2 =	slt.u32 s25, $0x8000;
	v9 =	vpsel p4, v9, v3;
	v16 =	vld.idx.msk [tilespmem:v16+s18+$0x0], $0xffff;
	v11 =	vadd.f32 v11, v17;
	v17 =	vpsel p1, v7, v3  }
0x4d: {  	s13 =	sadd.s32 $0xFFFFFFB0, s1;
	p3 =	slt.u32 s17, $0x8000;
	v7 =	vld.idx.msk [tilespmem:v26+s19+$0x0], $0xffff;
	v13 =	vadd.f32 v13, v21;
	v21 =	vpsel p2, v6, v3;
	v12 =	vadd.f32 v19, v12  }
0x4e: {  	p6 =	slt.u32 s13, $0x8000;
	s25 =	sadd.s32 $0xFFFFFFF0, s1;
	v4 =	vld [tilespmem:$0x1A120];
	s23 =	sadd.s32 $0xFFFFFFD0, s1;
	v6 =	vpsel p3, v23, v3;
	v15 =	vadd.f32 v25, v15;
	v5 =	vadd.f32 v11, v5  }
0x4f: {  	p5 =	slt.u32 s23, $0x8000;
	v26 =	vld.idx.msk [tilespmem:v27+s19+$0x0], $0xffff;
	v11 =	vpsel p6, v8, v3;
	v8 =	vadd.f32 v14, v24;
	v6 =	vadd.f32 v13, v6;
	p6 =	slt.u32 s25, $0x8000  }
0x50: {  	v14 =	vld.idx.msk [tilespmem:v18+s18+$0x0], $0xffff;
	v18 =	vpsel p5, v22, v3;
	v10 =	vpsel p6, v10, v3;
	v13 =	vmul.f32 $2.000000030e-01, v5  }
0x51: {  	s31 =	sadd.s32 $0x80, s15;
	v19 =	vld.idx.msk [tilespmem:v20+s18+$0x0], $0xffff;
	v18 =	vadd.f32 v8, v18;
	v20 =	vmul.f32 $2.000000030e-01, v6;
	v10 =	vadd.f32 v12, v10  }
0x52: {  	v31 =	vld [tilespmem:s31+$0xFFFFFFE0];
	v12 =	vadd.f32 v15, v9;
	v16 =	vadd.f32 v7, v16  }
0x53: {  	v33 =	vld [tilespmem:s31+$0xFFFFFFD0];
	v5 =	vmax.f32 v5, v13;
	v23 =	vmul.f32 $2.000000030e-01, v18;
	v6 =	vmax.f32 v6, v20  }
0x54: {  	s0 =	sadd.s32 $0x80, s14;
	v13 =	vld.idx.msk [tilespmem:v28+s19+$0x0], $0xffff;
	v20 =	vmul.f32 $2.000000030e-01, v10;
	v22 =	vsub.f32 v5, v4;
	v15 =	vsub.f32 v6, v4  }
0x55: {  	v25 =	vld [tilespmem:s0+$0x0];
	v14 =	vadd.f32 v26, v14;
	v11 =	vadd.f32 v16, v11;
	v16 =	vmul.f32 $2.000000030e-01, v12  }
0x56: {  	s30 =	simm.s32 $0x11140;
	v24 =	vld [tilespmem:s31+$0x0];
	v18 =	vmax.f32 v18, v23;
	v20 =	vmax.f32 v10, v20;
	v9 =	vmul.f32 $1.442695020e+00, v22  }
0x57: {  	v8 =	vld [tilespmem:s30+$0x30];
	v18 =	vsub.f32 v18, v4;
	v14 =	vadd.f32 v14, v17;
	v12 =	vmax.f32 v12, v16  }
0x58: {  	v15 =	vmul.f32 $1.442695020e+00, v15;
	v17 =	vld [tilespmem:s31+$0x30];
	v16 =	vsub.f32 v20, v4;
	v12 =	vsub.f32 v12, v4  }
0x59: {  	v20 =	vld [tilespmem:s31+$0x20];
	(erf) = vpow2.f32 v9;
	v13 =	vadd.f32 v13, v19;
	v19 =	vmul.f32 $2.000000030e-01, v11  }
0x5a: {  	v22 =	vld [tilespmem:s31+$0x10];
	v18 =	vmul.f32 $1.442695020e+00, v18;
	v16 =	vmul.f32 $1.442695020e+00, v16  }
0x5b: {  	v7 =	vld [tilespmem:s30+$0xFFFFFFE0];
	(erf) = vpow2.f32 v15;
	v12 =	vmul.f32 $1.442695020e+00, v12;
	v13 =	vadd.f32 v13, v21  }
0x5c: {  	v28 =	vld [tilespmem:s30+$0x10];
	v21 =	vmul.f32 $2.000000030e-01, v14;
	v11 =	vmax.f32 v11, v19;
	(erf) = vpow2.f32 v16  }
0x5d: {  	v15 =	vld [tilespmem:s31+$0xFFFFFFF0];
	v19 =	vshra.s32 v24, $0x10;
	v24 =	vand.u32 $0xFFFF, v24;
	v11 =	vsub.f32 v11, v4  }
0x5e: {  	v5 =	vld [tilespmem:s30+$0xFFFFFFC0];
	v32 =	vand.u32 $0xFFFF, v17;
	v34 =	vshra.s32 v20, $0x10;
	v16 =	vand.u32 $0xFFFF, v20  }
0x5f: {  	v6 =	vld [tilespmem:s30+$0xFFFFFFD0];
	(erf) = vpow2.f32 v18;
	v23 =	vshra.s32 v22, $0x10;
	v26 =	vand.u32 $0xFFFF, v22  }
0x60: {  	v10 =	vld [tilespmem:s30+$0x20];
	v14 =	vmax.f32 v14, v21;
	v30 =	vmul.f32 $2.000000030e-01, v13;
	v21 =	vshra.s32 v17, $0x10  }
0x61: {  	v9 =	vld [tilespmem:s30+$0xFFFFFFF0];
	(erf) = vpow2.f32 v12;
	v12 =	vand.u32 $0xFFFF, v31;
	v14 =	vsub.f32 v14, v4  }
0x62: {  	v22 =	vld [tilespmem:s30+$0x0];
	v27 =	vmul.f32 $1.442695020e+00, v11;
	v18 =	vshra.s32 v15, $0x10;
	v17 =	vand.u32 $0xFFFF, v15  }
0x63: {  	s28 =	simm.s32 $0x10840;
	v30 =	vmax.f32 v13, v30;
	v15 =	vshra.s32 v31, $0x10;
	v29 =	vmul.f32 $1.442695020e+00, v14;
	v20 =	vld.idx.msk [tilespmem:v32+s18+$0x0], $0xffff;
	v11 =	vpop (erf)  }
0x64: {  	s29 =	simm.s32 $0x10840;
	s2 =	simm.s32 $0x8;
	s13 =	smov.u32 s1;
	v14 =	vshra.s32 v33, $0x10;
	v30 =	vsub.f32 v30, v4;
	v13 =	vld.idx.msk [tilespmem:v34+s19+$0x0], $0xffff;
	[tilespmem:s28+$0x30] =	vst v11;
	v11 =	vand.u32 $0xFFFF, v33  }
.LBB2_2:
0x65: {  	s2 =	sadd.s32 $0x8, s2;
	v31 =	vshra.s32 v25, $0x10;
	v25 =	vand.u32 $0xFFFF, v25;
	v21 =	vld.idx.msk [tilespmem:v21+s19+$0x0], $0xffff;
	s13 =	sadd.s32 $0x80, s13;
	s28 =	sadd.s32 $0x80, s28;
	(erf) = vpow2.f32 v27;
	v27 =	vpop (erf)  }
0x66: {  	p0 =	slt.u32 s2, $0x78;
	v26 =	vld.idx.msk [tilespmem:v26+s18+$0x0], $0xffff;
	v30 =	vmul.f32 $1.442695020e+00, v30;
	[tilespmem:s29+$0x10] =	vst v27;
	(erf) = vpow2.f32 v29;
	v27 =	vpop (erf)  }
0x67: {  	v8 =	vmul.f32 v8, v2;
	v23 =	vld.idx.msk [tilespmem:v23+s19+$0x0], $0xffff;
	v28 =	vmul.f32 v28, v2;
	[tilespmem:s29+$0x20] =	vst v27  }
0x68: {  	v22 =	vmul.f32 v22, v2;
	v24 =	vld.idx.msk [tilespmem:v24+s18+$0x0], $0xffff;
	(erf) = vpow2.f32 v30;
	v27 =	vpop (erf)  }
0x69: {  	v9 =	vmul.f32 v9, v2;
	v10 =	vmul.f32 v10, v2;
	s17 =	sadd.s32 $0xFFFFFFF0, s13;
	v19 =	vld.idx.msk [tilespmem:v19+s19+$0x0], $0xffff;
	[tilespmem:s29+$0x0] =	vst v27  }
0x6a: {  	v6 =	vmul.f32 v6, v2;
	v7 =	vmul.f32 v7, v2;
	s20 =	sadd.s32 $0xFFFFFF90, s13;
	s23 =	sadd.s32 $0xFFFFFFA0, s13;
	s25 =	sadd.s32 $0xFFFFFFB0, s13;
	v16 =	vld.idx.msk [tilespmem:v16+s18+$0x0], $0xffff;
	v27 =	vpop (erf)  }
0x6b: {  	v5 =	vmul.f32 v5, v2;
	p3 =	slt.u32 s13, $0x8000;
	p1 =	slt.u32 s23, $0x8000;
	p2 =	slt.u32 s25, $0x8000;
	v29 =	vadd.f32 v21, v20;
	v18 =	vld.idx.msk [tilespmem:v18+s19+$0x0], $0xffff;
	[tilespmem:s29+$0xFFFFFFF0] =	vst v27  }
0x6c: {  	p4 =	slt.u32 s20, $0x8000;
	s20 =	sadd.s32 $0xFFFFFFC0, s13;
	s23 =	sadd.s32 $0xFFFFFFE0, s13;
	v21 =	vpsel p1, v6, v3;
	v27 =	vpsel p2, v7, v3;
	v7 =	vpsel p3, v8, v3;
	v6 =	vld.idx.msk [tilespmem:v17+s18+$0x0], $0xffff  }
0x6d: {  	p1 =	slt.u32 s20, $0x8000;
	p2 =	slt.u32 s23, $0x8000;
	p3 =	slt.u32 s17, $0x8000;
	v17 =	vpsel p4, v5, v3;
	v5 =	vadd.f32 v23, v26;
	v7 =	vadd.f32 v29, v7;
	v15 =	vld.idx.msk [tilespmem:v15+s19+$0x0], $0xffff  }
0x6e: {  	v9 =	vpsel p1, v9, v3;
	s17 =	sadd.s32 $0xFFFFFFD0, s13;
	v8 =	vpsel p2, v28, v3;
	v10 =	vpsel p3, v10, v3;
	v14 =	vld.idx.msk [tilespmem:v14+s19+$0x0], $0xffff;
	v20 =	vpop (erf)  }
0x6f: {  	p1 =	slt.u32 s17, $0x8000;
	v19 =	vadd.f32 v19, v24;
	v5 =	vadd.f32 v5, v8;
	v23 =	vmul.f32 $2.000000030e-01, v7;
	v12 =	vld.idx.msk [tilespmem:v12+s18+$0x0], $0xffff;
	[tilespmem:s29+$0xFFFFFFE0] =	vst v20;
	v20 =	vpop (erf)  }
0x70: {  	v22 =	vpsel p1, v22, v3;
	v13 =	vadd.f32 v13, v16;
	v11 =	vld.idx.msk [tilespmem:v11+s18+$0x0], $0xffff;
	[tilespmem:s29+$0xFFFFFFD0] =	vst v20  }
0x71: {  	v19 =	vadd.f32 v19, v22;
	v20 =	vmul.f32 $2.000000030e-01, v5;
	v7 =	vmax.f32 v7, v23;
	v16 =	vld.idx.msk [tilespmem:v25+s18+$0x0], $0xffff;
	v8 =	vpop (erf)  }
0x72: {  	s30 =	sadd.s32 $0x80, s30;
	v6 =	vadd.f32 v18, v6;
	v7 =	vsub.f32 v7, v4;
	v22 =	vld.idx.msk [tilespmem:v31+s19+$0x0], $0xffff;
	[tilespmem:s29+$0xFFFFFFC0] =	vst v8;
	s29 =	smov.u32 s28  }
0x73: {  	v10 =	vadd.f32 v13, v10;
	v18 =	vmul.f32 $2.000000030e-01, v19;
	v20 =	vmax.f32 v5, v20;
	v8 =	vld [tilespmem:s30+$0x30]  }
0x74: {  	v13 =	vadd.f32 v6, v9;
	v20 =	vsub.f32 v20, v4;
	v9 =	vmul.f32 $1.442695020e+00, v7;
	v5 =	vld [tilespmem:s30+$0xFFFFFFC0]  }
0x75: {  	v12 =	vadd.f32 v15, v12;
	v15 =	vmax.f32 v19, v18;
	v18 =	vmul.f32 $2.000000030e-01, v10;
	v6 =	vld [tilespmem:s30+$0xFFFFFFD0]  }
0x76: {  	v11 =	vadd.f32 v14, v11;
	v14 =	vsub.f32 v15, v4;
	v7 =	vld [tilespmem:s30+$0xFFFFFFE0];
	(erf) = vpow2.f32 v9  }
0x77: {  	v15 =	vmul.f32 $2.000000030e-01, v13;
	v12 =	vadd.f32 v12, v27;
	v18 =	vmax.f32 v10, v18;
	v9 =	vld [tilespmem:s30+$0xFFFFFFF0]  }
0x78: {  	s31 =	sadd.s32 $0x80, s31;
	v19 =	vmul.f32 $1.442695020e+00, v20;
	v16 =	vadd.f32 v22, v16;
	v11 =	vadd.f32 v11, v21;
	v10 =	vld [tilespmem:s30+$0x20]  }
0x79: {  	v13 =	vmax.f32 v13, v15;
	v15 =	vsub.f32 v18, v4;
	v21 =	vmul.f32 $2.000000030e-01, v12;
	v20 =	vld [tilespmem:s31+$0x30]  }
0x7a: {  	v13 =	vsub.f32 v13, v4;
	v30 =	vadd.f32 v16, v17;
	v16 =	vmul.f32 $2.000000030e-01, v11;
	v18 =	vld [tilespmem:s31+$0x20]  }
0x7b: {  	v14 =	vmul.f32 $1.442695020e+00, v14;
	v15 =	vmul.f32 $1.442695020e+00, v15;
	v12 =	vmax.f32 v12, v21;
	v17 =	vld [tilespmem:s31+$0x10]  }
0x7c: {  	v11 =	vmax.f32 v11, v16;
	v12 =	vsub.f32 v12, v4;
	v24 =	vld [tilespmem:s31+$0x0];
	(erf) = vpow2.f32 v19  }
0x7d: {  	v31 =	vmul.f32 $2.000000030e-01, v30;
	v11 =	vsub.f32 v11, v4;
	v28 =	vld [tilespmem:s31+$0xFFFFFFF0];
	(erf) = vpow2.f32 v15  }
0x7e: {  	v13 =	vmul.f32 $1.442695020e+00, v13;
	v32 =	vld [tilespmem:s31+$0xFFFFFFE0];
	v21 =	vshra.s32 v20, $0x10;
	v20 =	vand.u32 $0xFFFF, v20  }
0x7f: {  	s0 =	sadd.s32 $0x80, s0;
	v33 =	vld [tilespmem:s31+$0xFFFFFFD0];
	v34 =	vshra.s32 v18, $0x10;
	v16 =	vand.u32 $0xFFFF, v18;
	(erf) = vpow2.f32 v14;
	v14 =	vpop (erf)  }
.Ltmp0:
0x80: {  	v27 =	vmul.f32 $1.442695020e+00, v12;
	v25 =	vld [tilespmem:s0+$0x0];
	v23 =	vshra.s32 v17, $0x10;
	v26 =	vand.u32 $0xFFFF, v17;
	[tilespmem:s28+$0x30] =	vst v14;
	(pc) =	sbr.rel @p0 .LBB2_2-.Ltmp0, $4  }
0x81: {  	v19 =	vshra.s32 v24, $0x10;
	v22 =	vld [tilespmem:s30+$0x0];
	v24 =	vand.u32 $0xFFFF, v24;
	(erf) = vpow2.f32 v13  }
0x82: {  	v29 =	vmul.f32 $1.442695020e+00, v11;
	v18 =	vshra.s32 v28, $0x10;
	v17 =	vand.u32 $0xFFFF, v28;
	v28 =	vld [tilespmem:s30+$0x10]  }
0x83: {  	v30 =	vmax.f32 v30, v31;
	v15 =	vshra.s32 v32, $0x10;
	v12 =	vand.u32 $0xFFFF, v32;
	v20 =	vld.idx.msk [tilespmem:v20+s18+$0x0], $0xffff  }
0x84: {  	v30 =	vsub.f32 v30, v4;
	v14 =	vshra.s32 v33, $0x10;
	v11 =	vand.u32 $0xFFFF, v33;
	v13 =	vld.idx.msk [tilespmem:v34+s19+$0x0], $0xffff  }
0x85: {  	_ =	sdelay $0x3  }
0x86: {  	v21 =	vld.idx.msk [tilespmem:v21+s19+$0x0], $0xffff  }
0x87: {  	v26 =	vld.idx.msk [tilespmem:v26+s18+$0x0], $0xffff  }
0x88: {  	v23 =	vld.idx.msk [tilespmem:v23+s19+$0x0], $0xffff  }
0x89: {  	v24 =	vld.idx.msk [tilespmem:v24+s18+$0x0], $0xffff  }
0x8a: {  	v19 =	vld.idx.msk [tilespmem:v19+s19+$0x0], $0xffff  }
0x8b: {  	v16 =	vld.idx.msk [tilespmem:v16+s18+$0x0], $0xffff  }
0x8c: {  	v18 =	vld.idx.msk [tilespmem:v18+s19+$0x0], $0xffff  }
0x8d: {  	(erf) = vpow2.f32 v27;
	v17 =	vld.idx.msk [tilespmem:v17+s18+$0x0], $0xffff  }
0x8e: {  	v8 =	vmul.f32 v8, v2;
	v9 =	vmul.f32 v9, v2;
	v15 =	vld.idx.msk [tilespmem:v15+s19+$0x0], $0xffff  }
0x8f: {  	v10 =	vmul.f32 v10, v2;
	v6 =	vmul.f32 v6, v2;
	v14 =	vld.idx.msk [tilespmem:v14+s19+$0x0], $0xffff  }
0x90: {  	v39 =	vshra.s32 v25, $0x10;
	s0 =	sadd.s32 $0x80, s13;
	v7 =	vmul.f32 v7, v2;
	v5 =	vmul.f32 v5, v2;
	v12 =	vld.idx.msk [tilespmem:v12+s18+$0x0], $0xffff  }
0x91: {  	v40 =	vand.u32 $0xFFFF, v25;
	v11 =	vld.idx.msk [tilespmem:v11+s18+$0x0], $0xffff;
	v38 =	vmul.f32 $1.442695020e+00, v30;
	(erf) = vpow2.f32 v29;
	p0 =	slt.u32 s0, $0x8000;
	s2 =	sadd.s32 $0xFFFFFFA0, s0  }
0x92: {  	v22 =	vmul.f32 v22, v2;
	s13 =	sadd.s32 $0xFFFFFFB0, s0;
	v28 =	vmul.f32 v28, v2;
	v8 =	vpsel p0, v8, v3;
	p6 =	slt.u32 s2, $0x8000  }
0x93: {  	s25 =	sadd.s32 $0xFFFFFFD0, s0;
	p1 =	slt.u32 s13, $0x8000;
	(erf) = vpow2.f32 v38;
	v6 =	vpsel p6, v6, v3;
	v20 =	vadd.f32 v21, v20  }
0x94: {  	s17 =	sadd.s32 $0xFFFFFFE0, s0;
	p4 =	slt.u32 s25, $0x8000;
	v7 =	vpsel p1, v7, v3;
	v41 =	vadd.f32 v23, v26;
	v19 =	vadd.f32 v19, v24  }
0x95: {  	s30 =	sadd.s32 $0xFFFFFFF0, s0;
	p2 =	slt.u32 s17, $0x8000;
	v22 =	vpsel p4, v22, v3;
	v13 =	vadd.f32 v13, v16;
	v17 =	vadd.f32 v18, v17  }
0x96: {  	s23 =	sadd.s32 $0xFFFFFFC0, s0;
	p5 =	slt.u32 s30, $0x8000;
	v42 =	vpsel p2, v28, v3;
	v46 =	vld.idx.msk [tilespmem:v40+s18+$0x0], $0xffff;
	v12 =	vadd.f32 v15, v12;
	v11 =	vadd.f32 v14, v11  }
0x97: {  	p3 =	slt.u32 s23, $0x8000;
	v10 =	vpsel p5, v10, v3;
	v47 =	vld.idx.msk [tilespmem:v39+s19+$0x0], $0xffff;
	v8 =	vadd.f32 v20, v8;
	v20 =	vadd.f32 v41, v42  }
0x98: {  	v9 =	vpsel p3, v9, v3;
	v44 =	vadd.f32 v19, v22;
	v10 =	vadd.f32 v13, v10  }
0x99: {  	s0 =	sadd.s32 $0xFFFFFF90, s0;
	v9 =	vadd.f32 v17, v9;
	v7 =	vadd.f32 v12, v7;
	v43 =	vmul.f32 $2.000000030e-01, v8  }
0x9a: {  	p6 =	slt.u32 s0, $0x8000;
	v6 =	vadd.f32 v11, v6;
	v45 =	vmul.f32 $2.000000030e-01, v20;
	v22 =	vmul.f32 $2.000000030e-01, v44  }
0x9b: {  	v5 =	vpsel p6, v5, v3;
	v50 =	vmul.f32 $2.000000030e-01, v10;
	v52 =	vmul.f32 $2.000000030e-01, v9  }
0x9c: {  	v55 =	vmul.f32 $2.000000030e-01, v7;
	v57 =	vmul.f32 $2.000000030e-01, v6;
	v53 =	vadd.f32 v47, v46  }
0x9d: {  	v8 =	vmax.f32 v8, v43;
	v19 =	vmax.f32 v20, v45;
	v49 =	vmax.f32 v44, v22  }
0x9e: {  	v10 =	vmax.f32 v10, v50;
	v7 =	vmax.f32 v7, v55;
	v8 =	vsub.f32 v8, v4  }
0x9f: {  	v6 =	vmax.f32 v6, v57;
	v48 =	vsub.f32 v19, v4;
	v51 =	vsub.f32 v49, v4  }
0xa0: {  	v56 =	vsub.f32 v10, v4;
	v5 =	vadd.f32 v53, v5;
	v8 =	vmul.f32 $1.442695020e+00, v8  }
0xa1: {  	v7 =	vsub.f32 v7, v4;
	v6 =	vsub.f32 v6, v4;
	v54 =	vmul.f32 $1.442695020e+00, v48  }
0xa2: {  	v59 =	vmul.f32 $2.000000030e-01, v5;
	(erf) = vpow2.f32 v8;
	v8 =	vmax.f32 v9, v52  }
0xa3: {  	v58 =	vmul.f32 $1.442695020e+00, v51;
	v9 =	vmul.f32 $1.442695020e+00, v56;
	v8 =	vsub.f32 v8, v4  }
0xa4: {  	v7 =	vmul.f32 $1.442695020e+00, v7;
	v5 =	vmax.f32 v5, v59;
	(erf) = vpow2.f32 v54  }
0xa5: {  	v60 =	vpop (erf);
	v5 =	vsub.f32 v5, v4;
	(erf) = vpow2.f32 v9;
	v8 =	vmul.f32 $1.442695020e+00, v8  }
0xa6: {  	[tilespmem:s29+$0x10] =	vst v60;
	v61 =	vpop (erf);
	v6 =	vmul.f32 $1.442695020e+00, v6;
	(erf) = vpow2.f32 v58  }
0xa7: {  	[tilespmem:s29+$0x20] =	vst v61;
	v62 =	vpop (erf);
	v5 =	vmul.f32 $1.442695020e+00, v5;
	(erf) = vpow2.f32 v8  }
0xa8: {  	[tilespmem:s29+$0x0] =	vst v62;
	v63 =	vpop (erf);
	(erf) = vpow2.f32 v7  }
0xa9: {  	[tilespmem:s29+$0xFFFFFFF0] =	vst v63;
	v7 =	vpop (erf);
	(erf) = vpow2.f32 v6  }
0xaa: {  	[tilespmem:s29+$0xFFFFFFE0] =	vst v7;
	v6 =	vpop (erf);
	(erf) = vpow2.f32 v5  }
0xab: {  	v5 =	vpop (erf);
	[tilespmem:s29+$0xFFFFFFD0] =	vst v6  }
0xac: {  	s31 =	sadd.s32 $0x80, s28;
	v6 =	vpop (erf);
	[tilespmem:s29+$0xFFFFFFC0] =	vst v5  }
0xad: {  	v5 =	vpop (erf);
	[tilespmem:s31+$0x30] =	vst v6  }
0xae: {  	v6 =	vpop (erf);
	[tilespmem:s31+$0x10] =	vst v5  }
0xaf: {  	[tilespmem:s31+$0x20] =	vst v6;
	v5 =	vpop (erf)  }
0xb0: {  	[tilespmem:s31+$0x0] =	vst v5;
	v5 =	vpop (erf)  }
0xb1: {  	[tilespmem:s31+$0xFFFFFFF0] =	vst v5;
	v5 =	vpop (erf)  }
0xb2: {  	[tilespmem:s31+$0xFFFFFFE0] =	vst v5;
	v5 =	vpop (erf)  }
0xb3: {  	[tilespmem:s31+$0xFFFFFFD0] =	vst v5;
	v5 =	vpop (erf)  }
0xb4: {  	s2 =	smov.u32 s16;
	s0 =	simm.s32 $0x0;
	[tilespmem:s31+$0xFFFFFFC0] =	vst v5  }
.LBB2_4:
0xb5: {  	s13 =	sshra.s32 s0, $0x2  }
0xb6: {  	v5 =	vld.idx.msk [tilespmem:v1+s13+$0x0 ss:$0x1], $0xffff;
	_ =	sdelay $0x4  }
0xb7: {  	v6 =	vand.u32 $0xFFFF, v5  }
0xb8: {  	v5 =	vshra.s32 v5, $0x10;
	_ =	sdelay $0x2  }
0xb9: {  	v7 =	vld [tilespmem:s13+$0x11880]  }
0xba: {  	v6 =	vld.idx.msk [tilespmem:v6+s18+$0x0], $0xffff  }
0xbb: {  	v5 =	vld.idx.msk [tilespmem:v5+s19+$0x0], $0xffff;
	_ =	sdelay $0x3  }
0xbc: {  	v7 =	vmul.f32 v7, v2  }
0xbd: {  	p0 =	slt.u32 s2, $0x8000;
	v5 =	vadd.f32 v5, v6  }
0xbe: {  	v6 =	vpsel p0, v7, v3  }
0xbf: {  	v5 =	vadd.f32 v5, v6;
	_ =	sdelay $0x1  }
0xc0: {  	v6 =	vmul.f32 $2.000000030e-01, v5;
	_ =	sdelay $0x1  }
0xc1: {  	v5 =	vmax.f32 v5, v6  }
0xc2: {  	v5 =	vsub.f32 v5, v4;
	_ =	sdelay $0x1  }
0xc3: {  	v5 =	vmul.f32 $1.442695020e+00, v5;
	_ =	sdelay $0x1  }
0xc4: {  	(erf) = vpow2.f32 v5;
	_ =	sdelay $0x4  }
0xc5: {  	p0 =	sne.s32 s0, $0xC0  }
.Ltmp1:
0xc6: {  	_ = 	snop;
	(pc) =	sbr.rel @p0 .LBB2_4-.Ltmp1, $3  }
0xc7: {  	_ =	sdelay $0x1  }
0xc8: {  	v5 =	vpop (erf)  }
0xc9: {  	s2 =	sadd.s32 $0x10, s2;
	s0 =	sadd.s32 $0x40, s0;
	[tilespmem:s13+$0x11000] =	vst v5  }
0xca: {  	s0 =	simm.s32 $0x10800  }
0xcb: {  	[spmem:s10] =	stream.linear.scatter [tilespmem:s0], [sflag:$0x2], $0x840, $0x38;
	[tilespmem:$0x1A9C0] =	vst v63  }
0xcc: {  	_ =	swait.ge [sflag:s24], $0x840  }
0xcd: {  	[sflag:s24] =	ssyncset.done $0x0  }
0xce: {  	[sflag:s24] =	ssyncadd.s32 $0xFFFFF7C0  }
0xcf: {  	[bflag:$0x0] =	sbarrier.arrive $0xFFFF  }
0xd0: {  	s2 =	simm.s32 $0x8400;
	s30 =	rddreg [dreg:$0x2]  }
0xd1: {  	[tilespmem:s2], [sflag:$0x2] =	stream.linear.gather [spmem:s30], $0x8400, $0x38;
	[tilespmem:$0x1A9C0] =	vst v63  }
0xd2: {  	_ =	swait.ge [sflag:s24], $0x8400  }
0xd3: {  	[sflag:s24] =	ssyncset.done $0x0  }
0xd4: {  	s31 =	simm.s32 $0x40;
	[sflag:s24] =	ssyncadd.s32 $0xFFFF7C00  }
0xd5: {  	v4 =	vld [tilespmem:s31+$0x30]  }
0xd6: {  	v17 =	vld [tilespmem:s31+$0xFFFFFFD0]  }
0xd7: {  	v18 =	vld [tilespmem:s31+$0xFFFFFFE0]  }
0xd8: {  	v19 =	vld [tilespmem:s31+$0xFFFFFFF0]  }
0xd9: {  	v20 =	vld [tilespmem:s31+$0x0]  }
0xda: {  	v2 =	vld [tilespmem:s31+$0x10]  }
0xdb: {  	v3 =	vld [tilespmem:s31+$0x20]  }
0xdc: {  	v21 =	vld [tilespmem:s31+$0xFFFFFFC0]  }
0xdd: {  	v5 =	vshra.s32 v4, $0x10  }
0xde: {  	v8 =	vshra.s32 v17, $0x10;
	v11 =	vshll.u32 v17, $0x3;
	v12 =	vshra.s32 v18, $0x10  }
0xdf: {  	v9 =	vshll.u32 v4, $0x3;
	v14 =	vshra.s32 v19, $0x10;
	v4 =	vand.u32 $0x7F, v4  }
0xe0: {  	v15 =	vshra.s32 v20, $0x10;
	v22 =	vshra.s32 v2, $0x10;
	v24 =	vshra.s32 v3, $0x10  }
0xe1: {  	v31 =	vshll.u32 v21, $0x3;
	v32 =	vshll.u32 v18, $0x3;
	v34 =	vshll.u32 v19, $0x3  }
0xe2: {  	v35 =	vshll.u32 v20, $0x3;
	v36 =	vshll.u32 v2, $0x3;
	v37 =	vshll.u32 v3, $0x3  }
0xe3: {  	v19 =	vand.u32 $0x7F, v19;
	v20 =	vand.u32 $0x7F, v20;
	v6 =	vsub.s32 v5, v0  }
0xe4: {  	v9 =	vand.u32 $0x7FC00, v9;
	v5 =	vshll.u32 v5, $0x7;
	v13 =	vsub.s32 v12, v0  }
0xe5: {  	v10 =	vsub.s32 v15, v0;
	v31 =	vand.u32 $0x7FC00, v31;
	v11 =	vand.u32 $0x7FC00, v11  }
0xe6: {  	v32 =	vand.u32 $0x7FC00, v32;
	v12 =	vshll.u32 v12, $0x7;
	v34 =	vand.u32 $0x7FC00, v34  }
0xe7: {  	v38 =	vshll.u32 v14, $0x7;
	v15 =	vshll.u32 v15, $0x7;
	v36 =	vand.u32 $0x7FC00, v36  }
0xe8: {  	v37 =	vand.u32 $0x7FC00, v37;
	v7 =	vshll.u32 v6, $0xA;
	v5 =	vand.u32 $0x380, v5  }
0xe9: {  	vm0 =	vlt.u32 v6, $0x20;
	v6 =	vsub.s32 v8, v0;
	v27 =	vshll.u32 v13, $0xA  }
0xea: {  	v29 =	vshll.u32 v10, $0xA;
	v8 =	vshll.u32 v8, $0x7;
	v12 =	vand.u32 $0x380, v12  }
0xeb: {  	v63 =	vand.u32 $0x380, v38;
	v15 =	vand.u32 $0x380, v15;
	v7 =	vand.u32 $0xFFFFE000, v7  }
0xec: {  	v26 =	vshll.u32 v6, $0xA;
	v27 =	vand.u32 $0xFFFFE000, v27;
	v29 =	vand.u32 $0xFFFFE000, v29  }
0xed: {  	v62 =	vand.u32 $0x380, v8;
	v7 =	vadd.s32 v9, v7;
	v9 =	vsub.s32 v14, v0  }
0xee: {  	v26 =	vand.u32 $0xFFFFE000, v26;
	v14 =	vand.u32 $0x7FC00, v35;
	v27 =	vadd.s32 v32, v27  }
0xef: {  	v5 =	vor.u32 v5, v7;
	v7 =	vsub.s32 v22, v0;
	v28 =	vshll.u32 v9, $0xA  }
0xf0: {  	v22 =	vshll.u32 v22, $0x7;
	v26 =	vadd.s32 v11, v26;
	v29 =	vadd.s32 v14, v29  }
0xf1: {  	s0 =	simm.s32 $0x8440;
	v23 =	vor.u32 v4, v5;
	v4 =	vshra.s32 v21, $0x10;
	v5 =	vsub.s32 v24, v0  }
0xf2: {  	v60 =	vld [tilespmem:s0+$0x30];
	v30 =	vshll.u32 v7, $0xA;
	v28 =	vand.u32 $0xFFFFE000, v28;
	v24 =	vshll.u32 v24, $0x7  }
0xf3: {  	v8 =	vld [tilespmem:s0+$0xFFFFFFF0];
	v22 =	vand.u32 $0x380, v22;
	v26 =	vor.u32 v62, v26;
	v16 =	vsub.s32 v4, v0  }
0xf4: {  	v11 =	vld [tilespmem:s0+$0xFFFFFFC0];
	v33 =	vshll.u32 v5, $0xA;
	v30 =	vand.u32 $0xFFFFE000, v30;
	v25 =	vshll.u32 v16, $0xA  }
0xf5: {  	v14 =	vld [tilespmem:s0+$0xFFFFFFD0];
	v4 =	vshll.u32 v4, $0x7;
	v33 =	vand.u32 $0xFFFFE000, v33;
	v25 =	vand.u32 $0xFFFFE000, v25  }
0xf6: {  	v25 =	vadd.s32 v31, v25;
	v31 =	vadd.s32 v34, v28;
	v28 =	vand.u32 $0x380, v4;
	v4 =	vld [tilespmem:s0+$0xFFFFFFE0]  }
0xf7: {  	v24 =	vand.u32 $0x380, v24;
	v30 =	vadd.s32 v36, v30;
	v61 =	vadd.s32 v37, v33;
	[tilespmem:v23+s21+$0x0] =	vst.idx.add.f32.msk vm0, v60  }
0xf8: {  	v22 =	vor.u32 v22, v30;
	v28 =	vor.u32 v28, v25;
	v25 =	vor.u32 v12, v27;
	v12 =	vld [tilespmem:s0+$0x0]  }
0xf9: {  	v30 =	vand.u32 $0x7F, v18;
	v24 =	vor.u32 v24, v61;
	v23 =	vor.u32 v15, v29;
	v15 =	vld [tilespmem:s0+$0x10]  }
0xfa: {  	s13 =	simm.s32 $0xC0;
	s2 =	simm.s32 $0x0;
	v27 =	vor.u32 v63, v31;
	v31 =	vand.u32 $0x7F, v21;
	v29 =	vand.u32 $0x7F, v17;
	v17 =	vld [tilespmem:s0+$0x20]  }
.LBB2_6:
0xfb: {  	v32 =	vld [tilespmem:s13+$0x30];
	s2 =	sadd.s32 $0x8, s2;
	v28 =	vor.u32 v31, v28;
	v2 =	vand.u32 $0x7F, v2;
	v3 =	vand.u32 $0x7F, v3  }
0xfc: {  	v26 =	vor.u32 v29, v26;
	v25 =	vor.u32 v30, v25;
	v27 =	vor.u32 v19, v27;
	v18 =	vld [tilespmem:s13+$0xFFFFFFD0];
	p0 =	slt.u32 s2, $0x838  }
0xfd: {  	v23 =	vor.u32 v20, v23;
	v22 =	vor.u32 v2, v22;
	v24 =	vor.u32 v3, v24;
	v19 =	vld [tilespmem:s13+$0xFFFFFFE0]  }
0xfe: {  	vm6 =	vlt.u32 v16, $0x20;
	vm5 =	vlt.u32 v6, $0x20;
	vm4 =	vlt.u32 v13, $0x20;
	v20 =	vld [tilespmem:s13+$0xFFFFFFF0]  }
0xff: {  	vm3 =	vlt.u32 v9, $0x20;
	vm2 =	vlt.u32 v10, $0x20;
	vm1 =	vlt.u32 v7, $0x20;
	v21 =	vld [tilespmem:s13+$0x0]  }
0x100: {  	vm0 =	vlt.u32 v5, $0x20;
	v2 =	vld [tilespmem:s13+$0x10];
	v6 =	vshra.s32 v32, $0x10  }
0x101: {  	v29 =	vshra.s32 v18, $0x10;
	v30 =	vshll.u32 v18, $0x3;
	v3 =	vld [tilespmem:s13+$0x20];
	v5 =	vsub.s32 v6, v0  }
0x102: {  	v9 =	vshll.u32 v32, $0x3;
	v31 =	vld [tilespmem:s13+$0xFFFFFFC0];
	v33 =	vshra.s32 v19, $0x10;
	v7 =	vshll.u32 v5, $0xA  }
0x103: {  	v9 =	vand.u32 $0x7FC00, v9;
	v6 =	vshll.u32 v6, $0x7;
	v7 =	vand.u32 $0xFFFFE000, v7  }
0x104: {  	v6 =	vand.u32 $0x380, v6;
	v34 =	vshra.s32 v20, $0x10;
	v7 =	vadd.s32 v9, v7;
	[tilespmem:v28+s21+$0x0] =	vst.idx.add.f32.msk vm6, v11  }
0x105: {  	s0 =	sadd.s32 $0x80, s0;
	vm6 =	vlt.u32 v5, $0x20;
	v5 =	vand.u32 $0x7F, v32;
	v6 =	vor.u32 v6, v7;
	[tilespmem:v26+s21+$0x0] =	vst.idx.add.f32.msk vm5, v14  }
0x106: {  	v26 =	vshra.s32 v21, $0x10;
	v28 =	vshra.s32 v2, $0x10;
	v32 =	vld [tilespmem:s0+$0x30];
	v35 =	vor.u32 v5, v6  }
0x107: {  	v6 =	vsub.s32 v29, v0;
	v37 =	vshra.s32 v3, $0x10;
	v36 =	vshra.s32 v31, $0x10;
	v11 =	vld [tilespmem:s0+$0xFFFFFFC0]  }
0x108: {  	v13 =	vsub.s32 v33, v0;
	v9 =	vsub.s32 v34, v0;
	v16 =	vsub.s32 v36, v0;
	v14 =	vld [tilespmem:s0+$0xFFFFFFD0]  }
0x109: {  	v10 =	vsub.s32 v26, v0;
	v7 =	vsub.s32 v28, v0;
	v5 =	vsub.s32 v37, v0;
	v38 =	vld [tilespmem:s0+$0xFFFFFFE0]  }
0x10a: {  	v41 =	vshll.u32 v13, $0xA;
	v40 =	vshll.u32 v6, $0xA;
	v39 =	vshll.u32 v16, $0xA;
	v42 =	vld [tilespmem:s0+$0xFFFFFFF0]  }
0x10b: {  	v43 =	vshll.u32 v9, $0xA;
	v44 =	vshll.u32 v10, $0xA;
	v45 =	vshll.u32 v7, $0xA;
	[tilespmem:v35+s21+$0x0] =	vst.idx.add.f32.msk vm6, v32  }
0x10c: {  	v47 =	vshll.u32 v5, $0xA;
	v32 =	vshll.u32 v31, $0x3;
	v35 =	vshll.u32 v19, $0x3;
	v46 =	vld [tilespmem:s0+$0x0]  }
0x10d: {  	v48 =	vshll.u32 v20, $0x3;
	v49 =	vshll.u32 v21, $0x3;
	v51 =	vshll.u32 v2, $0x3;
	v50 =	vld [tilespmem:s0+$0x10]  }
0x10e: {  	v53 =	vshll.u32 v3, $0x3;
	v40 =	vand.u32 $0xFFFFE000, v40;
	v39 =	vand.u32 $0xFFFFE000, v39;
	v52 =	vld [tilespmem:s0+$0x20]  }
0x10f: {  	v41 =	vand.u32 $0xFFFFE000, v41;
	v43 =	vand.u32 $0xFFFFE000, v43;
	v44 =	vand.u32 $0xFFFFE000, v44;
	[tilespmem:v25+s21+$0x0] =	vst.idx.add.f32.msk vm4, v4;
	v4 =	vmovc v38  }
0x110: {  	v25 =	vand.u32 $0x7FC00, v32;
	v32 =	vand.u32 $0xFFFFE000, v45;
	v38 =	vand.u32 $0xFFFFE000, v47;
	[tilespmem:v27+s21+$0x0] =	vst.idx.add.f32.msk vm3, v8;
	v8 =	vmovc v42  }
0x111: {  	v30 =	vand.u32 $0x7FC00, v30;
	v29 =	vshll.u32 v29, $0x7;
	v27 =	vshll.u32 v36, $0x7;
	[tilespmem:v23+s21+$0x0] =	vst.idx.add.f32.msk vm2, v12;
	v12 =	vmovc v46  }
0x112: {  	v33 =	vshll.u32 v33, $0x7;
	v23 =	vand.u32 $0x7FC00, v35;
	v35 =	vand.u32 $0x7FC00, v48;
	[tilespmem:v22+s21+$0x0] =	vst.idx.add.f32.msk vm1, v15;
	v15 =	vmovc v50  }
0x113: {  	v26 =	vshll.u32 v26, $0x7;
	v22 =	vshll.u32 v34, $0x7;
	v34 =	vand.u32 $0x7FC00, v49;
	[tilespmem:v24+s21+$0x0] =	vst.idx.add.f32.msk vm0, v17;
	v17 =	vmovc v52  }
0x114: {  	v28 =	vshll.u32 v28, $0x7;
	v36 =	vand.u32 $0x7FC00, v53;
	v24 =	vand.u32 $0x7FC00, v51  }
0x115: {  	v37 =	vshll.u32 v37, $0x7;
	v30 =	vadd.s32 v30, v40;
	v25 =	vadd.s32 v25, v39  }
0x116: {  	v23 =	vadd.s32 v23, v41;
	v35 =	vadd.s32 v35, v43;
	v34 =	vadd.s32 v34, v44  }
0x117: {  	v27 =	vand.u32 $0x380, v27;
	v24 =	vadd.s32 v24, v32;
	v32 =	vadd.s32 v36, v38  }
0x118: {  	v33 =	vand.u32 $0x380, v33;
	v29 =	vand.u32 $0x380, v29;
	v22 =	vand.u32 $0x380, v22  }
.Ltmp2:
0x119: {  	v37 =	vand.u32 $0x380, v37;
	v36 =	vand.u32 $0x380, v26;
	v38 =	vand.u32 $0x380, v28;
	(pc) =	sbr.rel @p0 .LBB2_6-.Ltmp2, $4  }
0x11a: {  	v28 =	vor.u32 v27, v25;
	v26 =	vor.u32 v29, v30;
	v25 =	vor.u32 v33, v23  }
0x11b: {  	v27 =	vor.u32 v22, v35;
	v23 =	vor.u32 v36, v34;
	v22 =	vor.u32 v38, v24  }
0x11c: {  	v31 =	vand.u32 $0x7F, v31;
	v29 =	vand.u32 $0x7F, v18;
	v24 =	vor.u32 v37, v32  }
0x11d: {  	s13 =	sadd.s32 $0x80, s13;
	v30 =	vand.u32 $0x7F, v19;
	v19 =	vand.u32 $0x7F, v20;
	v20 =	vand.u32 $0x7F, v21  }
0x11e: {  	vm0 =	vlt.u32 v16, $0x20  }
0x11f: {  	v59 =	vor.u32 v31, v28;
	vm1 =	vlt.u32 v6, $0x20  }
0x120: {  	v60 =	vor.u32 v29, v26;
	vm2 =	vlt.u32 v13, $0x20  }
0x121: {  	v61 =	vor.u32 v30, v25;
	vm3 =	vlt.u32 v9, $0x20  }
0x122: {  	v62 =	vor.u32 v19, v27;
	vm4 =	vlt.u32 v10, $0x20  }
0x123: {  	v2 =	vand.u32 $0x7F, v2;
	v63 =	vor.u32 v20, v23;
	vm5 =	vlt.u32 v7, $0x20  }
0x124: {  	v3 =	vand.u32 $0x7F, v3;
	vm6 =	vlt.u32 v5, $0x20;
	v2 =	vor.u32 v2, v22;
	[tilespmem:v59+s21+$0x0] =	vst.idx.add.f32.msk vm0, v11  }
0x125: {  	v3 =	vor.u32 v3, v24;
	[tilespmem:v60+s21+$0x0] =	vst.idx.add.f32.msk vm1, v14  }
0x126: {  	[tilespmem:v61+s21+$0x0] =	vst.idx.add.f32.msk vm2, v4  }
0x127: {  	[tilespmem:v62+s21+$0x0] =	vst.idx.add.f32.msk vm3, v8  }
0x128: {  	s26 =	sadd.s32 $0x1, s26;
	[tilespmem:v63+s21+$0x0] =	vst.idx.add.f32.msk vm4, v12  }
0x129: {  	p0 =	sne.s32 s26, s12;
	[tilespmem:v2+s21+$0x0] =	vst.idx.add.f32.msk vm5, v15  }
.Ltmp3:
0x12a: {  	[tilespmem:v3+s21+$0x0] =	vst.idx.add.f32.msk vm6, v17;
	(pc) =	sbr.rel @p0 .LBB2_1-.Ltmp3, $4  }
0x12b: {  	[hbm4b:s11+s3] =	stream.linear.scatter [tilespmem:s21], [sflag:$0x2], $0x8000, $0x38;
	[tilespmem:$0x1A9C0] =	vst v63  }
0x12c: {  	_ =	swait.ge [sflag:s24], $0x8000  }
0x12d: {  	[sflag:s24] =	ssyncset.done $0x0  }
0x12e: {  	[sflag:s24] =	ssyncadd.s32 $0xFFFF8000  }
0x12f: {  	_ =	sfence.sel $0x180000  }
0x130: {  	[bflag:$0x0] =	sbarrier.arrive $0xFFFF  }
0x131: {  	_ =	strace $0x9000004D  }
0x132: {  	s0 =	stileid.u32;
	[bflag:$0x2] =	sbarrier.arrive $0xFFFF  }
0x133: {  	p0 =	sne.s32 s0, $0x0;
	s0 =	rddreg [dreg:$0x3]  }
0x134: {  	s0 =	sadd.s32 @!p0 $0x100000, s0  }
0x135: {  	[sflag:s0] =	ssyncadd.tile.s32 @!p0 $0x1;
	_ =	shalt  }
.Lfunc_end2:
_tile_overlayer_lowered:
.L_overlay_start_2:
0x136: {  	(tag) =	ssettag $0x2  }
0x137: {  	s0 =	rddreg [dreg:$0x0];
	s2 =	stileid.u32  }
0x138: {  	s1 =	rddreg [dreg:$0x1];
	p0 =	sne.s32 s2, $0x0  }
0x139: {  	s3 =	rddreg [dreg:$0x2];
	[bflag:$0x3] =	sbarrier.arrive $0xFFFF;
	s2 =	simm.s32 @!p0 $0x1C02  }
0x13a: {  	[timem:s3], [sflag:s2] =	dma.local @!p0 [hbm:s0], s1  }
0x13b: {  	s0 =	simm.s32 @!p0 $0x2  }
0x13c: {  	_ =	swait.ge @!p0 [sflag:s0], s1  }
0x13d: {  	s1 =	ssub.s32 @!p0 $0x0, s1;
	[sflag:s0] =	ssyncset.done @!p0 $0x0  }
0x13e: {  	[sflag:s0] =	ssyncadd.s32 @!p0 s1  }
0x13f: {  	[bflag:$0x3] =	sbarrier.arrive $0xFFFF  }
0x140: {  	_ =	shalt  }

// kernel: kernel.8.cloned.1.call-start
scs
__scs_entry_jumppad:
0x0: {  	(pc) =	sbr.rel $0x88, $3  }
0x1: {  	(tag) =	ssettag $0x0;
	lr =	simm.s32 $0x1  }
0x2: {  	[smem:$0x3F87] =	sst lr;
	_ =	strace $0xD0000000  }
0x3: {  	_ = 	snop  }
0x4: {  	_ = 	snop  }
0x5: {  	_ = 	snop  }
0x6: {  	_ = 	snop  }
0x7: {  	_ = 	snop  }
__scs_overlays_trampoline_lowered:
0x8: {  	[smem:$0x3F96] =	sst s0  }
0x9: {  	[smem:$0x3F97] =	sst s1  }
0xa: {  	[smem:$0x3F98] =	sst s2  }
0xb: {  	[smem:$0x3F99] =	sst s3  }
0xc: {  	[smem:$0x3F9A] =	sst s4  }
0xd: {  	[smem:$0x3F9B] =	sst s5  }
0xe: {  	[smem:$0x3F9C] =	sst s6  }
0xf: {  	[smem:$0x3F9D] =	sst s7  }
0x10: {  	[smem:$0x3F9E] =	sst s8  }
0x11: {  	[smem:$0x3F9F] =	sst s9;
	s0 =	simm.s32 @!p0 $0x0  }
0x12: {  	s1 =	sld [smem:$0x3F85];
	s0 =	simm.s32 @p0 $0x1  }
0x13: {  	[smem:$0x3FA0] =	sst s0;
	s0 =	simm.s32 @!p1 $0x0  }
0x14: {  	s2 =	sld [smem:$0x3F84];
	s0 =	simm.s32 @p1 $0x1  }
0x15: {  	[smem:$0x3FA1] =	sst s0;
	s0 =	simm.s32 @!p2 $0x0  }
0x16: {  	s3 =	sld [smem:$0x3FDB];
	s0 =	simm.s32 @p2 $0x1  }
0x17: {  	s4 =	simm.s32 $0x1BF5;
	[smem:$0x3FA3] =	sst s0  }
0x18: {  	s0 =	sld [smem:$0x3F86];
	_ =	swait.ge [sflag:s4], $0x0  }
0x19: {  	s7 =	sld [smem:$0x3F87]  }
0x1a: {  	s8 =	sadd.s32 $0xFFFFE003, lr  }
0x1b: {  	s9 =	sadd.s32 $0xFFFFFEF7, lr;
	s5 =	simm.s32 $0xFFFFFFFF;
	p2 =	slt.u32 s8, $0xFFFFF086  }
0x1c: {  	p1 =	slt.u32 s9, $0xF7A;
	s5 =	simm.s32 @!p2 $0x0  }
0x1d: {  	s5 =	simm.s32 @p1 $0x1;
	p0 =	seq.s32 s7, s2  }
0x1e: {  	s7 =	smul.u32 @!p0 $0xF7A, s2;
	p2 =	seq.s32 @!p0 s5, $0x0  }
0x1f: {  	s9 =	smul.u32 $0xF7A, s1;
	s8 =	simm.s32 @!p0 $0x1BF5;
	p2 =	por !p2, p0  }
0x20: {  	[sflag:s8] =	ssyncset.s32 @!p0 $0xFFFFF086;
	s6 =	sadd.s32 @!p0 s3, s7;
	s7 =	simm.s32 @!p0 $0x108  }
0x21: {  	s3 =	sadd.s32 s3, s9;
	s6 =	sadd.s32 @!p0 $0x88, s6;
	s7 =	simm.s32 @p2 $0x1082  }
0x22: {  	[simem:s7], [sflag:s8] =	dma.local @!p0 [hbm:s6], $0xF7A  }
0x23: {  	s9 =	sor.u32 $0xD0000000, s2;
	s6 =	simm.s32 $0x108;
	_ =	swait.ge @!p0 [sflag:s8], $0x0  }
0x24: {  	s3 =	sadd.s32 $0x88, s3;
	s6 =	simm.s32 @!p1 $0x1082;
	[sflag:s4] =	ssyncset.s32 $0xFFFFF086  }
0x25: {  	[simem:s6], [sflag:s4] =	dma.local [hbm:s3], $0xF7A  }
0x26: {  	[smem:$0x3F87] =	sst s1;
	(tag) =	ssettag s2;
	_ =	strace s9  }
0x27: {  	s1 =	sld [smem:$0x3F97]  }
0x28: {  	s2 =	sld [smem:$0x3F98]  }
0x29: {  	s4 =	sld [smem:$0x3F9A]  }
0x2a: {  	p0 =	seq.s32 s5, $0x0;
	s5 =	sld [smem:$0x3F9B]  }
0x2b: {  	s6 =	sld [smem:$0x3F9C]  }
0x2c: {  	s7 =	sld [smem:$0x3F9D]  }
0x2d: {  	s3 =	simm.s32 $0x108;
	s8 =	sld [smem:$0x3F9E]  }
0x2e: {  	s3 =	simm.s32 @!p0 $0x1082;
	s9 =	sld [smem:$0x3F9F]  }
0x2f: {  	lr =	sadd.s32 s0, s3;
	s0 =	sld [smem:$0x3F96]  }
0x30: {  	s3 =	sld [smem:$0x3F99]  }
0x31: {  	[smem:$0x3FA2] =	sst s10  }
0x32: {  	s10 =	sld [smem:$0x3FA0];
	_ =	sdelay $0x3  }
0x33: {  	p0 =	seq.s32 s10, $0x1;
	s10 =	sld [smem:$0x3FA2];
	_ =	sdelay $0x3  }
0x34: {  	[smem:$0x3FA2] =	sst s10  }
0x35: {  	s10 =	sld [smem:$0x3FA1];
	_ =	sdelay $0x3  }
0x36: {  	p1 =	seq.s32 s10, $0x1;
	s10 =	sld [smem:$0x3FA2];
	_ =	sdelay $0x3  }
0x37: {  	[smem:$0x3FA2] =	sst s10  }
0x38: {  	s10 =	sld [smem:$0x3FA3]  }
0x39: {  	_ = 	snop;
	(pc) =	sbr.ind lr, $3  }
0x3a: {  	_ = 	snop  }
0x3b: {  	_ = 	snop  }
0x3c: {  	p2 =	seq.s32 s10, $0x1;
	s10 =	sld [smem:$0x3FA2]  }
0x3d: {  	_ =	shalt  }
0x3e: {  	_ =	shalt  }
0x3f: {  	_ =	shalt  }
0x40: {  	_ =	shalt  }
0x41: {  	_ =	shalt  }
0x42: {  	_ =	shalt  }
0x43: {  	_ =	shalt  }
0x44: {  	_ =	shalt  }
0x45: {  	_ =	shalt  }
0x46: {  	_ =	shalt  }
0x47: {  	_ =	shalt  }
0x48: {  	_ =	shalt  }
0x49: {  	_ =	shalt  }
0x4a: {  	_ =	shalt  }
0x4b: {  	_ =	shalt  }
0x4c: {  	_ =	shalt  }
0x4d: {  	_ =	shalt  }
0x4e: {  	_ =	shalt  }
0x4f: {  	_ =	shalt  }
0x50: {  	_ =	shalt  }
0x51: {  	_ =	shalt  }
0x52: {  	_ =	shalt  }
0x53: {  	_ =	shalt  }
0x54: {  	_ =	shalt  }
0x55: {  	_ =	shalt  }
0x56: {  	_ =	shalt  }
0x57: {  	_ =	shalt  }
0x58: {  	_ =	shalt  }
0x59: {  	_ =	shalt  }
0x5a: {  	_ =	shalt  }
0x5b: {  	_ =	shalt  }
0x5c: {  	_ =	shalt  }
0x5d: {  	_ =	shalt  }
0x5e: {  	_ =	shalt  }
0x5f: {  	_ =	shalt  }
0x60: {  	_ =	shalt  }
0x61: {  	_ =	shalt  }
0x62: {  	_ =	shalt  }
0x63: {  	_ =	shalt  }
0x64: {  	_ =	shalt  }
0x65: {  	_ =	shalt  }
0x66: {  	_ =	shalt  }
0x67: {  	_ =	shalt  }
0x68: {  	_ =	shalt  }
0x69: {  	_ =	shalt  }
0x6a: {  	_ =	shalt  }
0x6b: {  	_ =	shalt  }
0x6c: {  	_ =	shalt  }
0x6d: {  	_ =	shalt  }
0x6e: {  	_ =	shalt  }
0x6f: {  	_ =	shalt  }
0x70: {  	_ =	shalt  }
0x71: {  	_ =	shalt  }
0x72: {  	_ =	shalt  }
0x73: {  	_ =	shalt  }
0x74: {  	_ =	shalt  }
0x75: {  	_ =	shalt  }
0x76: {  	_ =	shalt  }
0x77: {  	_ =	shalt  }
0x78: {  	_ =	shalt  }
0x79: {  	_ =	shalt  }
0x7a: {  	_ =	shalt  }
0x7b: {  	_ =	shalt  }
0x7c: {  	_ =	shalt  }
0x7d: {  	_ =	shalt  }
0x7e: {  	_ =	shalt  }
0x7f: {  	_ =	shalt  }
0x80: {  	_ =	shalt  }
0x81: {  	_ =	shalt  }
0x82: {  	_ =	shalt  }
0x83: {  	_ =	shalt  }
0x84: {  	_ =	shalt  }
0x85: {  	_ =	shalt  }
0x86: {  	_ =	shalt  }
0x87: {  	_ =	shalt  }
.Lfunc_end0:
.L_simem_size_0:
called_computation_lowered:
.L_overlay_start_0:
0x88: {  	s2 =	sld [smem:$0x3FD9]  }
0x89: {  	s3 =	sld [smem:$0x3FFE];
	_ =	sdelay $0x1  }
0x8a: {  	s1 =	srdreg.scid  }
0x8b: {  	s0 =	sand.u32 $0x1, s1  }
0x8c: {  	s17 =	sshll.u32 s0, $0xA;
	s2 =	sadd.s32 s3, s2  }
0x8d: {  	s2 =	sadd.s32 s2, s17  }
0x8e: {  	[smem:$0x3FAE] =	sst s2  }
0x8f: {  	_ = 	snop  }
0x90: {  	s2 =	sld [smem:$0x3FD0];
	(tm) =	ssettm $0x1  }
0x91: {  	s18 =	sld [smem:$0x3FFB];
	_ =	sdelay $0x3  }
0x92: {  	_ =	strace s18  }
0x93: {  	s3 =	sld [smem:$0x3FFC];
	_ =	sdelay $0x3  }
0x94: {  	_ =	strace s3  }
0x95: {  	s3 =	sld [smem:$0x3FFD];
	_ =	sdelay $0x3  }
0x96: {  	_ =	strace s3  }
0x97: {  	_ =	strace $0x8FFFFFFF  }
0x98: {  	s19 =	sld [smem:$0x3FDB];
	_ =	sdelay $0x1  }
0x99: {  	s4 =	simm.s32 $_scs_section_size  }
0x9a: {  	s5 =	simm.s32 $_size__tile_overlayer_lowered;
	s6 =	simm.s32 $_tile_overlayer_lowered  }
0x9b: {  	s22 =	simm.s32 $0x1BFF;
	s21 =	sshll.u32 s6, $0x1;
	s3 =	sadd.s32 s4, s19  }
0x9c: {  	s7 =	simm.s32 $0x0;
	s20 =	sshll.u32 s5, $0x1;
	s5 =	sadd.s32 s21, s3  }
0x9d: {  	[timem:s7], [sflag:s22] =	dma.local [hbm:s5], s20  }
0x9e: {  	_ =	swait.ge [sflag:s22], s20  }
0x9f: {  	s4 =	ssub.s32 $0x0, s20;
	[sflag:s22] =	ssyncset.done $0x0  }
0xa0: {  	[sflag:s22] =	ssyncadd.s32 s4;
	_ =	sdelay $0x1  }
0xa1: {  	s23 =	simm.s32 $0x1B8B  }
0xa2: {  	_ =	swait.ge [sflag:s23], $0x1  }
0xa3: {  	[sflag:s23] =	ssyncset.done $0x0  }
0xa4: {  	s25 =	simm.s32 $0x1B8E;
	s24 =	sld [smem:$0x3FFE];
	[sflag:s23] =	ssyncadd.s32 $0xFFFFFFFF  }
0xa5: {  	s26 =	simm.s32 $execute0_lowered;
	[smem:$0x3FD2] =	sst s25  }
0xa6: {  	s5 =	sshll.u32 s26, $0x1;
	_ =	strace $0x80000046;
	[dreg:$0x1] =	wrdreg $0xFFFFFFFF  }
0xa7: {  	s28 =	simm.s32 $_size_execute0_lowered;
	s3 =	sadd.s32 s3, s5;
	[dreg:$0x0] =	wrdreg $0x0  }
0xa8: {  	s5 =	sshll.u32 s28, $0x1;
	[dreg:$0x2] =	wrdreg s3  }
0xa9: {  	[dreg:$0x3] =	wrdreg s5  }
0xaa: {  	[dreg:$0x4] =	wrdreg $0xC0  }
0xab: {  	_ =	task [dreg:s7], $0x5FFFF  }
0xac: {  	[dreg:$0x1] =	wrdreg $0xFFFFFFFF  }
0xad: {  	[dreg:$0x0] =	wrdreg $0x60  }
0xae: {  	[dreg:$0x2] =	wrdreg s24  }
0xaf: {  	[dreg:$0x3] =	wrdreg s2  }
0xb0: {  	[dreg:$0x4] =	wrdreg $0x9  }
0xb1: {  	_ =	task.clear_ibuf [dreg:s7], $0x5FFFF;
	_ =	strace $0x90000046  }
0xb2: {  	s29 =	simm.s32 $0x9;
	_ =	strace $0x80000048  }
0xb3: {  	_ =	swait.ge [sflag:s29], $0x1  }
0xb4: {  	[sflag:s29] =	ssyncadd.s32 $0xFFFFFFFF  }
0xb5: {  	_ =	strace $0x90000048  }
0xb6: {  	_ =	sfence  }
0xb7: {  	s30 =	sld [smem:$0x0];
	_ =	sdelay $0x2  }
0xb8: {  	s31 =	sshll.u32 s1, $0xD;
	s1 =	sshrl.u32 s1, $0x2  }
0xb9: {  	s3 =	sand.u32 $0x4000, s31;
	s1 =	sadd.s32 s1, s30  }
0xba: {  	s0 =	sor.u32 s3, s0;
	s1 =	sshll.u32 s1, $0x11  }
0xbb: {  	s0 =	sor.u32 s1, s0  }
0xbc: {  	s0 =	sadd.s32 $0x8F2B, s0  }
0xbd: {  	[sflag:s0] =	ssyncadd.remote.s32 $0x1  }
0xbe: {  	_ =	sfence.sel $0xFFFF  }
0xbf: {  	[dreg:$0x0] =	wrdreg $0xFFFFFFFF;
	(pc) =	sbr.abs _section_cstart, $3  }
0xc0: {  	[dreg:$0x1] =	wrdreg $0xFFFFFFFF  }
0xc1: {  	_ =	task.clear_ibuf [dreg:s7], $0x2FFFF;
	_ =	strace $0x9FFFFFFF  }
0xc2: {  	(tm) =	ssettm $0x7FFFFFFF  }
0xc3: {  	_ =	shalt  }
tec
execute0_lowered:
.L_overlay_start_1:
0x0: {  	(tag) =	ssettag $0x1  }
0x1: {  	s4 =	rddreg [dreg:$0x0]  }
0x2: {  	s5 =	rddreg [dreg:$0x1]  }
0x3: {  	s0 =	rddreg [dreg:$0x2];
	s3 =	srdreg.scid  }
0x4: {  	s2 =	simm.s32 $0x0;
	s1 =	stileid.u32;
	s3 =	sand.u32 $0x1, s3  }
0x5: {  	[smem:$0x7FF] =	sst s2;
	s6 =	sshll.u32 s1, $0x6;
	s7 =	sshll.u32 s3, $0x5  }
0x6: {  	_ =	strace $0x80000047;
	s31 =	ssub.s32 $0x2, s3;
	s8 =	sor.u32 s7, s6  }
0x7: {  	s3 =	sadd.s32 $0x3600, s4;
	s9 =	sshrl.u32 s31, $0x1;
	s7 =	sshll.u32 s8, $0x7  }
0x8: {  	s6 =	ssub.s32 s31, s9;
	v0 =	vmov s8;
	s8 =	simm.s32 $0x1;
	s9 =	simm.s32 $0x2  }
0x9: {  	s10 =	sadd.s32 s7, s4;
	s4 =	sadd.s32 s5, s7;
	s6 =	smax.u32 s6, $0x1  }
0xa: {  	v1 =	vimm.f32 $1.000000000e+00;
	s7 =	simm.s32 $0x8400;
	s5 =	sadd.s32 $0x5A00, s10;
	s10 =	simm.s32 $0x0  }
.LBB2_1:
0xb: {  	[tilespmem:s2], [sflag:$0x1] =	stream.linear.gather [hbm4b:s3+s2], $0x8400, $0x38;
	[tilespmem:$0x10400] =	vst v63  }
0xc: {  	_ = 	snop  }
0xd: {  	[tilespmem:s7], [sflag:$0x1] =	stream.linear.gather [hbm4b:s4+s2], $0x8000, $0x38;
	[tilespmem:$0x10400] =	vst v63  }
0xe: {  	_ =	swait.ge [sflag:s8], $0x8400  }
0xf: {  	[sflag:s8] =	ssyncset.done $0x0  }
0x10: {  	[sflag:s8] =	ssyncadd.s32 $0xFFFF7C00  }
0x11: {  	_ =	swait.ge [sflag:s8], $0x8000  }
0x12: {  	[sflag:s8] =	ssyncset.done $0x0  }
0x13: {  	s11 =	simm.s32 $0x40;
	[sflag:s8] =	ssyncadd.s32 $0xFFFF8000  }
0x14: {  	v4 =	vld [tilespmem:s11+$0x30]  }
0x15: {  	v11 =	vld [tilespmem:s11+$0xFFFFFFD0]  }
0x16: {  	v12 =	vld [tilespmem:s11+$0xFFFFFFE0]  }
0x17: {  	v13 =	vld [tilespmem:s11+$0xFFFFFFF0]  }
0x18: {  	v14 =	vld [tilespmem:s11+$0x0]  }
0x19: {  	v2 =	vld [tilespmem:s11+$0x10]  }
0x1a: {  	v17 =	vld [tilespmem:s11+$0xFFFFFFC0]  }
0x1b: {  	v3 =	vld [tilespmem:s11+$0x20]  }
0x1c: {  	v5 =	vshra.s32 v4, $0x10  }
0x1d: {  	v15 =	vshra.s32 v11, $0x10;
	v16 =	vshll.u32 v11, $0x3;
	v18 =	vshra.s32 v12, $0x10  }
0x1e: {  	v8 =	vshll.u32 v4, $0x3;
	v19 =	vshra.s32 v13, $0x10;
	v4 =	vand.u32 $0x7F, v4  }
0x1f: {  	v20 =	vshra.s32 v14, $0x10;
	v21 =	vshra.s32 v2, $0x10;
	v22 =	vshra.s32 v17, $0x10  }
0x20: {  	v24 =	vshra.s32 v3, $0x10;
	v31 =	vshll.u32 v17, $0x3;
	v32 =	vshll.u32 v12, $0x3  }
0x21: {  	v34 =	vshll.u32 v13, $0x3;
	v35 =	vshll.u32 v14, $0x3;
	v60 =	vshll.u32 v2, $0x3  }
0x22: {  	v6 =	vsub.s32 v5, v0;
	v8 =	vand.u32 $0x7FC00, v8;
	v5 =	vshll.u32 v5, $0x7  }
0x23: {  	v10 =	vsub.s32 v22, v0;
	v9 =	vsub.s32 v18, v0;
	v31 =	vand.u32 $0x7FC00, v31  }
0x24: {  	v16 =	vand.u32 $0x7FC00, v16;
	v22 =	vshll.u32 v22, $0x7;
	v32 =	vand.u32 $0x7FC00, v32  }
0x25: {  	v18 =	vshll.u32 v18, $0x7;
	v34 =	vand.u32 $0x7FC00, v34;
	v35 =	vand.u32 $0x7FC00, v35  }
0x26: {  	v7 =	vshll.u32 v6, $0xA;
	v5 =	vand.u32 $0x380, v5;
	vm0 =	vlt.u32 v6, $0x20  }
0x27: {  	v6 =	vsub.s32 v21, v0;
	v25 =	vshll.u32 v10, $0xA;
	v27 =	vshll.u32 v9, $0xA  }
0x28: {  	v21 =	vshll.u32 v21, $0x7;
	v22 =	vand.u32 $0x380, v22;
	v18 =	vand.u32 $0x380, v18  }
0x29: {  	v7 =	vand.u32 $0xFFFFE000, v7;
	v30 =	vshll.u32 v6, $0xA;
	v25 =	vand.u32 $0xFFFFE000, v25  }
0x2a: {  	v27 =	vand.u32 $0xFFFFE000, v27;
	v62 =	vand.u32 $0x380, v21;
	v7 =	vadd.s32 v8, v7  }
0x2b: {  	v8 =	vsub.s32 v20, v0;
	v25 =	vadd.s32 v31, v25;
	v30 =	vand.u32 $0xFFFFE000, v30  }
0x2c: {  	v20 =	vshll.u32 v20, $0x7;
	v31 =	vand.u32 $0x7FC00, v60;
	v27 =	vadd.s32 v32, v27  }
0x2d: {  	v5 =	vor.u32 v5, v7;
	v7 =	vsub.s32 v19, v0;
	v29 =	vshll.u32 v8, $0xA  }
0x2e: {  	v19 =	vshll.u32 v19, $0x7;
	v30 =	vadd.s32 v31, v30;
	v61 =	vand.u32 $0x380, v20  }
0x2f: {  	v21 =	vor.u32 v22, v25;
	v18 =	vor.u32 v18, v27;
	v22 =	vand.u32 $0x7F, v11  }
0x30: {  	v23 =	vor.u32 v4, v5;
	v5 =	vsub.s32 v15, v0;
	v4 =	vsub.s32 v24, v0  }
0x31: {  	v28 =	vshll.u32 v7, $0xA;
	v29 =	vand.u32 $0xFFFFE000, v29;
	v15 =	vshll.u32 v15, $0x7  }
0x32: {  	v24 =	vshll.u32 v24, $0x7;
	v19 =	vand.u32 $0x380, v19;
	v26 =	vshll.u32 v5, $0xA  }
0x33: {  	v33 =	vshll.u32 v4, $0xA;
	v28 =	vand.u32 $0xFFFFE000, v28;
	v29 =	vadd.s32 v35, v29  }
0x34: {  	v15 =	vand.u32 $0x380, v15;
	v63 =	vand.u32 $0x380, v24;
	v24 =	vand.u32 $0x7F, v17  }
0x35: {  	v26 =	vand.u32 $0xFFFFE000, v26;
	v33 =	vand.u32 $0xFFFFE000, v33;
	v28 =	vadd.s32 v34, v28  }
0x36: {  	v16 =	vadd.s32 v16, v26;
	v26 =	vshll.u32 v3, $0x3;
	v19 =	vor.u32 v19, v28  }
0x37: {  	v26 =	vand.u32 $0x7FC00, v26;
	v20 =	vor.u32 v15, v16;
	v16 =	vor.u32 v61, v29  }
0x38: {  	v15 =	vor.u32 v62, v30;
	v26 =	vadd.s32 v26, v33;
	[tilespmem:v23+s7+$0x0] =	vst.idx.add.f32.msk vm0, v1;
	v23 =	vand.u32 $0x7F, v12  }
0x39: {  	s12 =	simm.s32 $0xC0;
	s11 =	simm.s32 $0x0;
	v12 =	vand.u32 $0x7F, v13;
	v13 =	vand.u32 $0x7F, v14;
	v17 =	vor.u32 v63, v26  }
.LBB2_2:
0x3a: {  	v25 =	vld [tilespmem:s12+$0x30];
	s11 =	sadd.s32 $0x8, s11;
	v21 =	vor.u32 v24, v21;
	v2 =	vand.u32 $0x7F, v2;
	v3 =	vand.u32 $0x7F, v3  }
0x3b: {  	v20 =	vor.u32 v22, v20;
	v18 =	vor.u32 v23, v18;
	v19 =	vor.u32 v12, v19;
	v11 =	vld [tilespmem:s12+$0xFFFFFFD0];
	p0 =	slt.u32 s11, $0x838  }
0x3c: {  	v16 =	vor.u32 v13, v16;
	v15 =	vor.u32 v2, v15;
	v17 =	vor.u32 v3, v17;
	v12 =	vld [tilespmem:s12+$0xFFFFFFE0]  }
0x3d: {  	vm6 =	vlt.u32 v10, $0x20;
	vm5 =	vlt.u32 v5, $0x20;
	vm4 =	vlt.u32 v9, $0x20;
	v13 =	vld [tilespmem:s12+$0xFFFFFFF0]  }
0x3e: {  	vm3 =	vlt.u32 v7, $0x20;
	vm2 =	vlt.u32 v8, $0x20;
	vm1 =	vlt.u32 v6, $0x20;
	v14 =	vld [tilespmem:s12+$0x0]  }
0x3f: {  	vm0 =	vlt.u32 v4, $0x20;
	v2 =	vld [tilespmem:s12+$0x10];
	v5 =	vshra.s32 v25, $0x10  }
0x40: {  	v22 =	vshra.s32 v11, $0x10;
	v23 =	vshll.u32 v11, $0x3;
	v3 =	vld [tilespmem:s12+$0x20];
	v4 =	vsub.s32 v5, v0  }
0x41: {  	v7 =	vshll.u32 v25, $0x3;
	v24 =	vld [tilespmem:s12+$0xFFFFFFC0];
	v26 =	vshra.s32 v12, $0x10;
	v6 =	vshll.u32 v4, $0xA  }
0x42: {  	v7 =	vand.u32 $0x7FC00, v7;
	v5 =	vshll.u32 v5, $0x7;
	v6 =	vand.u32 $0xFFFFE000, v6  }
0x43: {  	v5 =	vand.u32 $0x380, v5;
	v27 =	vshra.s32 v13, $0x10;
	v6 =	vadd.s32 v7, v6;
	[tilespmem:v21+s7+$0x0] =	vst.idx.add.f32.msk vm6, v1  }
0x44: {  	vm6 =	vlt.u32 v4, $0x20;
	v4 =	vand.u32 $0x7F, v25;
	v5 =	vor.u32 v5, v6;
	[tilespmem:v20+s7+$0x0] =	vst.idx.add.f32.msk vm5, v1  }
0x45: {  	v20 =	vshra.s32 v14, $0x10;
	v21 =	vshra.s32 v2, $0x10;
	v25 =	vor.u32 v4, v5;
	[tilespmem:v18+s7+$0x0] =	vst.idx.add.f32.msk vm4, v1  }
0x46: {  	v5 =	vsub.s32 v22, v0;
	v28 =	vshra.s32 v3, $0x10;
	v18 =	vshra.s32 v24, $0x10;
	[tilespmem:v19+s7+$0x0] =	vst.idx.add.f32.msk vm3, v1  }
0x47: {  	v9 =	vsub.s32 v26, v0;
	v7 =	vsub.s32 v27, v0;
	v10 =	vsub.s32 v18, v0  }
0x48: {  	v8 =	vsub.s32 v20, v0;
	v6 =	vsub.s32 v21, v0;
	v4 =	vsub.s32 v28, v0  }
0x49: {  	v30 =	vshll.u32 v9, $0xA;
	v29 =	vshll.u32 v5, $0xA;
	v19 =	vshll.u32 v10, $0xA;
	[tilespmem:v16+s7+$0x0] =	vst.idx.add.f32.msk vm2, v1  }
0x4a: {  	v31 =	vshll.u32 v8, $0xA;
	v32 =	vshll.u32 v6, $0xA;
	v16 =	vshll.u32 v7, $0xA;
	[tilespmem:v25+s7+$0x0] =	vst.idx.add.f32.msk vm6, v1  }
0x4b: {  	v33 =	vshll.u32 v12, $0x3;
	v34 =	vshll.u32 v4, $0xA;
	v25 =	vshll.u32 v24, $0x3;
	[tilespmem:v15+s7+$0x0] =	vst.idx.add.f32.msk vm1, v1  }
0x4c: {  	v35 =	vshll.u32 v14, $0x3;
	v36 =	vshll.u32 v2, $0x3;
	v15 =	vshll.u32 v13, $0x3;
	[tilespmem:v17+s7+$0x0] =	vst.idx.add.f32.msk vm0, v1  }
0x4d: {  	v17 =	vand.u32 $0xFFFFE000, v19;
	v19 =	vand.u32 $0xFFFFE000, v29;
	v29 =	vshll.u32 v3, $0x3  }
0x4e: {  	v30 =	vand.u32 $0xFFFFE000, v30;
	v31 =	vand.u32 $0xFFFFE000, v31;
	v16 =	vand.u32 $0xFFFFE000, v16  }
0x4f: {  	v32 =	vand.u32 $0xFFFFE000, v32;
	v34 =	vand.u32 $0xFFFFE000, v34;
	v25 =	vand.u32 $0x7FC00, v25  }
0x50: {  	v23 =	vand.u32 $0x7FC00, v23;
	v22 =	vshll.u32 v22, $0x7;
	v18 =	vshll.u32 v18, $0x7  }
0x51: {  	v33 =	vand.u32 $0x7FC00, v33;
	v26 =	vshll.u32 v26, $0x7;
	v15 =	vand.u32 $0x7FC00, v15  }
0x52: {  	v27 =	vshll.u32 v27, $0x7;
	v35 =	vand.u32 $0x7FC00, v35;
	v20 =	vshll.u32 v20, $0x7  }
0x53: {  	v36 =	vand.u32 $0x7FC00, v36;
	v21 =	vshll.u32 v21, $0x7;
	v29 =	vand.u32 $0x7FC00, v29  }
0x54: {  	v17 =	vadd.s32 v25, v17;
	v19 =	vadd.s32 v23, v19;
	v23 =	vshll.u32 v28, $0x7  }
0x55: {  	v25 =	vadd.s32 v33, v30;
	v15 =	vadd.s32 v15, v16;
	v16 =	vadd.s32 v35, v31  }
0x56: {  	v18 =	vand.u32 $0x380, v18;
	v28 =	vadd.s32 v36, v32;
	v29 =	vadd.s32 v29, v34  }
0x57: {  	v26 =	vand.u32 $0x380, v26;
	v27 =	vand.u32 $0x380, v27;
	v22 =	vand.u32 $0x380, v22  }
.Ltmp0:
0x58: {  	v30 =	vand.u32 $0x380, v20;
	v31 =	vand.u32 $0x380, v21;
	v23 =	vand.u32 $0x380, v23;
	(pc) =	sbr.rel @p0 .LBB2_2-.Ltmp0, $4  }
0x59: {  	v21 =	vor.u32 v18, v17;
	v20 =	vor.u32 v22, v19;
	v18 =	vor.u32 v26, v25  }
0x5a: {  	v19 =	vor.u32 v27, v15;
	v16 =	vor.u32 v30, v16;
	v15 =	vor.u32 v31, v28  }
0x5b: {  	v24 =	vand.u32 $0x7F, v24;
	v22 =	vand.u32 $0x7F, v11;
	v17 =	vor.u32 v23, v29  }
0x5c: {  	s12 =	sadd.s32 $0x80, s12;
	v23 =	vand.u32 $0x7F, v12;
	v12 =	vand.u32 $0x7F, v13;
	v13 =	vand.u32 $0x7F, v14  }
0x5d: {  	vm0 =	vlt.u32 v10, $0x20  }
0x5e: {  	v59 =	vor.u32 v24, v21;
	vm1 =	vlt.u32 v5, $0x20  }
0x5f: {  	v60 =	vor.u32 v22, v20;
	vm2 =	vlt.u32 v9, $0x20  }
0x60: {  	v61 =	vor.u32 v23, v18;
	vm3 =	vlt.u32 v7, $0x20  }
0x61: {  	v62 =	vor.u32 v12, v19;
	vm4 =	vlt.u32 v8, $0x20  }
0x62: {  	v2 =	vand.u32 $0x7F, v2;
	v63 =	vor.u32 v13, v16;
	vm5 =	vlt.u32 v6, $0x20  }
0x63: {  	v3 =	vand.u32 $0x7F, v3;
	vm6 =	vlt.u32 v4, $0x20;
	v2 =	vor.u32 v2, v15;
	[tilespmem:v59+s7+$0x0] =	vst.idx.add.f32.msk vm0, v1  }
0x64: {  	v3 =	vor.u32 v3, v17;
	[tilespmem:v60+s7+$0x0] =	vst.idx.add.f32.msk vm1, v1  }
0x65: {  	[tilespmem:v61+s7+$0x0] =	vst.idx.add.f32.msk vm2, v1  }
0x66: {  	[tilespmem:v62+s7+$0x0] =	vst.idx.add.f32.msk vm3, v1  }
0x67: {  	s10 =	sadd.s32 $0x1, s10;
	[tilespmem:v63+s7+$0x0] =	vst.idx.add.f32.msk vm4, v1  }
0x68: {  	p0 =	sne.s32 s10, s6;
	[tilespmem:v2+s7+$0x0] =	vst.idx.add.f32.msk vm5, v1  }
.Ltmp1:
0x69: {  	[tilespmem:v3+s7+$0x0] =	vst.idx.add.f32.msk vm6, v1;
	(pc) =	sbr.rel @p0 .LBB2_1-.Ltmp1, $4  }
0x6a: {  	[hbm4b:s5+s2] =	stream.linear.scatter [tilespmem:s7], [sflag:$0x2], $0x8000, $0x38;
	[tilespmem:$0x10400] =	vst v63  }
0x6b: {  	_ =	swait.ge [sflag:s9], $0x8000  }
0x6c: {  	[sflag:s9] =	ssyncset.done $0x0  }
0x6d: {  	[sflag:s9] =	ssyncadd.s32 $0xFFFF8000  }
0x6e: {  	_ =	sfence.sel $0x180000  }
0x6f: {  	[bflag:$0x0] =	sbarrier.arrive $0xFFFF  }
0x70: {  	p0 =	sne.s32 s1, $0x0;
	_ =	strace $0x90000047  }
0x71: {  	s0 =	sadd.s32 @!p0 $0x100000, s0;
	[bflag:$0x2] =	sbarrier.arrive $0xFFFF  }
0x72: {  	[sflag:s0] =	ssyncadd.tile.s32 @!p0 $0x1;
	_ =	shalt  }
.Lfunc_end2:
_tile_overlayer_lowered:
.L_overlay_start_2:
0x73: {  	(tag) =	ssettag $0x2  }
0x74: {  	s0 =	rddreg [dreg:$0x0];
	s2 =	stileid.u32  }
0x75: {  	s1 =	rddreg [dreg:$0x1];
	p0 =	sne.s32 s2, $0x0  }
0x76: {  	s3 =	rddreg [dreg:$0x2];
	[bflag:$0x3] =	sbarrier.arrive $0xFFFF;
	s2 =	simm.s32 @!p0 $0x1C02  }
0x77: {  	[timem:s3], [sflag:s2] =	dma.local @!p0 [hbm:s0], s1  }
0x78: {  	s0 =	simm.s32 @!p0 $0x2  }
0x79: {  	_ =	swait.ge @!p0 [sflag:s0], s1  }
0x7a: {  	s1 =	ssub.s32 @!p0 $0x0, s1;
	[sflag:s0] =	ssyncset.done @!p0 $0x0  }
0x7b: {  	[sflag:s0] =	ssyncadd.s32 @!p0 s1  }
0x7c: {  	[bflag:$0x3] =	sbarrier.arrive $0xFFFF  }
0x7d: {  	_ =	shalt  }

</sc_bundles>
